<compile_context>
chip_gen: v7x
topology: tpu7x:2x2x1
jax: 0.10.2.dev20260603
libtpu: 0.0.44.dev20260713+nightly
codegen_flags: <defaults>
</compile_context>

<pallas_src>
import functools

import jax
import jax.numpy as jnp
from jax import lax
from jax.experimental import pallas as pl
from jax.experimental.pallas import tpu as pltpu
from jax.experimental.pallas import tpu_sc as plsc

B, E, N, D = 2, 160000, 10000, 128
NC, NS = 2, 16
CHUNK = 128
ROWS = E // CHUNK
ITERS = -(-ROWS // NS)
ITERS2 = (ITERS + 1) // 2
FB = 80
FBLKS = N // FB
FITERS = -(-FBLKS // NS)

_SC_MESH = plsc.VectorSubcoreMesh(core_axis_name="c", subcore_axis_name="s")


def _p1_body(val, idxr, idxc, ones_hbm, s_row, s_col, c_row, c_col,
             vb0, vb1, ib0, ib1, sv0, sv1, si0, si1, ss0, ss1, acc):
    c = lax.axis_index("c")
    s = lax.axis_index("s")
    zv = jnp.zeros((16,), jnp.float32)
    vb = (vb0, vb1)
    ib = (ib0, ib1)
    sv = (sv0, sv1)
    si = (si0, si1)
    ss = (ss0, ss1)

    for idx_hbm, s_out in ((idxr, s_row), (idxc, s_col)):
        def zfill(i, carry):
            r = i // (D // 16)
            k = i % (D // 16)
            vb0[r, pl.ds(k * 16, 16)] = zv
            return carry

        lax.fori_loop(0, FB * (D // 16), zfill, 0)

        def zero_body(j, carry):
            blk = s + NS * j

            @pl.when(blk < FBLKS)
            def _():
                pltpu.sync_copy(vb0.at[pl.ds(0, FB), :],
                                acc.at[pl.ds(blk * FB, FB), :])

            return carry

        lax.fori_loop(0, FITERS, zero_body, 0)
        plsc.subcore_barrier()

        pltpu.async_copy(val.at[c, pl.ds(s * CHUNK, CHUNK), :], vb[0], sv[0])
        pltpu.async_copy(idx_hbm.at[c, s], ib[0], si[0])

        def chunk_outer(t2, carry):
            for u in (0, 1):
                v = 1 - u
                j2 = 2 * t2 + u
                row = s + NS * j2
                nrow = row + NS

                @pl.when(row < ROWS)
                def _():
                    pltpu.make_async_copy(
                        val.at[c, pl.ds(row * CHUNK, CHUNK), :],
                        vb[u], sv[u]).wait()
                    pltpu.make_async_copy(
                        idx_hbm.at[c, row], ib[u], si[u]).wait()

                @pl.when(jnp.logical_and(row - NS >= 0, row - NS < ROWS))
                def _():
                    pltpu.make_async_copy(vb[v], acc.at[ib[v]],
                                          ss[v]).wait()

                @pl.when(nrow < ROWS)
                def _():
                    pltpu.async_copy(
                        val.at[c, pl.ds(nrow * CHUNK, CHUNK), :],
                        vb[v], sv[v])
                    pltpu.async_copy(idx_hbm.at[c, nrow], ib[v], si[v])

                @pl.when(row < ROWS)
                def _():
                    pltpu.async_copy(vb[u], acc.at[ib[u]], ss[u], add=True)

            return carry

        lax.fori_loop(0, ITERS2, chunk_outer, 0)
        plsc.subcore_barrier()

        def flush_body(j, carry):
            blk = s + NS * j

            @pl.when(blk < FBLKS)
            def _():
                pltpu.sync_copy(acc.at[pl.ds(blk * FB, FB), :],
                                vb0.at[pl.ds(0, FB), :])
                pltpu.sync_copy(vb0.at[pl.ds(0, FB), :],
                                s_out.at[c, pl.ds(blk * FB, FB), :])

            return carry

        lax.fori_loop(0, FITERS, flush_body, 0)
        plsc.subcore_barrier()

    pltpu.sync_copy(ones_hbm, vb0)

    for idx_hbm, c_out in ((idxr, c_row), (idxc, c_col)):
        def zfillc(i, carry):
            r = i // (D // 16)
            k = i % (D // 16)
            vb1[r, pl.ds(k * 16, 16)] = zv
            return carry

        lax.fori_loop(0, FB * (D // 16), zfillc, 0)

        def zero_body_c(j, carry):
            blk = s + NS * j

            @pl.when(blk < FBLKS)
            def _():
                pltpu.sync_copy(vb1.at[pl.ds(0, FB), :],
                                acc.at[pl.ds(blk * FB, FB), :])

            return carry

        lax.fori_loop(0, FITERS, zero_body_c, 0)
        plsc.subcore_barrier()

        pltpu.async_copy(idx_hbm.at[c, s], ib[0], si[0])

        def chunk_outer_c(t2, carry):
            for u in (0, 1):
                v = 1 - u
                j2 = 2 * t2 + u
                row = s + NS * j2
                nrow = row + NS

                @pl.when(row < ROWS)
                def _():
                    pltpu.make_async_copy(
                        idx_hbm.at[c, row], ib[u], si[u]).wait()

                @pl.when(jnp.logical_and(row - NS >= 0, row - NS < ROWS))
                def _():
                    pltpu.make_async_copy(vb0, acc.at[ib[v]],
                                          ss[v]).wait()

                @pl.when(nrow < ROWS)
                def _():
                    pltpu.async_copy(idx_hbm.at[c, nrow], ib[v], si[v])

                @pl.when(row < ROWS)
                def _():
                    pltpu.async_copy(vb0, acc.at[ib[u]], ss[u], add=True)

            return carry

        lax.fori_loop(0, ITERS2, chunk_outer_c, 0)
        plsc.subcore_barrier()

        def flush_body_c(j, carry):
            blk = s + NS * j

            @pl.when(blk < FBLKS)
            def _():
                pltpu.sync_copy(acc.at[pl.ds(blk * FB, FB), :],
                                vb1.at[pl.ds(0, FB), :])
                pltpu.sync_copy(vb1.at[pl.ds(0, FB), :],
                                c_out.at[c, pl.ds(blk * FB, FB), :])

            return carry

        lax.fori_loop(0, FITERS, flush_body_c, 0)
        plsc.subcore_barrier()


_p1 = functools.partial(
    pl.kernel,
    out_type=(
        jax.ShapeDtypeStruct((B, N, D), jnp.float32),
        jax.ShapeDtypeStruct((B, N, D), jnp.float32),
        jax.ShapeDtypeStruct((B, N, D), jnp.float32),
        jax.ShapeDtypeStruct((B, N, D), jnp.float32),
    ),
    mesh=_SC_MESH,
    scratch_types=[
        pltpu.VMEM((CHUNK, D), jnp.float32),
        pltpu.VMEM((CHUNK, D), jnp.float32),
        pltpu.VMEM((CHUNK,), jnp.int32),
        pltpu.VMEM((CHUNK,), jnp.int32),
        pltpu.SemaphoreType.DMA,
        pltpu.SemaphoreType.DMA,
        pltpu.SemaphoreType.DMA,
        pltpu.SemaphoreType.DMA,
        pltpu.SemaphoreType.DMA,
        pltpu.SemaphoreType.DMA,
        pltpu.VMEM_SHARED((N, D), jnp.float32),
    ],
)(_p1_body)


_NB = 5000


def _p2_body(sr_ref, cr_ref, sc_ref, cc_ref, ar_ref, ac_ref,
             tr_ref, tc_ref, ps_ref):
    n = pl.program_id(1)
    sr = sr_ref[0]
    cr = cr_ref[0][:, 0:1] + 1e-9
    sc = sc_ref[0]
    cc = cc_ref[0][:, 0:1] + 1e-9
    tr_ref[0] = jnp.dot(sr / cr, ar_ref[...],
                        preferred_element_type=jnp.float32)
    tc_ref[0] = jnp.dot(sc / cc, ac_ref[...],
                        preferred_element_type=jnp.float32)
    vsum = jnp.broadcast_to(jnp.sum(sr, axis=0, keepdims=True), (8, D))

    @pl.when(n == 0)
    def _():
        ps_ref[0] = vsum

    @pl.when(n != 0)
    def _():
        ps_ref[0] = ps_ref[0] + vsum


def _p2(s_row, c_row, s_col, c_col, a_row_t, a_col_t):
    return pl.pallas_call(
        _p2_body,
        grid=(B, N // _NB),
        in_specs=[
            pl.BlockSpec((1, _NB, D), lambda b, n: (b, n, 0)),
            pl.BlockSpec((1, _NB, D), lambda b, n: (b, n, 0)),
            pl.BlockSpec((1, _NB, D), lambda b, n: (b, n, 0)),
            pl.BlockSpec((1, _NB, D), lambda b, n: (b, n, 0)),
            pl.BlockSpec((D, D), lambda b, n: (0, 0)),
            pl.BlockSpec((D, D), lambda b, n: (0, 0)),
        ],
        out_specs=[
            pl.BlockSpec((1, _NB, D), lambda b, n: (b, n, 0)),
            pl.BlockSpec((1, _NB, D), lambda b, n: (b, n, 0)),
            pl.BlockSpec((1, 8, D), lambda b, n: (b, 0, 0)),
        ],
        out_shape=[
            jax.ShapeDtypeStruct((B, N, D), jnp.float32),
            jax.ShapeDtypeStruct((B, N, D), jnp.float32),
            jax.ShapeDtypeStruct((B, 8, D), jnp.float32),
        ],
    )(s_row, c_row, s_col, c_col, a_row_t, a_col_t)


def _p3a_body(tr, tc, idxr, idxc, out,
              ibr0, ibr1, ibc0, ibc1, ab0, ab1, bb0, bb1,
              sa0, sa1, sb0, sb1, sw0, sw1):
    c = lax.axis_index("c")
    s = lax.axis_index("s")
    ibr = (ibr0, ibr1)
    ibc = (ibc0, ibc1)
    ab = (ab0, ab1)
    bb = (bb0, bb1)
    sa = (sa0, sa1)
    sb = (sb0, sb1)
    sw = (sw0, sw1)

    pltpu.sync_copy(idxr.at[c, s], ibr[0])
    pltpu.sync_copy(idxc.at[c, s], ibc[0])
    pltpu.async_copy(tr.at[ibr[0]], ab[0], sa[0])
    pltpu.async_copy(tc.at[ibc[0]], bb[0], sb[0])

    def outer(t2, carry):
        for u in (0, 1):
            v = 1 - u
            j2 = 2 * t2 + u
            row = s + NS * j2
            nrow = row + NS

            @pl.when(row < ROWS)
            def _():
                pltpu.make_async_copy(tr.at[ibr[u]], ab[u], sa[u]).wait()
                pltpu.make_async_copy(tc.at[ibc[u]], bb[u], sb[u]).wait()

            @pl.when(jnp.logical_and(row - NS >= 0, row - NS < ROWS))
            def _():
                pltpu.make_async_copy(
                    ab[v], out.at[c, pl.ds(0, CHUNK), :], sw[v]).wait()

            @pl.when(nrow < ROWS)
            def _():
                pltpu.sync_copy(idxr.at[c, nrow], ibr[v])
                pltpu.sync_copy(idxc.at[c, nrow], ibc[v])
                pltpu.async_copy(tr.at[ibr[v]], ab[v], sa[v])
                pltpu.async_copy(tc.at[ibc[v]], bb[v], sb[v])

            @pl.when(row < ROWS)
            def _():
                def add_body(r, carry2):
                    for k in range(D // 16):
                        sl = pl.ds(k * 16, 16)
                        ab[u][r, sl] = ab[u][r, sl] + bb[u][r, sl]
                    return carry2

                lax.fori_loop(0, CHUNK, add_body, 0)
                pltpu.async_copy(
                    ab[u], out.at[c, pl.ds(row * CHUNK, CHUNK), :], sw[u])

        return carry

    lax.fori_loop(0, ITERS2, outer, 0)


_p3a = functools.partial(
    pl.kernel,
    out_type=jax.ShapeDtypeStruct((B, E, D), jnp.float32),
    mesh=_SC_MESH,
    scratch_types=[
        pltpu.VMEM((CHUNK,), jnp.int32),
        pltpu.VMEM((CHUNK,), jnp.int32),
        pltpu.VMEM((CHUNK,), jnp.int32),
        pltpu.VMEM((CHUNK,), jnp.int32),
        pltpu.VMEM((CHUNK, D), jnp.float32),
        pltpu.VMEM((CHUNK, D), jnp.float32),
        pltpu.VMEM((CHUNK, D), jnp.float32),
        pltpu.VMEM((CHUNK, D), jnp.float32),
        pltpu.SemaphoreType.DMA,
        pltpu.SemaphoreType.DMA,
        pltpu.SemaphoreType.DMA,
        pltpu.SemaphoreType.DMA,
        pltpu.SemaphoreType.DMA,
        pltpu.SemaphoreType.DMA,
    ],
)(_p3a_body)


_BE = 10000


def _p3b_body(x_ref, ss_ref, a_ref, g_ref, o_ref):
    y = (jnp.dot(x_ref[0], a_ref[...], preferred_element_type=jnp.float32)
         + ss_ref[0] + g_ref[0])
    o_ref[0] = jnp.where(y >= 0, y, 0.01 * y)


def _p3b(value, ssum, a_self_t, g):
    return pl.pallas_call(
        _p3b_body,
        grid=(B, E // _BE),
        in_specs=[
            pl.BlockSpec((1, _BE, D), lambda b, e: (b, e, 0)),
            pl.BlockSpec((1, _BE, D), lambda b, e: (b, e, 0)),
            pl.BlockSpec((D, D), lambda b, e: (0, 0)),
            pl.BlockSpec((1, 1, D), lambda b, e: (b, 0, 0)),
        ],
        out_specs=pl.BlockSpec((1, _BE, D), lambda b, e: (b, e, 0)),
        out_shape=jax.ShapeDtypeStruct((B, E, D), jnp.float32),
    )(value, ssum, a_self_t, g[:, None, :])


def kernel(index, value, W_row, b_row, W_col, b_col, W_glob, b_glob,
           W_self, b_self, W_out, b_out):
    Wo1 = W_out[:, 0:D]
    Wo2 = W_out[:, D:2 * D]
    Wo3 = W_out[:, 2 * D:3 * D]
    Wo4 = W_out[:, 3 * D:4 * D]
    a_self_t = (Wo1 @ W_self).T
    a_row_t = (Wo2 @ W_row).T
    a_col_t = (Wo3 @ W_col).T
    bias = b_out + b_row @ Wo2.T + b_col @ Wo3.T + b_self @ Wo1.T

    idx_row = index[:, :, 0].reshape(B, ROWS, CHUNK)
    idx_col = index[:, :, 1].reshape(B, ROWS, CHUNK)

    s_row, s_col, c_row, c_col = _p1(value, idx_row, idx_col,
                                     jnp.ones((CHUNK, D), jnp.float32))

    tbl_row, tbl_col, psum = _p2(s_row, c_row, s_col, c_col,
                                 a_row_t, a_col_t)

    vmean = psum[:, 0, :] / E
    g = (vmean @ W_glob.T + b_glob) @ Wo4.T + bias

    off = (jnp.arange(B, dtype=jnp.int32) * N)[:, None, None]
    ssum = _p3a(tbl_row.reshape(B * N, D), tbl_col.reshape(B * N, D),
                idx_row + off, idx_col + off)

    out = _p3b(value, ssum, a_self_t, g)
    return (index, out)

# --- scband reference (transcript-rebuilt; emitter-appended) ---
"""Pipeline reference for scband-gnnlayer-3831110828794 (READ-ONLY COPY).

The authoritative reference and input builder live on the scoring server;
editing this copy changes nothing except your own understanding.
"""

import jax, jax.numpy as jnp
import numpy as np

B, E, N, D = 2, 160000, 10000, 128


def _linear(x, W, b):
    return x @ W.T + b


def _sparse_mean(idx, value, ind_max):
    # idx: [B, E] int, value: [B, E, D]; per-batch segment mean, expanded back to edges
    def one(idx_b, val_b):
        s = jax.ops.segment_sum(val_b, idx_b, num_segments=ind_max)
        cnt = jax.ops.segment_sum(jnp.ones(idx_b.shape, jnp.float32), idx_b, num_segments=ind_max) + 1e-9
        mean = s / cnt[:, None]
        return mean[idx_b]
    return jax.vmap(one)(idx, value)


def setup_inputs(seed: int = 0):
    key = jax.random.key(seed)
    ks = jax.random.split(key, 12)
    index = jax.random.randint(ks[0], (B, E, 2), 0, N, dtype=jnp.int32)
    value = jax.random.normal(ks[1], (B, E, D), dtype=jnp.float32)
    s = 0.02
    W_row = jax.random.normal(ks[2], (D, D), dtype=jnp.float32) * s
    b_row = jnp.zeros((D,), jnp.float32)
    W_col = jax.random.normal(ks[3], (D, D), dtype=jnp.float32) * s
    b_col = jnp.zeros((D,), jnp.float32)
    W_glob = jax.random.normal(ks[4], (D, D), dtype=jnp.float32) * s
    b_glob = jnp.zeros((D,), jnp.float32)
    W_self = jax.random.normal(ks[5], (D, D), dtype=jnp.float32) * s
    b_self = jnp.zeros((D,), jnp.float32)
    W_out = jax.random.normal(ks[6], (D, 4 * D), dtype=jnp.float32) * s
    b_out = jnp.zeros((D,), jnp.float32)
    return {"index": index, "value": value, "W_row": W_row, "b_row": b_row,
            "W_col": W_col, "b_col": b_col, "W_glob": W_glob, "b_glob": b_glob,
            "W_self": W_self, "b_self": b_self, "W_out": W_out, "b_out": b_out}


def reference(index, value, W_row, b_row, W_col, b_col, W_glob, b_glob, W_self, b_self, W_out, b_out):
    ind_max = N
    row = _linear(_sparse_mean(index[:, :, 0], value, ind_max), W_row, b_row)
    col = _linear(_sparse_mean(index[:, :, 1], value, ind_max), W_col, b_col)
    glob = _linear(jnp.mean(value, axis=1), W_glob, b_glob)[:, None, :]
    glob = jnp.broadcast_to(glob, value.shape)
    self_t = _linear(value, W_self, b_self)
    stacked = jnp.concatenate([self_t, row, col, glob], axis=2)
    out = jax.nn.leaky_relu(_linear(stacked, W_out, b_out), negative_slope=0.01)
    return (index, out)

if __name__ == "__main__":
    import jax
    _d = setup_inputs()
    print(jax.jit(kernel)(*tuple(_d.values())))

</pallas_src>

<mosaic_0001>
#map = affine_map<(d0, d1) -> (0, 0)>
#map1 = affine_map<(d0, d1) -> (0, 0, 0)>
module attributes {stable_mosaic.version = 14 : i64} {
  func.func @_p3a_body(%arg0: i32, %arg1: i32, %arg2: memref<20000x128xf32, #tpu.memory_space<hbm>>, %arg3: memref<20000x128xf32, #tpu.memory_space<hbm>>, %arg4: memref<2x1250x128xi32, #tpu.memory_space<hbm>>, %arg5: memref<2x1250x128xi32, #tpu.memory_space<hbm>>, %arg6: memref<2x160000x128xf32, #tpu.memory_space<hbm>>, %arg7: memref<128xi32, #tpu.memory_space<vmem>>, %arg8: memref<128xi32, #tpu.memory_space<vmem>>, %arg9: memref<128xi32, #tpu.memory_space<vmem>>, %arg10: memref<128xi32, #tpu.memory_space<vmem>>, %arg11: memref<128x128xf32, #tpu.memory_space<vmem>>, %arg12: memref<128x128xf32, #tpu.memory_space<vmem>>, %arg13: memref<128x128xf32, #tpu.memory_space<vmem>>, %arg14: memref<128x128xf32, #tpu.memory_space<vmem>>, %arg15: memref<!tpu.dma_semaphore, #tpu.memory_space<semaphore_mem>>, %arg16: memref<!tpu.dma_semaphore, #tpu.memory_space<semaphore_mem>>, %arg17: memref<!tpu.dma_semaphore, #tpu.memory_space<semaphore_mem>>, %arg18: memref<!tpu.dma_semaphore, #tpu.memory_space<semaphore_mem>>, %arg19: memref<!tpu.dma_semaphore, #tpu.memory_space<semaphore_mem>>, %arg20: memref<!tpu.dma_semaphore, #tpu.memory_space<semaphore_mem>>) attributes {dimension_semantics = [#tpu.dimension_semantics<core_parallel>, #tpu.dimension_semantics<subcore_parallel>], iteration_bounds = array<i64: 2, 16>, scalar_prefetch = 0 : i64, scratch_operands = 14 : i64, tpu.core_type = #tpu.core_type<sc_vector_subcore>, window_params = [{transform_indices = #map}, {transform_indices = #map}, {transform_indices = #map1}, {transform_indices = #map1}, {transform_indices = #map1}]} {
    "tpu.region"() ({
      %run_scoped3A = tpu.sem_alloc : memref<!tpu.dma_semaphore, #tpu.memory_space<semaphore_mem>>
      %dma_start3A_10 = arith.constant 0 : i32
      %dma_start3A_11 = tpu.memref_slice %arg4[%arg0, %arg1, %dma_start3A_10] : memref<2x1250x128xi32, #tpu.memory_space<hbm>> -> memref<1x1x128xi32, #tpu.memory_space<hbm>>
      %dma_start3A_12 = tpu.memref_squeeze %dma_start3A_11 : memref<1x1x128xi32, #tpu.memory_space<hbm>> -> memref<128xi32, #tpu.memory_space<hbm>>
      %dma_start3A_13 = arith.constant 0 : i32
      %dma_start3A_14 = tpu.memref_slice %arg4[%arg0, %arg1, %dma_start3A_13] : memref<2x1250x128xi32, #tpu.memory_space<hbm>> -> memref<1x1x128xi32, #tpu.memory_space<hbm>>
      %dma_start3A_15 = tpu.memref_squeeze %dma_start3A_14 : memref<1x1x128xi32, #tpu.memory_space<hbm>> -> memref<128xi32, #tpu.memory_space<hbm>>
      tpu.enqueue_dma source(%dma_start3A_15 : memref<128xi32, #tpu.memory_space<hbm>>) target(%arg7 : memref<128xi32, #tpu.memory_space<vmem>>) target_semaphore(%run_scoped3A : memref<!tpu.dma_semaphore, #tpu.memory_space<semaphore_mem>>)
      %dma_wait3A = arith.constant 0 : i32
      %dma_wait3A_16 = tpu.memref_slice %arg4[%arg0, %arg1, %dma_wait3A] : memref<2x1250x128xi32, #tpu.memory_space<hbm>> -> memref<1x1x128xi32, #tpu.memory_space<hbm>>
      %dma_wait3A_17 = tpu.memref_squeeze %dma_wait3A_16 : memref<1x1x128xi32, #tpu.memory_space<hbm>> -> memref<128xi32, #tpu.memory_space<hbm>>
      %dma_wait3A_18 = arith.constant 0 : i32
      %dma_wait3A_19 = tpu.memref_slice %arg4[%arg0, %arg1, %dma_wait3A_18] : memref<2x1250x128xi32, #tpu.memory_space<hbm>> -> memref<1x1x128xi32, #tpu.memory_space<hbm>>
      %dma_wait3A_20 = tpu.memref_squeeze %dma_wait3A_19 : memref<1x1x128xi32, #tpu.memory_space<hbm>> -> memref<128xi32, #tpu.memory_space<hbm>>
      tpu.wait_dma2 semaphore(%run_scoped3A : memref<!tpu.dma_semaphore, #tpu.memory_space<semaphore_mem>>) src(%dma_wait3A_20 : memref<128xi32, #tpu.memory_space<hbm>>) dst(%arg7 : memref<128xi32, #tpu.memory_space<vmem>>)
      tpu.yield
    }) : () -> ()
    "tpu.region"() ({
      %run_scoped3A = tpu.sem_alloc : memref<!tpu.dma_semaphore, #tpu.memory_space<semaphore_mem>>
      %dma_start3A_10 = arith.constant 0 : i32
      %dma_start3A_11 = tpu.memref_slice %arg5[%arg0, %arg1, %dma_start3A_10] : memref<2x1250x128xi32, #tpu.memory_space<hbm>> -> memref<1x1x128xi32, #tpu.memory_space<hbm>>
      %dma_start3A_12 = tpu.memref_squeeze %dma_start3A_11 : memref<1x1x128xi32, #tpu.memory_space<hbm>> -> memref<128xi32, #tpu.memory_space<hbm>>
      %dma_start3A_13 = arith.constant 0 : i32
      %dma_start3A_14 = tpu.memref_slice %arg5[%arg0, %arg1, %dma_start3A_13] : memref<2x1250x128xi32, #tpu.memory_space<hbm>> -> memref<1x1x128xi32, #tpu.memory_space<hbm>>
      %dma_start3A_15 = tpu.memref_squeeze %dma_start3A_14 : memref<1x1x128xi32, #tpu.memory_space<hbm>> -> memref<128xi32, #tpu.memory_space<hbm>>
      tpu.enqueue_dma source(%dma_start3A_15 : memref<128xi32, #tpu.memory_space<hbm>>) target(%arg9 : memref<128xi32, #tpu.memory_space<vmem>>) target_semaphore(%run_scoped3A : memref<!tpu.dma_semaphore, #tpu.memory_space<semaphore_mem>>)
      %dma_wait3A = arith.constant 0 : i32
      %dma_wait3A_16 = tpu.memref_slice %arg5[%arg0, %arg1, %dma_wait3A] : memref<2x1250x128xi32, #tpu.memory_space<hbm>> -> memref<1x1x128xi32, #tpu.memory_space<hbm>>
      %dma_wait3A_17 = tpu.memref_squeeze %dma_wait3A_16 : memref<1x1x128xi32, #tpu.memory_space<hbm>> -> memref<128xi32, #tpu.memory_space<hbm>>
      %dma_wait3A_18 = arith.constant 0 : i32
      %dma_wait3A_19 = tpu.memref_slice %arg5[%arg0, %arg1, %dma_wait3A_18] : memref<2x1250x128xi32, #tpu.memory_space<hbm>> -> memref<1x1x128xi32, #tpu.memory_space<hbm>>
      %dma_wait3A_20 = tpu.memref_squeeze %dma_wait3A_19 : memref<1x1x128xi32, #tpu.memory_space<hbm>> -> memref<128xi32, #tpu.memory_space<hbm>>
      tpu.wait_dma2 semaphore(%run_scoped3A : memref<!tpu.dma_semaphore, #tpu.memory_space<semaphore_mem>>) src(%dma_wait3A_20 : memref<128xi32, #tpu.memory_space<hbm>>) dst(%arg9 : memref<128xi32, #tpu.memory_space<vmem>>)
      tpu.yield
    }) : () -> ()
    %dma_start3A = arith.constant 0 : i32
    %dma_start3A_0 = arith.constant 0 : i32
    %dma_start3A_1 = tpu.memref_slice %arg2[%dma_start3A, %dma_start3A_0] : memref<20000x128xf32, #tpu.memory_space<hbm>> -> memref<20000x128xf32, #tpu.memory_space<hbm>>
    tpu.enqueue_indirect_dma source(%dma_start3A_1 : memref<20000x128xf32, #tpu.memory_space<hbm>>) target(%arg11 : memref<128x128xf32, #tpu.memory_space<vmem>>) offsets(%arg7 : memref<128xi32, #tpu.memory_space<vmem>>) semaphore(%arg15 : memref<!tpu.dma_semaphore, #tpu.memory_space<semaphore_mem>>)
    %dma_start3A_2 = arith.constant 0 : i32
    %dma_start3A_3 = arith.constant 0 : i32
    %dma_start3A_4 = tpu.memref_slice %arg3[%dma_start3A_2, %dma_start3A_3] : memref<20000x128xf32, #tpu.memory_space<hbm>> -> memref<20000x128xf32, #tpu.memory_space<hbm>>
    tpu.enqueue_indirect_dma source(%dma_start3A_4 : memref<20000x128xf32, #tpu.memory_space<hbm>>) target(%arg13 : memref<128x128xf32, #tpu.memory_space<vmem>>) offsets(%arg9 : memref<128xi32, #tpu.memory_space<vmem>>) semaphore(%arg17 : memref<!tpu.dma_semaphore, #tpu.memory_space<semaphore_mem>>)
    %scan3A = arith.constant 0 : i32
    %scan3A_5 = arith.constant 0 : i32
    %scan3A_6 = arith.constant 40 : i32
    %scan3A_7 = arith.addi %scan3A_5, %scan3A_6 : i32
    %scan3A_8 = arith.constant 1 : i32
    scf.for %scan3A_10 = %scan3A_5 to %scan3A_7 step %scan3A_8  : i32 {
      %mul3A = arith.constant 2 : i32
      %mul3A_11 = arith.muli %mul3A, %scan3A_10 : i32
      %add3A = arith.constant 0 : i32
      %add3A_12 = arith.addi %mul3A_11, %add3A : i32
      %mul3A_13 = arith.constant 16 : i32
      %mul3A_14 = arith.muli %mul3A_13, %add3A_12 : i32
      %add3A_15 = arith.addi %arg1, %mul3A_14 : i32
      %add3A_16 = arith.constant 16 : i32
      %add3A_17 = arith.addi %add3A_15, %add3A_16 : i32
      %lt3A = arith.constant 1250 : i32
      %lt3A_18 = arith.cmpi slt, %add3A_15, %lt3A : i32
      %convert_element_type3A = arith.extui %lt3A_18 : i1 to i32
      %cond3A = arith.constant 0 : i32
      %cond3A_19 = arith.cmpi ne, %convert_element_type3A, %cond3A : i32
      scf.if %cond3A_19 {
        %dma_wait3A = arith.constant 0 : i32
        %dma_wait3A_75 = arith.constant 0 : i32
        %dma_wait3A_76 = tpu.memref_slice %arg2[%dma_wait3A, %dma_wait3A_75] : memref<20000x128xf32, #tpu.memory_space<hbm>> -> memref<20000x128xf32, #tpu.memory_space<hbm>>
        tpu.wait_indirect_dma semaphore(%arg15 : memref<!tpu.dma_semaphore, #tpu.memory_space<semaphore_mem>>) src(%dma_wait3A_76 : memref<20000x128xf32, #tpu.memory_space<hbm>>) dst(%arg11 : memref<128x128xf32, #tpu.memory_space<vmem>>)
        %dma_wait3A_77 = arith.constant 0 : i32
        %dma_wait3A_78 = arith.constant 0 : i32
        %dma_wait3A_79 = tpu.memref_slice %arg3[%dma_wait3A_77, %dma_wait3A_78] : memref<20000x128xf32, #tpu.memory_space<hbm>> -> memref<20000x128xf32, #tpu.memory_space<hbm>>
        tpu.wait_indirect_dma semaphore(%arg17 : memref<!tpu.dma_semaphore, #tpu.memory_space<semaphore_mem>>) src(%dma_wait3A_79 : memref<20000x128xf32, #tpu.memory_space<hbm>>) dst(%arg13 : memref<128x128xf32, #tpu.memory_space<vmem>>)
      } else {
      }
      %sub3A = arith.constant 16 : i32
      %sub3A_20 = arith.subi %add3A_15, %sub3A : i32
      %ge3A = arith.constant 0 : i32
      %ge3A_21 = arith.cmpi sge, %sub3A_20, %ge3A : i32
      %sub3A_22 = arith.constant 16 : i32
      %sub3A_23 = arith.subi %add3A_15, %sub3A_22 : i32
      %lt3A_24 = arith.constant 1250 : i32
      %lt3A_25 = arith.cmpi slt, %sub3A_23, %lt3A_24 : i32
      %and3A = arith.andi %ge3A_21, %lt3A_25 : i1
      %convert_element_type3A_26 = arith.extui %and3A : i1 to i32
      %cond3A_27 = arith.constant 0 : i32
      %cond3A_28 = arith.cmpi ne, %convert_element_type3A_26, %cond3A_27 : i32
      scf.if %cond3A_28 {
        %dma_wait3A = arith.constant 0 : i32
        %dma_wait3A_75 = arith.constant 0 : i32
        %dma_wait3A_76 = tpu.memref_slice %arg6[%arg0, %dma_wait3A, %dma_wait3A_75] : memref<2x160000x128xf32, #tpu.memory_space<hbm>> -> memref<1x128x128xf32, #tpu.memory_space<hbm>>
        %dma_wait3A_77 = tpu.memref_squeeze %dma_wait3A_76 : memref<1x128x128xf32, #tpu.memory_space<hbm>> -> memref<128x128xf32, #tpu.memory_space<hbm>>
        %dma_wait3A_78 = arith.constant 0 : i32
        %dma_wait3A_79 = arith.constant 0 : i32
        %dma_wait3A_80 = tpu.memref_slice %arg6[%arg0, %dma_wait3A_78, %dma_wait3A_79] : memref<2x160000x128xf32, #tpu.memory_space<hbm>> -> memref<1x128x128xf32, #tpu.memory_space<hbm>>
        %dma_wait3A_81 = tpu.memref_squeeze %dma_wait3A_80 : memref<1x128x128xf32, #tpu.memory_space<hbm>> -> memref<128x128xf32, #tpu.memory_space<hbm>>
        tpu.wait_dma2 semaphore(%arg20 : memref<!tpu.dma_semaphore, #tpu.memory_space<semaphore_mem>>) src(%arg12 : memref<128x128xf32, #tpu.memory_space<vmem>>) dst(%dma_wait3A_81 : memref<128x128xf32, #tpu.memory_space<hbm>>)
      } else {
      }
      %lt3A_29 = arith.constant 1250 : i32
      %lt3A_30 = arith.cmpi slt, %add3A_17, %lt3A_29 : i32
      %convert_element_type3A_31 = arith.extui %lt3A_30 : i1 to i32
      %cond3A_32 = arith.constant 0 : i32
      %cond3A_33 = arith.cmpi ne, %convert_element_type3A_31, %cond3A_32 : i32
      scf.if %cond3A_33 {
        "tpu.region"() ({
          %run_scoped3A = tpu.sem_alloc : memref<!tpu.dma_semaphore, #tpu.memory_space<semaphore_mem>>
          %dma_start3A_81 = arith.constant 0 : i32
          %dma_start3A_82 = tpu.memref_slice %arg4[%arg0, %add3A_17, %dma_start3A_81] : memref<2x1250x128xi32, #tpu.memory_space<hbm>> -> memref<1x1x128xi32, #tpu.memory_space<hbm>>
          %dma_start3A_83 = tpu.memref_squeeze %dma_start3A_82 : memref<1x1x128xi32, #tpu.memory_space<hbm>> -> memref<128xi32, #tpu.memory_space<hbm>>
          %dma_start3A_84 = arith.constant 0 : i32
          %dma_start3A_85 = tpu.memref_slice %arg4[%arg0, %add3A_17, %dma_start3A_84] : memref<2x1250x128xi32, #tpu.memory_space<hbm>> -> memref<1x1x128xi32, #tpu.memory_space<hbm>>
          %dma_start3A_86 = tpu.memref_squeeze %dma_start3A_85 : memref<1x1x128xi32, #tpu.memory_space<hbm>> -> memref<128xi32, #tpu.memory_space<hbm>>
          tpu.enqueue_dma source(%dma_start3A_86 : memref<128xi32, #tpu.memory_space<hbm>>) target(%arg8 : memref<128xi32, #tpu.memory_space<vmem>>) target_semaphore(%run_scoped3A : memref<!tpu.dma_semaphore, #tpu.memory_space<semaphore_mem>>)
          %dma_wait3A = arith.constant 0 : i32
          %dma_wait3A_87 = tpu.memref_slice %arg4[%arg0, %add3A_17, %dma_wait3A] : memref<2x1250x128xi32, #tpu.memory_space<hbm>> -> memref<1x1x128xi32, #tpu.memory_space<hbm>>
          %dma_wait3A_88 = tpu.memref_squeeze %dma_wait3A_87 : memref<1x1x128xi32, #tpu.memory_space<hbm>> -> memref<128xi32, #tpu.memory_space<hbm>>
          %dma_wait3A_89 = arith.constant 0 : i32
          %dma_wait3A_90 = tpu.memref_slice %arg4[%arg0, %add3A_17, %dma_wait3A_89] : memref<2x1250x128xi32, #tpu.memory_space<hbm>> -> memref<1x1x128xi32, #tpu.memory_space<hbm>>
          %dma_wait3A_91 = tpu.memref_squeeze %dma_wait3A_90 : memref<1x1x128xi32, #tpu.memory_space<hbm>> -> memref<128xi32, #tpu.memory_space<hbm>>
          tpu.wait_dma2 semaphore(%run_scoped3A : memref<!tpu.dma_semaphore, #tpu.memory_space<semaphore_mem>>) src(%dma_wait3A_91 : memref<128xi32, #tpu.memory_space<hbm>>) dst(%arg8 : memref<128xi32, #tpu.memory_space<vmem>>)
          tpu.yield
        }) : () -> ()
        "tpu.region"() ({
          %run_scoped3A = tpu.sem_alloc : memref<!tpu.dma_semaphore, #tpu.memory_space<semaphore_mem>>
          %dma_start3A_81 = arith.constant 0 : i32
          %dma_start3A_82 = tpu.memref_slice %arg5[%arg0, %add3A_17, %dma_start3A_81] : memref<2x1250x128xi32, #tpu.memory_space<hbm>> -> memref<1x1x128xi32, #tpu.memory_space<hbm>>
          %dma_start3A_83 = tpu.memref_squeeze %dma_start3A_82 : memref<1x1x128xi32, #tpu.memory_space<hbm>> -> memref<128xi32, #tpu.memory_space<hbm>>
          %dma_start3A_84 = arith.constant 0 : i32
          %dma_start3A_85 = tpu.memref_slice %arg5[%arg0, %add3A_17, %dma_start3A_84] : memref<2x1250x128xi32, #tpu.memory_space<hbm>> -> memref<1x1x128xi32, #tpu.memory_space<hbm>>
          %dma_start3A_86 = tpu.memref_squeeze %dma_start3A_85 : memref<1x1x128xi32, #tpu.memory_space<hbm>> -> memref<128xi32, #tpu.memory_space<hbm>>
          tpu.enqueue_dma source(%dma_start3A_86 : memref<128xi32, #tpu.memory_space<hbm>>) target(%arg10 : memref<128xi32, #tpu.memory_space<vmem>>) target_semaphore(%run_scoped3A : memref<!tpu.dma_semaphore, #tpu.memory_space<semaphore_mem>>)
          %dma_wait3A = arith.constant 0 : i32
          %dma_wait3A_87 = tpu.memref_slice %arg5[%arg0, %add3A_17, %dma_wait3A] : memref<2x1250x128xi32, #tpu.memory_space<hbm>> -> memref<1x1x128xi32, #tpu.memory_space<hbm>>
          %dma_wait3A_88 = tpu.memref_squeeze %dma_wait3A_87 : memref<1x1x128xi32, #tpu.memory_space<hbm>> -> memref<128xi32, #tpu.memory_space<hbm>>
          %dma_wait3A_89 = arith.constant 0 : i32
          %dma_wait3A_90 = tpu.memref_slice %arg5[%arg0, %add3A_17, %dma_wait3A_89] : memref<2x1250x128xi32, #tpu.memory_space<hbm>> -> memref<1x1x128xi32, #tpu.memory_space<hbm>>
          %dma_wait3A_91 = tpu.memref_squeeze %dma_wait3A_90 : memref<1x1x128xi32, #tpu.memory_space<hbm>> -> memref<128xi32, #tpu.memory_space<hbm>>
          tpu.wait_dma2 semaphore(%run_scoped3A : memref<!tpu.dma_semaphore, #tpu.memory_space<semaphore_mem>>) src(%dma_wait3A_91 : memref<128xi32, #tpu.memory_space<hbm>>) dst(%arg10 : memref<128xi32, #tpu.memory_space<vmem>>)
          tpu.yield
        }) : () -> ()
        %dma_start3A_75 = arith.constant 0 : i32
        %dma_start3A_76 = arith.constant 0 : i32
        %dma_start3A_77 = tpu.memref_slice %arg2[%dma_start3A_75, %dma_start3A_76] : memref<20000x128xf32, #tpu.memory_space<hbm>> -> memref<20000x128xf32, #tpu.memory_space<hbm>>
        tpu.enqueue_indirect_dma source(%dma_start3A_77 : memref<20000x128xf32, #tpu.memory_space<hbm>>) target(%arg12 : memref<128x128xf32, #tpu.memory_space<vmem>>) offsets(%arg8 : memref<128xi32, #tpu.memory_space<vmem>>) semaphore(%arg16 : memref<!tpu.dma_semaphore, #tpu.memory_space<semaphore_mem>>)
        %dma_start3A_78 = arith.constant 0 : i32
        %dma_start3A_79 = arith.constant 0 : i32
        %dma_start3A_80 = tpu.memref_slice %arg3[%dma_start3A_78, %dma_start3A_79] : memref<20000x128xf32, #tpu.memory_space<hbm>> -> memref<20000x128xf32, #tpu.memory_space<hbm>>
        tpu.enqueue_indirect_dma source(%dma_start3A_80 : memref<20000x128xf32, #tpu.memory_space<hbm>>) target(%arg14 : memref<128x128xf32, #tpu.memory_space<vmem>>) offsets(%arg10 : memref<128xi32, #tpu.memory_space<vmem>>) semaphore(%arg18 : memref<!tpu.dma_semaphore, #tpu.memory_space<semaphore_mem>>)
      } else {
      }
      %lt3A_34 = arith.constant 1250 : i32
      %lt3A_35 = arith.cmpi slt, %add3A_15, %lt3A_34 : i32
      %convert_element_type3A_36 = arith.extui %lt3A_35 : i1 to i32
      %cond3A_37 = arith.constant 0 : i32
      %cond3A_38 = arith.cmpi ne, %convert_element_type3A_36, %cond3A_37 : i32
      scf.if %cond3A_38 {
        %scan3A_75 = arith.constant 0 : i32
        %scan3A_76 = arith.constant 0 : i32
        %scan3A_77 = arith.constant 128 : i32
        %scan3A_78 = arith.addi %scan3A_76, %scan3A_77 : i32
        %scan3A_79 = arith.constant 1 : i32
        scf.for %scan3A_89 = %scan3A_76 to %scan3A_78 step %scan3A_79  : i32 {
          %get3A = arith.index_cast %scan3A_89 : i32 to index
          %get3A_90 = arith.constant 0 : index
          %get3A_91 = tpu.vector_load %arg11[%get3A, %get3A_90] {strides = array<i32>} : memref<128x128xf32, #tpu.memory_space<vmem>>, vector<1x16xf32>,
          %get3A_92 = vector.shape_cast %get3A_91 : vector<1x16xf32> to vector<16xf32>
          %get3A_93 = arith.index_cast %scan3A_89 : i32 to index
          %get3A_94 = arith.constant 0 : index
          %get3A_95 = tpu.vector_load %arg13[%get3A_93, %get3A_94] {strides = array<i32>} : memref<128x128xf32, #tpu.memory_space<vmem>>, vector<1x16xf32>,
          %get3A_96 = vector.shape_cast %get3A_95 : vector<1x16xf32> to vector<16xf32>
          %add3A_97 = arith.addf %get3A_92, %get3A_96 : vector<16xf32>
          %swap3A = arith.index_cast %scan3A_89 : i32 to index
          %swap3A_98 = arith.constant 0 : index
          %swap3A_99 = tpu.vector_load %arg11[%swap3A, %swap3A_98] {strides = array<i32>} : memref<128x128xf32, #tpu.memory_space<vmem>>, vector<1x16xf32>,
          %swap3A_100 = vector.shape_cast %swap3A_99 : vector<1x16xf32> to vector<16xf32>
          %swap3A_101 = vector.shape_cast %add3A_97 : vector<16xf32> to vector<1x16xf32>
          tpu.vector_store %arg11[%swap3A, %swap3A_98], %swap3A_101 {strides = array<i32>} : memref<128x128xf32, #tpu.memory_space<vmem>>, vector<1x16xf32>,
          %get3A_102 = arith.index_cast %scan3A_89 : i32 to index
          %get3A_103 = arith.constant 16 : index
          %get3A_104 = tpu.vector_load %arg11[%get3A_102, %get3A_103] {strides = array<i32>} : memref<128x128xf32, #tpu.memory_space<vmem>>, vector<1x16xf32>,
          %get3A_105 = vector.shape_cast %get3A_104 : vector<1x16xf32> to vector<16xf32>
          %get3A_106 = arith.index_cast %scan3A_89 : i32 to index
          %get3A_107 = arith.constant 16 : index
          %get3A_108 = tpu.vector_load %arg13[%get3A_106, %get3A_107] {strides = array<i32>} : memref<128x128xf32, #tpu.memory_space<vmem>>, vector<1x16xf32>,
          %get3A_109 = vector.shape_cast %get3A_108 : vector<1x16xf32> to vector<16xf32>
          %add3A_110 = arith.addf %get3A_105, %get3A_109 : vector<16xf32>
          %swap3A_111 = arith.index_cast %scan3A_89 : i32 to index
          %swap3A_112 = arith.constant 16 : index
          %swap3A_113 = tpu.vector_load %arg11[%swap3A_111, %swap3A_112] {strides = array<i32>} : memref<128x128xf32, #tpu.memory_space<vmem>>, vector<1x16xf32>,
          %swap3A_114 = vector.shape_cast %swap3A_113 : vector<1x16xf32> to vector<16xf32>
          %swap3A_115 = vector.shape_cast %add3A_110 : vector<16xf32> to vector<1x16xf32>
          tpu.vector_store %arg11[%swap3A_111, %swap3A_112], %swap3A_115 {strides = array<i32>} : memref<128x128xf32, #tpu.memory_space<vmem>>, vector<1x16xf32>,
          %get3A_116 = arith.index_cast %scan3A_89 : i32 to index
          %get3A_117 = arith.constant 32 : index
          %get3A_118 = tpu.vector_load %arg11[%get3A_116, %get3A_117] {strides = array<i32>} : memref<128x128xf32, #tpu.memory_space<vmem>>, vector<1x16xf32>,
          %get3A_119 = vector.shape_cast %get3A_118 : vector<1x16xf32> to vector<16xf32>
          %get3A_120 = arith.index_cast %scan3A_89 : i32 to index
          %get3A_121 = arith.constant 32 : index
          %get3A_122 = tpu.vector_load %arg13[%get3A_120, %get3A_121] {strides = array<i32>} : memref<128x128xf32, #tpu.memory_space<vmem>>, vector<1x16xf32>,
          %get3A_123 = vector.shape_cast %get3A_122 : vector<1x16xf32> to vector<16xf32>
          %add3A_124 = arith.addf %get3A_119, %get3A_123 : vector<16xf32>
          %swap3A_125 = arith.index_cast %scan3A_89 : i32 to index
          %swap3A_126 = arith.constant 32 : index
          %swap3A_127 = tpu.vector_load %arg11[%swap3A_125, %swap3A_126] {strides = array<i32>} : memref<128x128xf32, #tpu.memory_space<vmem>>, vector<1x16xf32>,
          %swap3A_128 = vector.shape_cast %swap3A_127 : vector<1x16xf32> to vector<16xf32>
          %swap3A_129 = vector.shape_cast %add3A_124 : vector<16xf32> to vector<1x16xf32>
          tpu.vector_store %arg11[%swap3A_125, %swap3A_126], %swap3A_129 {strides = array<i32>} : memref<128x128xf32, #tpu.memory_space<vmem>>, vector<1x16xf32>,
          %get3A_130 = arith.index_cast %scan3A_89 : i32 to index
          %get3A_131 = arith.constant 48 : index
          %get3A_132 = tpu.vector_load %arg11[%get3A_130, %get3A_131] {strides = array<i32>} : memref<128x128xf32, #tpu.memory_space<vmem>>, vector<1x16xf32>,
          %get3A_133 = vector.shape_cast %get3A_132 : vector<1x16xf32> to vector<16xf32>
          %get3A_134 = arith.index_cast %scan3A_89 : i32 to index
          %get3A_135 = arith.constant 48 : index
          %get3A_136 = tpu.vector_load %arg13[%get3A_134, %get3A_135] {strides = array<i32>} : memref<128x128xf32, #tpu.memory_space<vmem>>, vector<1x16xf32>,
          %get3A_137 = vector.shape_cast %get3A_136 : vector<1x16xf32> to vector<16xf32>
          %add3A_138 = arith.addf %get3A_133, %get3A_137 : vector<16xf32>
          %swap3A_139 = arith.index_cast %scan3A_89 : i32 to index
          %swap3A_140 = arith.constant 48 : index
          %swap3A_141 = tpu.vector_load %arg11[%swap3A_139, %swap3A_140] {strides = array<i32>} : memref<128x128xf32, #tpu.memory_space<vmem>>, vector<1x16xf32>,
          %swap3A_142 = vector.shape_cast %swap3A_141 : vector<1x16xf32> to vector<16xf32>
          %swap3A_143 = vector.shape_cast %add3A_138 : vector<16xf32> to vector<1x16xf32>
          tpu.vector_store %arg11[%swap3A_139, %swap3A_140], %swap3A_143 {strides = array<i32>} : memref<128x128xf32, #tpu.memory_space<vmem>>, vector<1x16xf32>,
          %get3A_144 = arith.index_cast %scan3A_89 : i32 to index
          %get3A_145 = arith.constant 64 : index
          %get3A_146 = tpu.vector_load %arg11[%get3A_144, %get3A_145] {strides = array<i32>} : memref<128x128xf32, #tpu.memory_space<vmem>>, vector<1x16xf32>,
          %get3A_147 = vector.shape_cast %get3A_146 : vector<1x16xf32> to vector<16xf32>
          %get3A_148 = arith.index_cast %scan3A_89 : i32 to index
          %get3A_149 = arith.constant 64 : index
          %get3A_150 = tpu.vector_load %arg13[%get3A_148, %get3A_149] {strides = array<i32>} : memref<128x128xf32, #tpu.memory_space<vmem>>, vector<1x16xf32>,
          %get3A_151 = vector.shape_cast %get3A_150 : vector<1x16xf32> to vector<16xf32>
          %add3A_152 = arith.addf %get3A_147, %get3A_151 : vector<16xf32>
          %swap3A_153 = arith.index_cast %scan3A_89 : i32 to index
          %swap3A_154 = arith.constant 64 : index
          %swap3A_155 = tpu.vector_load %arg11[%swap3A_153, %swap3A_154] {strides = array<i32>} : memref<128x128xf32, #tpu.memory_space<vmem>>, vector<1x16xf32>,
          %swap3A_156 = vector.shape_cast %swap3A_155 : vector<1x16xf32> to vector<16xf32>
          %swap3A_157 = vector.shape_cast %add3A_152 : vector<16xf32> to vector<1x16xf32>
          tpu.vector_store %arg11[%swap3A_153, %swap3A_154], %swap3A_157 {strides = array<i32>} : memref<128x128xf32, #tpu.memory_space<vmem>>, vector<1x16xf32>,
          %get3A_158 = arith.index_cast %scan3A_89 : i32 to index
          %get3A_159 = arith.constant 80 : index
          %get3A_160 = tpu.vector_load %arg11[%get3A_158, %get3A_159] {strides = array<i32>} : memref<128x128xf32, #tpu.memory_space<vmem>>, vector<1x16xf32>,
          %get3A_161 = vector.shape_cast %get3A_160 : vector<1x16xf32> to vector<16xf32>
          %get3A_162 = arith.index_cast %scan3A_89 : i32 to index
          %get3A_163 = arith.constant 80 : index
          %get3A_164 = tpu.vector_load %arg13[%get3A_162, %get3A_163] {strides = array<i32>} : memref<128x128xf32, #tpu.memory_space<vmem>>, vector<1x16xf32>,
          %get3A_165 = vector.shape_cast %get3A_164 : vector<1x16xf32> to vector<16xf32>
          %add3A_166 = arith.addf %get3A_161, %get3A_165 : vector<16xf32>
          %swap3A_167 = arith.index_cast %scan3A_89 : i32 to index
          %swap3A_168 = arith.constant 80 : index
          %swap3A_169 = tpu.vector_load %arg11[%swap3A_167, %swap3A_168] {strides = array<i32>} : memref<128x128xf32, #tpu.memory_space<vmem>>, vector<1x16xf32>,
          %swap3A_170 = vector.shape_cast %swap3A_169 : vector<1x16xf32> to vector<16xf32>
          %swap3A_171 = vector.shape_cast %add3A_166 : vector<16xf32> to vector<1x16xf32>
          tpu.vector_store %arg11[%swap3A_167, %swap3A_168], %swap3A_171 {strides = array<i32>} : memref<128x128xf32, #tpu.memory_space<vmem>>, vector<1x16xf32>,
          %get3A_172 = arith.index_cast %scan3A_89 : i32 to index
          %get3A_173 = arith.constant 96 : index
          %get3A_174 = tpu.vector_load %arg11[%get3A_172, %get3A_173] {strides = array<i32>} : memref<128x128xf32, #tpu.memory_space<vmem>>, vector<1x16xf32>,
          %get3A_175 = vector.shape_cast %get3A_174 : vector<1x16xf32> to vector<16xf32>
          %get3A_176 = arith.index_cast %scan3A_89 : i32 to index
          %get3A_177 = arith.constant 96 : index
          %get3A_178 = tpu.vector_load %arg13[%get3A_176, %get3A_177] {strides = array<i32>} : memref<128x128xf32, #tpu.memory_space<vmem>>, vector<1x16xf32>,
          %get3A_179 = vector.shape_cast %get3A_178 : vector<1x16xf32> to vector<16xf32>
          %add3A_180 = arith.addf %get3A_175, %get3A_179 : vector<16xf32>
          %swap3A_181 = arith.index_cast %scan3A_89 : i32 to index
          %swap3A_182 = arith.constant 96 : index
          %swap3A_183 = tpu.vector_load %arg11[%swap3A_181, %swap3A_182] {strides = array<i32>} : memref<128x128xf32, #tpu.memory_space<vmem>>, vector<1x16xf32>,
          %swap3A_184 = vector.shape_cast %swap3A_183 : vector<1x16xf32> to vector<16xf32>
          %swap3A_185 = vector.shape_cast %add3A_180 : vector<16xf32> to vector<1x16xf32>
          tpu.vector_store %arg11[%swap3A_181, %swap3A_182], %swap3A_185 {strides = array<i32>} : memref<128x128xf32, #tpu.memory_space<vmem>>, vector<1x16xf32>,
          %get3A_186 = arith.index_cast %scan3A_89 : i32 to index
          %get3A_187 = arith.constant 112 : index
          %get3A_188 = tpu.vector_load %arg11[%get3A_186, %get3A_187] {strides = array<i32>} : memref<128x128xf32, #tpu.memory_space<vmem>>, vector<1x16xf32>,
          %get3A_189 = vector.shape_cast %get3A_188 : vector<1x16xf32> to vector<16xf32>
          %get3A_190 = arith.index_cast %scan3A_89 : i32 to index
          %get3A_191 = arith.constant 112 : index
          %get3A_192 = tpu.vector_load %arg13[%get3A_190, %get3A_191] {strides = array<i32>} : memref<128x128xf32, #tpu.memory_space<vmem>>, vector<1x16xf32>,
          %get3A_193 = vector.shape_cast %get3A_192 : vector<1x16xf32> to vector<16xf32>
          %add3A_194 = arith.addf %get3A_189, %get3A_193 : vector<16xf32>
          %swap3A_195 = arith.index_cast %scan3A_89 : i32 to index
          %swap3A_196 = arith.constant 112 : index
          %swap3A_197 = tpu.vector_load %arg11[%swap3A_195, %swap3A_196] {strides = array<i32>} : memref<128x128xf32, #tpu.memory_space<vmem>>, vector<1x16xf32>,
          %swap3A_198 = vector.shape_cast %swap3A_197 : vector<1x16xf32> to vector<16xf32>
          %swap3A_199 = vector.shape_cast %add3A_194 : vector<16xf32> to vector<1x16xf32>
          tpu.vector_store %arg11[%swap3A_195, %swap3A_196], %swap3A_199 {strides = array<i32>} : memref<128x128xf32, #tpu.memory_space<vmem>>, vector<1x16xf32>,
        }
        %scan3A_80 = arith.constant 128 : i32
        %mul3A_81 = arith.constant 128 : i32
        %mul3A_82 = arith.muli %add3A_15, %mul3A_81 : i32
        %dma_start3A_83 = arith.constant 0 : i32
        %dma_start3A_84 = tpu.memref_slice %arg6[%arg0, %mul3A_82, %dma_start3A_83] : memref<2x160000x128xf32, #tpu.memory_space<hbm>> -> memref<1x128x128xf32, #tpu.memory_space<hbm>>
        %dma_start3A_85 = tpu.memref_squeeze %dma_start3A_84 : memref<1x128x128xf32, #tpu.memory_space<hbm>> -> memref<128x128xf32, #tpu.memory_space<hbm>>
        %dma_start3A_86 = arith.constant 0 : i32
        %dma_start3A_87 = tpu.memref_slice %arg6[%arg0, %mul3A_82, %dma_start3A_86] : memref<2x160000x128xf32, #tpu.memory_space<hbm>> -> memref<1x128x128xf32, #tpu.memory_space<hbm>>
        %dma_start3A_88 = tpu.memref_squeeze %dma_start3A_87 : memref<1x128x128xf32, #tpu.memory_space<hbm>> -> memref<128x128xf32, #tpu.memory_space<hbm>>
        tpu.enqueue_dma source(%arg11 : memref<128x128xf32, #tpu.memory_space<vmem>>) target(%dma_start3A_88 : memref<128x128xf32, #tpu.memory_space<hbm>>) target_semaphore(%arg19 : memref<!tpu.dma_semaphore, #tpu.memory_space<semaphore_mem>>)
      } else {
      }
      %mul3A_39 = arith.constant 2 : i32
      %mul3A_40 = arith.muli %mul3A_39, %scan3A_10 : i32
      %add3A_41 = arith.constant 1 : i32
      %add3A_42 = arith.addi %mul3A_40, %add3A_41 : i32
      %mul3A_43 = arith.constant 16 : i32
      %mul3A_44 = arith.muli %mul3A_43, %add3A_42 : i32
      %add3A_45 = arith.addi %arg1, %mul3A_44 : i32
      %add3A_46 = arith.constant 16 : i32
      %add3A_47 = arith.addi %add3A_45, %add3A_46 : i32
      %lt3A_48 = arith.constant 1250 : i32
      %lt3A_49 = arith.cmpi slt, %add3A_45, %lt3A_48 : i32
      %convert_element_type3A_50 = arith.extui %lt3A_49 : i1 to i32
      %cond3A_51 = arith.constant 0 : i32
      %cond3A_52 = arith.cmpi ne, %convert_element_type3A_50, %cond3A_51 : i32
      scf.if %cond3A_52 {
        %dma_wait3A = arith.constant 0 : i32
        %dma_wait3A_75 = arith.constant 0 : i32
        %dma_wait3A_76 = tpu.memref_slice %arg2[%dma_wait3A, %dma_wait3A_75] : memref<20000x128xf32, #tpu.memory_space<hbm>> -> memref<20000x128xf32, #tpu.memory_space<hbm>>
        tpu.wait_indirect_dma semaphore(%arg16 : memref<!tpu.dma_semaphore, #tpu.memory_space<semaphore_mem>>) src(%dma_wait3A_76 : memref<20000x128xf32, #tpu.memory_space<hbm>>) dst(%arg12 : memref<128x128xf32, #tpu.memory_space<vmem>>)
        %dma_wait3A_77 = arith.constant 0 : i32
        %dma_wait3A_78 = arith.constant 0 : i32
        %dma_wait3A_79 = tpu.memref_slice %arg3[%dma_wait3A_77, %dma_wait3A_78] : memref<20000x128xf32, #tpu.memory_space<hbm>> -> memref<20000x128xf32, #tpu.memory_space<hbm>>
        tpu.wait_indirect_dma semaphore(%arg18 : memref<!tpu.dma_semaphore, #tpu.memory_space<semaphore_mem>>) src(%dma_wait3A_79 : memref<20000x128xf32, #tpu.memory_space<hbm>>) dst(%arg14 : memref<128x128xf32, #tpu.memory_space<vmem>>)
      } else {
      }
      %sub3A_53 = arith.constant 16 : i32
      %sub3A_54 = arith.subi %add3A_45, %sub3A_53 : i32
      %ge3A_55 = arith.constant 0 : i32
      %ge3A_56 = arith.cmpi sge, %sub3A_54, %ge3A_55 : i32
      %sub3A_57 = arith.constant 16 : i32
      %sub3A_58 = arith.subi %add3A_45, %sub3A_57 : i32
      %lt3A_59 = arith.constant 1250 : i32
      %lt3A_60 = arith.cmpi slt, %sub3A_58, %lt3A_59 : i32
      %and3A_61 = arith.andi %ge3A_56, %lt3A_60 : i1
      %convert_element_type3A_62 = arith.extui %and3A_61 : i1 to i32
      %cond3A_63 = arith.constant 0 : i32
      %cond3A_64 = arith.cmpi ne, %convert_element_type3A_62, %cond3A_63 : i32
      scf.if %cond3A_64 {
        %dma_wait3A = arith.constant 0 : i32
        %dma_wait3A_75 = arith.constant 0 : i32
        %dma_wait3A_76 = tpu.memref_slice %arg6[%arg0, %dma_wait3A, %dma_wait3A_75] : memref<2x160000x128xf32, #tpu.memory_space<hbm>> -> memref<1x128x128xf32, #tpu.memory_space<hbm>>
        %dma_wait3A_77 = tpu.memref_squeeze %dma_wait3A_76 : memref<1x128x128xf32, #tpu.memory_space<hbm>> -> memref<128x128xf32, #tpu.memory_space<hbm>>
        %dma_wait3A_78 = arith.constant 0 : i32
        %dma_wait3A_79 = arith.constant 0 : i32
        %dma_wait3A_80 = tpu.memref_slice %arg6[%arg0, %dma_wait3A_78, %dma_wait3A_79] : memref<2x160000x128xf32, #tpu.memory_space<hbm>> -> memref<1x128x128xf32, #tpu.memory_space<hbm>>
        %dma_wait3A_81 = tpu.memref_squeeze %dma_wait3A_80 : memref<1x128x128xf32, #tpu.memory_space<hbm>> -> memref<128x128xf32, #tpu.memory_space<hbm>>
        tpu.wait_dma2 semaphore(%arg19 : memref<!tpu.dma_semaphore, #tpu.memory_space<semaphore_mem>>) src(%arg11 : memref<128x128xf32, #tpu.memory_space<vmem>>) dst(%dma_wait3A_81 : memref<128x128xf32, #tpu.memory_space<hbm>>)
      } else {
      }
      %lt3A_65 = arith.constant 1250 : i32
      %lt3A_66 = arith.cmpi slt, %add3A_47, %lt3A_65 : i32
      %convert_element_type3A_67 = arith.extui %lt3A_66 : i1 to i32
      %cond3A_68 = arith.constant 0 : i32
      %cond3A_69 = arith.cmpi ne, %convert_element_type3A_67, %cond3A_68 : i32
      scf.if %cond3A_69 {
        "tpu.region"() ({
          %run_scoped3A = tpu.sem_alloc : memref<!tpu.dma_semaphore, #tpu.memory_space<semaphore_mem>>
          %dma_start3A_81 = arith.constant 0 : i32
          %dma_start3A_82 = tpu.memref_slice %arg4[%arg0, %add3A_47, %dma_start3A_81] : memref<2x1250x128xi32, #tpu.memory_space<hbm>> -> memref<1x1x128xi32, #tpu.memory_space<hbm>>
          %dma_start3A_83 = tpu.memref_squeeze %dma_start3A_82 : memref<1x1x128xi32, #tpu.memory_space<hbm>> -> memref<128xi32, #tpu.memory_space<hbm>>
          %dma_start3A_84 = arith.constant 0 : i32
          %dma_start3A_85 = tpu.memref_slice %arg4[%arg0, %add3A_47, %dma_start3A_84] : memref<2x1250x128xi32, #tpu.memory_space<hbm>> -> memref<1x1x128xi32, #tpu.memory_space<hbm>>
          %dma_start3A_86 = tpu.memref_squeeze %dma_start3A_85 : memref<1x1x128xi32, #tpu.memory_space<hbm>> -> memref<128xi32, #tpu.memory_space<hbm>>
          tpu.enqueue_dma source(%dma_start3A_86 : memref<128xi32, #tpu.memory_space<hbm>>) target(%arg7 : memref<128xi32, #tpu.memory_space<vmem>>) target_semaphore(%run_scoped3A : memref<!tpu.dma_semaphore, #tpu.memory_space<semaphore_mem>>)
          %dma_wait3A = arith.constant 0 : i32
          %dma_wait3A_87 = tpu.memref_slice %arg4[%arg0, %add3A_47, %dma_wait3A] : memref<2x1250x128xi32, #tpu.memory_space<hbm>> -> memref<1x1x128xi32, #tpu.memory_space<hbm>>
          %dma_wait3A_88 = tpu.memref_squeeze %dma_wait3A_87 : memref<1x1x128xi32, #tpu.memory_space<hbm>> -> memref<128xi32, #tpu.memory_space<hbm>>
          %dma_wait3A_89 = arith.constant 0 : i32
          %dma_wait3A_90 = tpu.memref_slice %arg4[%arg0, %add3A_47, %dma_wait3A_89] : memref<2x1250x128xi32, #tpu.memory_space<hbm>> -> memref<1x1x128xi32, #tpu.memory_space<hbm>>
          %dma_wait3A_91 = tpu.memref_squeeze %dma_wait3A_90 : memref<1x1x128xi32, #tpu.memory_space<hbm>> -> memref<128xi32, #tpu.memory_space<hbm>>
          tpu.wait_dma2 semaphore(%run_scoped3A : memref<!tpu.dma_semaphore, #tpu.memory_space<semaphore_mem>>) src(%dma_wait3A_91 : memref<128xi32, #tpu.memory_space<hbm>>) dst(%arg7 : memref<128xi32, #tpu.memory_space<vmem>>)
          tpu.yield
        }) : () -> ()
        "tpu.region"() ({
          %run_scoped3A = tpu.sem_alloc : memref<!tpu.dma_semaphore, #tpu.memory_space<semaphore_mem>>
          %dma_start3A_81 = arith.constant 0 : i32
          %dma_start3A_82 = tpu.memref_slice %arg5[%arg0, %add3A_47, %dma_start3A_81] : memref<2x1250x128xi32, #tpu.memory_space<hbm>> -> memref<1x1x128xi32, #tpu.memory_space<hbm>>
          %dma_start3A_83 = tpu.memref_squeeze %dma_start3A_82 : memref<1x1x128xi32, #tpu.memory_space<hbm>> -> memref<128xi32, #tpu.memory_space<hbm>>
          %dma_start3A_84 = arith.constant 0 : i32
          %dma_start3A_85 = tpu.memref_slice %arg5[%arg0, %add3A_47, %dma_start3A_84] : memref<2x1250x128xi32, #tpu.memory_space<hbm>> -> memref<1x1x128xi32, #tpu.memory_space<hbm>>
          %dma_start3A_86 = tpu.memref_squeeze %dma_start3A_85 : memref<1x1x128xi32, #tpu.memory_space<hbm>> -> memref<128xi32, #tpu.memory_space<hbm>>
          tpu.enqueue_dma source(%dma_start3A_86 : memref<128xi32, #tpu.memory_space<hbm>>) target(%arg9 : memref<128xi32, #tpu.memory_space<vmem>>) target_semaphore(%run_scoped3A : memref<!tpu.dma_semaphore, #tpu.memory_space<semaphore_mem>>)
          %dma_wait3A = arith.constant 0 : i32
          %dma_wait3A_87 = tpu.memref_slice %arg5[%arg0, %add3A_47, %dma_wait3A] : memref<2x1250x128xi32, #tpu.memory_space<hbm>> -> memref<1x1x128xi32, #tpu.memory_space<hbm>>
          %dma_wait3A_88 = tpu.memref_squeeze %dma_wait3A_87 : memref<1x1x128xi32, #tpu.memory_space<hbm>> -> memref<128xi32, #tpu.memory_space<hbm>>
          %dma_wait3A_89 = arith.constant 0 : i32
          %dma_wait3A_90 = tpu.memref_slice %arg5[%arg0, %add3A_47, %dma_wait3A_89] : memref<2x1250x128xi32, #tpu.memory_space<hbm>> -> memref<1x1x128xi32, #tpu.memory_space<hbm>>
          %dma_wait3A_91 = tpu.memref_squeeze %dma_wait3A_90 : memref<1x1x128xi32, #tpu.memory_space<hbm>> -> memref<128xi32, #tpu.memory_space<hbm>>
          tpu.wait_dma2 semaphore(%run_scoped3A : memref<!tpu.dma_semaphore, #tpu.memory_space<semaphore_mem>>) src(%dma_wait3A_91 : memref<128xi32, #tpu.memory_space<hbm>>) dst(%arg9 : memref<128xi32, #tpu.memory_space<vmem>>)
          tpu.yield
        }) : () -> ()
        %dma_start3A_75 = arith.constant 0 : i32
        %dma_start3A_76 = arith.constant 0 : i32
        %dma_start3A_77 = tpu.memref_slice %arg2[%dma_start3A_75, %dma_start3A_76] : memref<20000x128xf32, #tpu.memory_space<hbm>> -> memref<20000x128xf32, #tpu.memory_space<hbm>>
        tpu.enqueue_indirect_dma source(%dma_start3A_77 : memref<20000x128xf32, #tpu.memory_space<hbm>>) target(%arg11 : memref<128x128xf32, #tpu.memory_space<vmem>>) offsets(%arg7 : memref<128xi32, #tpu.memory_space<vmem>>) semaphore(%arg15 : memref<!tpu.dma_semaphore, #tpu.memory_space<semaphore_mem>>)
        %dma_start3A_78 = arith.constant 0 : i32
        %dma_start3A_79 = arith.constant 0 : i32
        %dma_start3A_80 = tpu.memref_slice %arg3[%dma_start3A_78, %dma_start3A_79] : memref<20000x128xf32, #tpu.memory_space<hbm>> -> memref<20000x128xf32, #tpu.memory_space<hbm>>
        tpu.enqueue_indirect_dma source(%dma_start3A_80 : memref<20000x128xf32, #tpu.memory_space<hbm>>) target(%arg13 : memref<128x128xf32, #tpu.memory_space<vmem>>) offsets(%arg9 : memref<128xi32, #tpu.memory_space<vmem>>) semaphore(%arg17 : memref<!tpu.dma_semaphore, #tpu.memory_space<semaphore_mem>>)
      } else {
      }
      %lt3A_70 = arith.constant 1250 : i32
      %lt3A_71 = arith.cmpi slt, %add3A_45, %lt3A_70 : i32
      %convert_element_type3A_72 = arith.extui %lt3A_71 : i1 to i32
      %cond3A_73 = arith.constant 0 : i32
      %cond3A_74 = arith.cmpi ne, %convert_element_type3A_72, %cond3A_73 : i32
      scf.if %cond3A_74 {
        %scan3A_75 = arith.constant 0 : i32
        %scan3A_76 = arith.constant 0 : i32
        %scan3A_77 = arith.constant 128 : i32
        %scan3A_78 = arith.addi %scan3A_76, %scan3A_77 : i32
        %scan3A_79 = arith.constant 1 : i32
        scf.for %scan3A_89 = %scan3A_76 to %scan3A_78 step %scan3A_79  : i32 {
          %get3A = arith.index_cast %scan3A_89 : i32 to index
          %get3A_90 = arith.constant 0 : index
          %get3A_91 = tpu.vector_load %arg12[%get3A, %get3A_90] {strides = array<i32>} : memref<128x128xf32, #tpu.memory_space<vmem>>, vector<1x16xf32>,
          %get3A_92 = vector.shape_cast %get3A_91 : vector<1x16xf32> to vector<16xf32>
          %get3A_93 = arith.index_cast %scan3A_89 : i32 to index
          %get3A_94 = arith.constant 0 : index
          %get3A_95 = tpu.vector_load %arg14[%get3A_93, %get3A_94] {strides = array<i32>} : memref<128x128xf32, #tpu.memory_space<vmem>>, vector<1x16xf32>,
          %get3A_96 = vector.shape_cast %get3A_95 : vector<1x16xf32> to vector<16xf32>
          %add3A_97 = arith.addf %get3A_92, %get3A_96 : vector<16xf32>
          %swap3A = arith.index_cast %scan3A_89 : i32 to index
          %swap3A_98 = arith.constant 0 : index
          %swap3A_99 = tpu.vector_load %arg12[%swap3A, %swap3A_98] {strides = array<i32>} : memref<128x128xf32, #tpu.memory_space<vmem>>, vector<1x16xf32>,
          %swap3A_100 = vector.shape_cast %swap3A_99 : vector<1x16xf32> to vector<16xf32>
          %swap3A_101 = vector.shape_cast %add3A_97 : vector<16xf32> to vector<1x16xf32>
          tpu.vector_store %arg12[%swap3A, %swap3A_98], %swap3A_101 {strides = array<i32>} : memref<128x128xf32, #tpu.memory_space<vmem>>, vector<1x16xf32>,
          %get3A_102 = arith.index_cast %scan3A_89 : i32 to index
          %get3A_103 = arith.constant 16 : index
          %get3A_104 = tpu.vector_load %arg12[%get3A_102, %get3A_103] {strides = array<i32>} : memref<128x128xf32, #tpu.memory_space<vmem>>, vector<1x16xf32>,
          %get3A_105 = vector.shape_cast %get3A_104 : vector<1x16xf32> to vector<16xf32>
          %get3A_106 = arith.index_cast %scan3A_89 : i32 to index
          %get3A_107 = arith.constant 16 : index
          %get3A_108 = tpu.vector_load %arg14[%get3A_106, %get3A_107] {strides = array<i32>} : memref<128x128xf32, #tpu.memory_space<vmem>>, vector<1x16xf32>,
          %get3A_109 = vector.shape_cast %get3A_108 : vector<1x16xf32> to vector<16xf32>
          %add3A_110 = arith.addf %get3A_105, %get3A_109 : vector<16xf32>
          %swap3A_111 = arith.index_cast %scan3A_89 : i32 to index
          %swap3A_112 = arith.constant 16 : index
          %swap3A_113 = tpu.vector_load %arg12[%swap3A_111, %swap3A_112] {strides = array<i32>} : memref<128x128xf32, #tpu.memory_space<vmem>>, vector<1x16xf32>,
          %swap3A_114 = vector.shape_cast %swap3A_113 : vector<1x16xf32> to vector<16xf32>
          %swap3A_115 = vector.shape_cast %add3A_110 : vector<16xf32> to vector<1x16xf32>
          tpu.vector_store %arg12[%swap3A_111, %swap3A_112], %swap3A_115 {strides = array<i32>} : memref<128x128xf32, #tpu.memory_space<vmem>>, vector<1x16xf32>,
          %get3A_116 = arith.index_cast %scan3A_89 : i32 to index
          %get3A_117 = arith.constant 32 : index
          %get3A_118 = tpu.vector_load %arg12[%get3A_116, %get3A_117] {strides = array<i32>} : memref<128x128xf32, #tpu.memory_space<vmem>>, vector<1x16xf32>,
          %get3A_119 = vector.shape_cast %get3A_118 : vector<1x16xf32> to vector<16xf32>
          %get3A_120 = arith.index_cast %scan3A_89 : i32 to index
          %get3A_121 = arith.constant 32 : index
          %get3A_122 = tpu.vector_load %arg14[%get3A_120, %get3A_121] {strides = array<i32>} : memref<128x128xf32, #tpu.memory_space<vmem>>, vector<1x16xf32>,
          %get3A_123 = vector.shape_cast %get3A_122 : vector<1x16xf32> to vector<16xf32>
          %add3A_124 = arith.addf %get3A_119, %get3A_123 : vector<16xf32>
          %swap3A_125 = arith.index_cast %scan3A_89 : i32 to index
          %swap3A_126 = arith.constant 32 : index
          %swap3A_127 = tpu.vector_load %arg12[%swap3A_125, %swap3A_126] {strides = array<i32>} : memref<128x128xf32, #tpu.memory_space<vmem>>, vector<1x16xf32>,
          %swap3A_128 = vector.shape_cast %swap3A_127 : vector<1x16xf32> to vector<16xf32>
          %swap3A_129 = vector.shape_cast %add3A_124 : vector<16xf32> to vector<1x16xf32>
          tpu.vector_store %arg12[%swap3A_125, %swap3A_126], %swap3A_129 {strides = array<i32>} : memref<128x128xf32, #tpu.memory_space<vmem>>, vector<1x16xf32>,
          %get3A_130 = arith.index_cast %scan3A_89 : i32 to index
          %get3A_131 = arith.constant 48 : index
          %get3A_132 = tpu.vector_load %arg12[%get3A_130, %get3A_131] {strides = array<i32>} : memref<128x128xf32, #tpu.memory_space<vmem>>, vector<1x16xf32>,
          %get3A_133 = vector.shape_cast %get3A_132 : vector<1x16xf32> to vector<16xf32>
          %get3A_134 = arith.index_cast %scan3A_89 : i32 to index
          %get3A_135 = arith.constant 48 : index
          %get3A_136 = tpu.vector_load %arg14[%get3A_134, %get3A_135] {strides = array<i32>} : memref<128x128xf32, #tpu.memory_space<vmem>>, vector<1x16xf32>,
          %get3A_137 = vector.shape_cast %get3A_136 : vector<1x16xf32> to vector<16xf32>
          %add3A_138 = arith.addf %get3A_133, %get3A_137 : vector<16xf32>
          %swap3A_139 = arith.index_cast %scan3A_89 : i32 to index
          %swap3A_140 = arith.constant 48 : index
          %swap3A_141 = tpu.vector_load %arg12[%swap3A_139, %swap3A_140] {strides = array<i32>} : memref<128x128xf32, #tpu.memory_space<vmem>>, vector<1x16xf32>,
          %swap3A_142 = vector.shape_cast %swap3A_141 : vector<1x16xf32> to vector<16xf32>
          %swap3A_143 = vector.shape_cast %add3A_138 : vector<16xf32> to vector<1x16xf32>
          tpu.vector_store %arg12[%swap3A_139, %swap3A_140], %swap3A_143 {strides = array<i32>} : memref<128x128xf32, #tpu.memory_space<vmem>>, vector<1x16xf32>,
          %get3A_144 = arith.index_cast %scan3A_89 : i32 to index
          %get3A_145 = arith.constant 64 : index
          %get3A_146 = tpu.vector_load %arg12[%get3A_144, %get3A_145] {strides = array<i32>} : memref<128x128xf32, #tpu.memory_space<vmem>>, vector<1x16xf32>,
          %get3A_147 = vector.shape_cast %get3A_146 : vector<1x16xf32> to vector<16xf32>
          %get3A_148 = arith.index_cast %scan3A_89 : i32 to index
          %get3A_149 = arith.constant 64 : index
          %get3A_150 = tpu.vector_load %arg14[%get3A_148, %get3A_149] {strides = array<i32>} : memref<128x128xf32, #tpu.memory_space<vmem>>, vector<1x16xf32>,
          %get3A_151 = vector.shape_cast %get3A_150 : vector<1x16xf32> to vector<16xf32>
          %add3A_152 = arith.addf %get3A_147, %get3A_151 : vector<16xf32>
          %swap3A_153 = arith.index_cast %scan3A_89 : i32 to index
          %swap3A_154 = arith.constant 64 : index
          %swap3A_155 = tpu.vector_load %arg12[%swap3A_153, %swap3A_154] {strides = array<i32>} : memref<128x128xf32, #tpu.memory_space<vmem>>, vector<1x16xf32>,
          %swap3A_156 = vector.shape_cast %swap3A_155 : vector<1x16xf32> to vector<16xf32>
          %swap3A_157 = vector.shape_cast %add3A_152 : vector<16xf32> to vector<1x16xf32>
          tpu.vector_store %arg12[%swap3A_153, %swap3A_154], %swap3A_157 {strides = array<i32>} : memref<128x128xf32, #tpu.memory_space<vmem>>, vector<1x16xf32>,
          %get3A_158 = arith.index_cast %scan3A_89 : i32 to index
          %get3A_159 = arith.constant 80 : index
          %get3A_160 = tpu.vector_load %arg12[%get3A_158, %get3A_159] {strides = array<i32>} : memref<128x128xf32, #tpu.memory_space<vmem>>, vector<1x16xf32>,
          %get3A_161 = vector.shape_cast %get3A_160 : vector<1x16xf32> to vector<16xf32>
          %get3A_162 = arith.index_cast %scan3A_89 : i32 to index
          %get3A_163 = arith.constant 80 : index
          %get3A_164 = tpu.vector_load %arg14[%get3A_162, %get3A_163] {strides = array<i32>} : memref<128x128xf32, #tpu.memory_space<vmem>>, vector<1x16xf32>,
          %get3A_165 = vector.shape_cast %get3A_164 : vector<1x16xf32> to vector<16xf32>
          %add3A_166 = arith.addf %get3A_161, %get3A_165 : vector<16xf32>
          %swap3A_167 = arith.index_cast %scan3A_89 : i32 to index
          %swap3A_168 = arith.constant 80 : index
          %swap3A_169 = tpu.vector_load %arg12[%swap3A_167, %swap3A_168] {strides = array<i32>} : memref<128x128xf32, #tpu.memory_space<vmem>>, vector<1x16xf32>,
          %swap3A_170 = vector.shape_cast %swap3A_169 : vector<1x16xf32> to vector<16xf32>
          %swap3A_171 = vector.shape_cast %add3A_166 : vector<16xf32> to vector<1x16xf32>
          tpu.vector_store %arg12[%swap3A_167, %swap3A_168], %swap3A_171 {strides = array<i32>} : memref<128x128xf32, #tpu.memory_space<vmem>>, vector<1x16xf32>,
          %get3A_172 = arith.index_cast %scan3A_89 : i32 to index
          %get3A_173 = arith.constant 96 : index
          %get3A_174 = tpu.vector_load %arg12[%get3A_172, %get3A_173] {strides = array<i32>} : memref<128x128xf32, #tpu.memory_space<vmem>>, vector<1x16xf32>,
          %get3A_175 = vector.shape_cast %get3A_174 : vector<1x16xf32> to vector<16xf32>
          %get3A_176 = arith.index_cast %scan3A_89 : i32 to index
          %get3A_177 = arith.constant 96 : index
          %get3A_178 = tpu.vector_load %arg14[%get3A_176, %get3A_177] {strides = array<i32>} : memref<128x128xf32, #tpu.memory_space<vmem>>, vector<1x16xf32>,
          %get3A_179 = vector.shape_cast %get3A_178 : vector<1x16xf32> to vector<16xf32>
          %add3A_180 = arith.addf %get3A_175, %get3A_179 : vector<16xf32>
          %swap3A_181 = arith.index_cast %scan3A_89 : i32 to index
          %swap3A_182 = arith.constant 96 : index
          %swap3A_183 = tpu.vector_load %arg12[%swap3A_181, %swap3A_182] {strides = array<i32>} : memref<128x128xf32, #tpu.memory_space<vmem>>, vector<1x16xf32>,
          %swap3A_184 = vector.shape_cast %swap3A_183 : vector<1x16xf32> to vector<16xf32>
          %swap3A_185 = vector.shape_cast %add3A_180 : vector<16xf32> to vector<1x16xf32>
          tpu.vector_store %arg12[%swap3A_181, %swap3A_182], %swap3A_185 {strides = array<i32>} : memref<128x128xf32, #tpu.memory_space<vmem>>, vector<1x16xf32>,
          %get3A_186 = arith.index_cast %scan3A_89 : i32 to index
          %get3A_187 = arith.constant 112 : index
          %get3A_188 = tpu.vector_load %arg12[%get3A_186, %get3A_187] {strides = array<i32>} : memref<128x128xf32, #tpu.memory_space<vmem>>, vector<1x16xf32>,
          %get3A_189 = vector.shape_cast %get3A_188 : vector<1x16xf32> to vector<16xf32>
          %get3A_190 = arith.index_cast %scan3A_89 : i32 to index
          %get3A_191 = arith.constant 112 : index
          %get3A_192 = tpu.vector_load %arg14[%get3A_190, %get3A_191] {strides = array<i32>} : memref<128x128xf32, #tpu.memory_space<vmem>>, vector<1x16xf32>,
          %get3A_193 = vector.shape_cast %get3A_192 : vector<1x16xf32> to vector<16xf32>
          %add3A_194 = arith.addf %get3A_189, %get3A_193 : vector<16xf32>
          %swap3A_195 = arith.index_cast %scan3A_89 : i32 to index
          %swap3A_196 = arith.constant 112 : index
          %swap3A_197 = tpu.vector_load %arg12[%swap3A_195, %swap3A_196] {strides = array<i32>} : memref<128x128xf32, #tpu.memory_space<vmem>>, vector<1x16xf32>,
          %swap3A_198 = vector.shape_cast %swap3A_197 : vector<1x16xf32> to vector<16xf32>
          %swap3A_199 = vector.shape_cast %add3A_194 : vector<16xf32> to vector<1x16xf32>
          tpu.vector_store %arg12[%swap3A_195, %swap3A_196], %swap3A_199 {strides = array<i32>} : memref<128x128xf32, #tpu.memory_space<vmem>>, vector<1x16xf32>,
        }
        %scan3A_80 = arith.constant 128 : i32
        %mul3A_81 = arith.constant 128 : i32
        %mul3A_82 = arith.muli %add3A_45, %mul3A_81 : i32
        %dma_start3A_83 = arith.constant 0 : i32
        %dma_start3A_84 = tpu.memref_slice %arg6[%arg0, %mul3A_82, %dma_start3A_83] : memref<2x160000x128xf32, #tpu.memory_space<hbm>> -> memref<1x128x128xf32, #tpu.memory_space<hbm>>
        %dma_start3A_85 = tpu.memref_squeeze %dma_start3A_84 : memref<1x128x128xf32, #tpu.memory_space<hbm>> -> memref<128x128xf32, #tpu.memory_space<hbm>>
        %dma_start3A_86 = arith.constant 0 : i32
        %dma_start3A_87 = tpu.memref_slice %arg6[%arg0, %mul3A_82, %dma_start3A_86] : memref<2x160000x128xf32, #tpu.memory_space<hbm>> -> memref<1x128x128xf32, #tpu.memory_space<hbm>>
        %dma_start3A_88 = tpu.memref_squeeze %dma_start3A_87 : memref<1x128x128xf32, #tpu.memory_space<hbm>> -> memref<128x128xf32, #tpu.memory_space<hbm>>
        tpu.enqueue_dma source(%arg12 : memref<128x128xf32, #tpu.memory_space<vmem>>) target(%dma_start3A_88 : memref<128x128xf32, #tpu.memory_space<hbm>>) target_semaphore(%arg20 : memref<!tpu.dma_semaphore, #tpu.memory_space<semaphore_mem>>)
      } else {
      }
    }
    %scan3A_9 = arith.constant 40 : i32
    return
  }
}

#map = affine_map<(d0, d1) -> (0, 0, 0)>
#map1 = affine_map<(d0, d1) -> (0, 0)>
module attributes {stable_mosaic.version = 14 : i64} {
  func.func @_p1_body(%arg0: i32, %arg1: i32, %arg2: memref<2x160000x128xf32, #tpu.memory_space<hbm>>, %arg3: memref<2x1250x128xi32, #tpu.memory_space<hbm>>, %arg4: memref<2x1250x128xi32, #tpu.memory_space<hbm>>, %arg5: memref<128x128xf32, #tpu.memory_space<hbm>>, %arg6: memref<2x10000x128xf32, #tpu.memory_space<hbm>>, %arg7: memref<2x10000x128xf32, #tpu.memory_space<hbm>>, %arg8: memref<2x10000x128xf32, #tpu.memory_space<hbm>>, %arg9: memref<2x10000x128xf32, #tpu.memory_space<hbm>>, %arg10: memref<128x128xf32, #tpu.memory_space<vmem>>, %arg11: memref<128x128xf32, #tpu.memory_space<vmem>>, %arg12: memref<128xi32, #tpu.memory_space<vmem>>, %arg13: memref<128xi32, #tpu.memory_space<vmem>>, %arg14: memref<!tpu.dma_semaphore, #tpu.memory_space<semaphore_mem>>, %arg15: memref<!tpu.dma_semaphore, #tpu.memory_space<semaphore_mem>>, %arg16: memref<!tpu.dma_semaphore, #tpu.memory_space<semaphore_mem>>, %arg17: memref<!tpu.dma_semaphore, #tpu.memory_space<semaphore_mem>>, %arg18: memref<!tpu.dma_semaphore, #tpu.memory_space<semaphore_mem>>, %arg19: memref<!tpu.dma_semaphore, #tpu.memory_space<semaphore_mem>>, %arg20: memref<10000x128xf32, #tpu.memory_space<vmem_shared>>) attributes {dimension_semantics = [#tpu.dimension_semantics<core_parallel>, #tpu.dimension_semantics<subcore_parallel>], iteration_bounds = array<i64: 2, 16>, scalar_prefetch = 0 : i64, scratch_operands = 11 : i64, tpu.core_type = #tpu.core_type<sc_vector_subcore>, window_params = [{transform_indices = #map}, {transform_indices = #map}, {transform_indices = #map}, {transform_indices = #map1}, {transform_indices = #map}, {transform_indices = #map}, {transform_indices = #map}, {transform_indices = #map}]} {
    %broadcast_in_dim3A = arith.constant 0.000000e+00 : f32
    %broadcast_in_dim3A_0 = vector.broadcast %broadcast_in_dim3A : f32 to vector<16xf32>
    %scan3A = arith.constant 0 : i32
    %scan3A_1 = arith.constant 0 : i32
    %scan3A_2 = arith.constant 640 : i32
    %scan3A_3 = arith.addi %scan3A_1, %scan3A_2 : i32
    %scan3A_4 = arith.constant 1 : i32
    scf.for %scan3A_145 = %scan3A_1 to %scan3A_3 step %scan3A_4  : i32 {
      %jit3A = arith.constant 8 : i32
      %div3A = arith.divsi %scan3A_145, %jit3A : i32
      %sign3A = arith.constant 0 : i32
      %sign3A_146 = arith.cmpi sgt, %scan3A_145, %sign3A : i32
      %sign3A_147 = arith.extui %sign3A_146 : i1 to i32
      %sign3A_148 = arith.constant 0 : i32
      %sign3A_149 = arith.cmpi slt, %scan3A_145, %sign3A_148 : i32
      %sign3A_150 = arith.extui %sign3A_149 : i1 to i32
      %sign3A_151 = arith.subi %sign3A_147, %sign3A_150 : i32
      %sign3A_152 = arith.constant 0 : i32
      %sign3A_153 = arith.cmpi sgt, %jit3A, %sign3A_152 : i32
      %sign3A_154 = arith.extui %sign3A_153 : i1 to i32
      %sign3A_155 = arith.constant 0 : i32
      %sign3A_156 = arith.cmpi slt, %jit3A, %sign3A_155 : i32
      %sign3A_157 = arith.extui %sign3A_156 : i1 to i32
      %sign3A_158 = arith.subi %sign3A_154, %sign3A_157 : i32
      %ne3A = arith.cmpi ne, %sign3A_151, %sign3A_158 : i32
      %rem3A = arith.remsi %scan3A_145, %jit3A : i32
      %ne3A_159 = arith.constant 0 : i32
      %ne3A_160 = arith.cmpi ne, %rem3A, %ne3A_159 : i32
      %and3A = arith.andi %ne3A, %ne3A_160 : i1
      %sub3A = arith.constant 1 : i32
      %sub3A_161 = arith.subi %div3A, %sub3A : i32
      %select_n3A = arith.select %and3A, %sub3A_161, %div3A : i32
      %jit3A_162 = arith.constant 8 : i32
      %eq3A = arith.constant 0 : i32
      %eq3A_163 = arith.cmpi eq, %jit3A_162, %eq3A : i32
      %jit3A_164 = arith.constant 1 : i32
      %select_n3A_165 = arith.select %eq3A_163, %jit3A_164, %jit3A_162 : i32
      %rem3A_166 = arith.remsi %scan3A_145, %select_n3A_165 : i32
      %ne3A_167 = arith.constant 0 : i32
      %ne3A_168 = arith.cmpi ne, %rem3A_166, %ne3A_167 : i32
      %lt3A = arith.constant 0 : i32
      %lt3A_169 = arith.cmpi slt, %rem3A_166, %lt3A : i32
      %lt3A_170 = arith.constant 0 : i32
      %lt3A_171 = arith.cmpi slt, %select_n3A_165, %lt3A_170 : i32
      %ne3A_172 = arith.xori %lt3A_169, %lt3A_171 : i1
      %and3A_173 = arith.andi %ne3A_172, %ne3A_168 : i1
      %add3A = arith.addi %rem3A_166, %select_n3A_165 : i32
      %select_n3A_174 = arith.select %and3A_173, %add3A, %rem3A_166 : i32
      %mul3A_175 = arith.constant 16 : i32
      %mul3A_176 = arith.muli %select_n3A_174, %mul3A_175 : i32
      %swap3A = arith.index_cast %select_n3A : i32 to index
      %swap3A_177 = arith.index_cast %mul3A_176 : i32 to index
      %swap3A_178 = tpu.vector_load %arg10[%swap3A, %swap3A_177] {strides = array<i32>} : memref<128x128xf32, #tpu.memory_space<vmem>>, vector<1x16xf32>,
      %swap3A_179 = vector.shape_cast %swap3A_178 : vector<1x16xf32> to vector<16xf32>
      %swap3A_180 = vector.shape_cast %broadcast_in_dim3A_0 : vector<16xf32> to vector<1x16xf32>
      tpu.vector_store %arg10[%swap3A, %swap3A_177], %swap3A_180 {strides = array<i32>} : memref<128x128xf32, #tpu.memory_space<vmem>>, vector<1x16xf32>,
    }
    %scan3A_5 = arith.constant 640 : i32
    %scan3A_6 = arith.constant 0 : i32
    %scan3A_7 = arith.constant 0 : i32
    %scan3A_8 = arith.constant 8 : i32
    %scan3A_9 = arith.addi %scan3A_7, %scan3A_8 : i32
    %scan3A_10 = arith.constant 1 : i32
    scf.for %scan3A_145 = %scan3A_7 to %scan3A_9 step %scan3A_10  : i32 {
      %mul3A_146 = arith.constant 16 : i32
      %mul3A_147 = arith.muli %mul3A_146, %scan3A_145 : i32
      %add3A = arith.addi %arg1, %mul3A_147 : i32
      %lt3A = arith.constant 125 : i32
      %lt3A_148 = arith.cmpi slt, %add3A, %lt3A : i32
      %convert_element_type3A = arith.extui %lt3A_148 : i1 to i32
      %cond3A = arith.constant 0 : i32
      %cond3A_149 = arith.cmpi ne, %convert_element_type3A, %cond3A : i32
      scf.if %cond3A_149 {
        %mul3A_150 = arith.constant 80 : i32
        %mul3A_151 = arith.muli %add3A, %mul3A_150 : i32
        "tpu.region"() ({
          %run_scoped3A = tpu.sem_alloc : memref<!tpu.dma_semaphore, #tpu.memory_space<semaphore_mem>>
          %dma_start3A_152 = arith.constant 0 : i32
          %dma_start3A_153 = arith.constant 0 : i32
          %dma_start3A_154 = tpu.memref_slice %arg10[%dma_start3A_152, %dma_start3A_153] : memref<128x128xf32, #tpu.memory_space<vmem>> -> memref<80x128xf32, #tpu.memory_space<vmem>>
          %dma_start3A_155 = arith.constant 0 : i32
          %dma_start3A_156 = tpu.memref_slice %arg20[%mul3A_151, %dma_start3A_155] : memref<10000x128xf32, #tpu.memory_space<vmem_shared>> -> memref<80x128xf32, #tpu.memory_space<vmem_shared>>
          %dma_start3A_157 = arith.constant 0 : i32
          %dma_start3A_158 = tpu.memref_slice %arg20[%mul3A_151, %dma_start3A_157] : memref<10000x128xf32, #tpu.memory_space<vmem_shared>> -> memref<80x128xf32, #tpu.memory_space<vmem_shared>>
          %dma_start3A_159 = arith.constant 0 : i32
          %dma_start3A_160 = arith.constant 0 : i32
          %dma_start3A_161 = tpu.memref_slice %arg10[%dma_start3A_159, %dma_start3A_160] : memref<128x128xf32, #tpu.memory_space<vmem>> -> memref<80x128xf32, #tpu.memory_space<vmem>>
          tpu.enqueue_dma source(%dma_start3A_161 : memref<80x128xf32, #tpu.memory_space<vmem>>) target(%dma_start3A_158 : memref<80x128xf32, #tpu.memory_space<vmem_shared>>) target_semaphore(%run_scoped3A : memref<!tpu.dma_semaphore, #tpu.memory_space<semaphore_mem>>)
          %dma_wait3A = arith.constant 0 : i32
          %dma_wait3A_162 = arith.constant 0 : i32
          %dma_wait3A_163 = tpu.memref_slice %arg10[%dma_wait3A, %dma_wait3A_162] : memref<128x128xf32, #tpu.memory_space<vmem>> -> memref<80x128xf32, #tpu.memory_space<vmem>>
          %dma_wait3A_164 = arith.constant 0 : i32
          %dma_wait3A_165 = tpu.memref_slice %arg20[%mul3A_151, %dma_wait3A_164] : memref<10000x128xf32, #tpu.memory_space<vmem_shared>> -> memref<80x128xf32, #tpu.memory_space<vmem_shared>>
          %dma_wait3A_166 = arith.constant 0 : i32
          %dma_wait3A_167 = tpu.memref_slice %arg20[%mul3A_151, %dma_wait3A_166] : memref<10000x128xf32, #tpu.memory_space<vmem_shared>> -> memref<80x128xf32, #tpu.memory_space<vmem_shared>>
          %dma_wait3A_168 = arith.constant 0 : i32
          %dma_wait3A_169 = arith.constant 0 : i32
          %dma_wait3A_170 = tpu.memref_slice %arg10[%dma_wait3A_168, %dma_wait3A_169] : memref<128x128xf32, #tpu.memory_space<vmem>> -> memref<80x128xf32, #tpu.memory_space<vmem>>
          tpu.wait_dma2 semaphore(%run_scoped3A : memref<!tpu.dma_semaphore, #tpu.memory_space<semaphore_mem>>) src(%dma_wait3A_170 : memref<80x128xf32, #tpu.memory_space<vmem>>) dst(%dma_wait3A_167 : memref<80x128xf32, #tpu.memory_space<vmem_shared>>)
          tpu.yield
        }) : () -> ()
      } else {
      }
    }
    %scan3A_11 = arith.constant 8 : i32
    %barrier3A = arith.constant 0 : index
    tpu.barrier barrier_id(%barrier3A)
    %mul3A = arith.constant 128 : i32
    %mul3A_12 = arith.muli %arg1, %mul3A : i32
    %dma_start3A = arith.constant 0 : i32
    %dma_start3A_13 = tpu.memref_slice %arg2[%arg0, %mul3A_12, %dma_start3A] : memref<2x160000x128xf32, #tpu.memory_space<hbm>> -> memref<1x128x128xf32, #tpu.memory_space<hbm>>
    %dma_start3A_14 = tpu.memref_squeeze %dma_start3A_13 : memref<1x128x128xf32, #tpu.memory_space<hbm>> -> memref<128x128xf32, #tpu.memory_space<hbm>>
    %dma_start3A_15 = arith.constant 0 : i32
    %dma_start3A_16 = tpu.memref_slice %arg2[%arg0, %mul3A_12, %dma_start3A_15] : memref<2x160000x128xf32, #tpu.memory_space<hbm>> -> memref<1x128x128xf32, #tpu.memory_space<hbm>>
    %dma_start3A_17 = tpu.memref_squeeze %dma_start3A_16 : memref<1x128x128xf32, #tpu.memory_space<hbm>> -> memref<128x128xf32, #tpu.memory_space<hbm>>
    tpu.enqueue_dma source(%dma_start3A_17 : memref<128x128xf32, #tpu.memory_space<hbm>>) target(%arg10 : memref<128x128xf32, #tpu.memory_space<vmem>>) target_semaphore(%arg14 : memref<!tpu.dma_semaphore, #tpu.memory_space<semaphore_mem>>)
    %dma_start3A_18 = arith.constant 0 : i32
    %dma_start3A_19 = tpu.memref_slice %arg3[%arg0, %arg1, %dma_start3A_18] : memref<2x1250x128xi32, #tpu.memory_space<hbm>> -> memref<1x1x128xi32, #tpu.memory_space<hbm>>
    %dma_start3A_20 = tpu.memref_squeeze %dma_start3A_19 : memref<1x1x128xi32, #tpu.memory_space<hbm>> -> memref<128xi32, #tpu.memory_space<hbm>>
    %dma_start3A_21 = arith.constant 0 : i32
    %dma_start3A_22 = tpu.memref_slice %arg3[%arg0, %arg1, %dma_start3A_21] : memref<2x1250x128xi32, #tpu.memory_space<hbm>> -> memref<1x1x128xi32, #tpu.memory_space<hbm>>
    %dma_start3A_23 = tpu.memref_squeeze %dma_start3A_22 : memref<1x1x128xi32, #tpu.memory_space<hbm>> -> memref<128xi32, #tpu.memory_space<hbm>>
    tpu.enqueue_dma source(%dma_start3A_23 : memref<128xi32, #tpu.memory_space<hbm>>) target(%arg12 : memref<128xi32, #tpu.memory_space<vmem>>) target_semaphore(%arg16 : memref<!tpu.dma_semaphore, #tpu.memory_space<semaphore_mem>>)
    %scan3A_24 = arith.constant 0 : i32
    %scan3A_25 = arith.constant 0 : i32
    %scan3A_26 = arith.constant 40 : i32
    %scan3A_27 = arith.addi %scan3A_25, %scan3A_26 : i32
    %scan3A_28 = arith.constant 1 : i32
    scf.for %scan3A_145 = %scan3A_25 to %scan3A_27 step %scan3A_28  : i32 {
      %mul3A_146 = arith.constant 2 : i32
      %mul3A_147 = arith.muli %mul3A_146, %scan3A_145 : i32
      %add3A = arith.constant 0 : i32
      %add3A_148 = arith.addi %mul3A_147, %add3A : i32
      %mul3A_149 = arith.constant 16 : i32
      %mul3A_150 = arith.muli %mul3A_149, %add3A_148 : i32
      %add3A_151 = arith.addi %arg1, %mul3A_150 : i32
      %add3A_152 = arith.constant 16 : i32
      %add3A_153 = arith.addi %add3A_151, %add3A_152 : i32
      %lt3A = arith.constant 1250 : i32
      %lt3A_154 = arith.cmpi slt, %add3A_151, %lt3A : i32
      %convert_element_type3A = arith.extui %lt3A_154 : i1 to i32
      %cond3A = arith.constant 0 : i32
      %cond3A_155 = arith.cmpi ne, %convert_element_type3A, %cond3A : i32
      scf.if %cond3A_155 {
        %mul3A_211 = arith.constant 128 : i32
        %mul3A_212 = arith.muli %add3A_151, %mul3A_211 : i32
        %dma_wait3A = arith.constant 0 : i32
        %dma_wait3A_213 = tpu.memref_slice %arg2[%arg0, %mul3A_212, %dma_wait3A] : memref<2x160000x128xf32, #tpu.memory_space<hbm>> -> memref<1x128x128xf32, #tpu.memory_space<hbm>>
        %dma_wait3A_214 = tpu.memref_squeeze %dma_wait3A_213 : memref<1x128x128xf32, #tpu.memory_space<hbm>> -> memref<128x128xf32, #tpu.memory_space<hbm>>
        %dma_wait3A_215 = arith.constant 0 : i32
        %dma_wait3A_216 = tpu.memref_slice %arg2[%arg0, %mul3A_212, %dma_wait3A_215] : memref<2x160000x128xf32, #tpu.memory_space<hbm>> -> memref<1x128x128xf32, #tpu.memory_space<hbm>>
        %dma_wait3A_217 = tpu.memref_squeeze %dma_wait3A_216 : memref<1x128x128xf32, #tpu.memory_space<hbm>> -> memref<128x128xf32, #tpu.memory_space<hbm>>
        tpu.wait_dma2 semaphore(%arg14 : memref<!tpu.dma_semaphore, #tpu.memory_space<semaphore_mem>>) src(%dma_wait3A_217 : memref<128x128xf32, #tpu.memory_space<hbm>>) dst(%arg10 : memref<128x128xf32, #tpu.memory_space<vmem>>)
        %dma_wait3A_218 = arith.constant 0 : i32
        %dma_wait3A_219 = tpu.memref_slice %arg3[%arg0, %add3A_151, %dma_wait3A_218] : memref<2x1250x128xi32, #tpu.memory_space<hbm>> -> memref<1x1x128xi32, #tpu.memory_space<hbm>>
        %dma_wait3A_220 = tpu.memref_squeeze %dma_wait3A_219 : memref<1x1x128xi32, #tpu.memory_space<hbm>> -> memref<128xi32, #tpu.memory_space<hbm>>
        %dma_wait3A_221 = arith.constant 0 : i32
        %dma_wait3A_222 = tpu.memref_slice %arg3[%arg0, %add3A_151, %dma_wait3A_221] : memref<2x1250x128xi32, #tpu.memory_space<hbm>> -> memref<1x1x128xi32, #tpu.memory_space<hbm>>
        %dma_wait3A_223 = tpu.memref_squeeze %dma_wait3A_222 : memref<1x1x128xi32, #tpu.memory_space<hbm>> -> memref<128xi32, #tpu.memory_space<hbm>>
        tpu.wait_dma2 semaphore(%arg16 : memref<!tpu.dma_semaphore, #tpu.memory_space<semaphore_mem>>) src(%dma_wait3A_223 : memref<128xi32, #tpu.memory_space<hbm>>) dst(%arg12 : memref<128xi32, #tpu.memory_space<vmem>>)
      } else {
      }
      %sub3A = arith.constant 16 : i32
      %sub3A_156 = arith.subi %add3A_151, %sub3A : i32
      %ge3A = arith.constant 0 : i32
      %ge3A_157 = arith.cmpi sge, %sub3A_156, %ge3A : i32
      %sub3A_158 = arith.constant 16 : i32
      %sub3A_159 = arith.subi %add3A_151, %sub3A_158 : i32
      %lt3A_160 = arith.constant 1250 : i32
      %lt3A_161 = arith.cmpi slt, %sub3A_159, %lt3A_160 : i32
      %and3A = arith.andi %ge3A_157, %lt3A_161 : i1
      %convert_element_type3A_162 = arith.extui %and3A : i1 to i32
      %cond3A_163 = arith.constant 0 : i32
      %cond3A_164 = arith.cmpi ne, %convert_element_type3A_162, %cond3A_163 : i32
      scf.if %cond3A_164 {
        %dma_wait3A = arith.constant 0 : i32
        %dma_wait3A_211 = arith.constant 0 : i32
        %dma_wait3A_212 = tpu.memref_slice %arg20[%dma_wait3A, %dma_wait3A_211] : memref<10000x128xf32, #tpu.memory_space<vmem_shared>> -> memref<10000x128xf32, #tpu.memory_space<vmem_shared>>
        tpu.wait_indirect_dma semaphore(%arg19 : memref<!tpu.dma_semaphore, #tpu.memory_space<semaphore_mem>>) src(%arg11 : memref<128x128xf32, #tpu.memory_space<vmem>>) dst(%dma_wait3A_212 : memref<10000x128xf32, #tpu.memory_space<vmem_shared>>)
      } else {
      }
      %lt3A_165 = arith.constant 1250 : i32
      %lt3A_166 = arith.cmpi slt, %add3A_153, %lt3A_165 : i32
      %convert_element_type3A_167 = arith.extui %lt3A_166 : i1 to i32
      %cond3A_168 = arith.constant 0 : i32
      %cond3A_169 = arith.cmpi ne, %convert_element_type3A_167, %cond3A_168 : i32
      scf.if %cond3A_169 {
        %mul3A_211 = arith.constant 128 : i32
        %mul3A_212 = arith.muli %add3A_153, %mul3A_211 : i32
        %dma_start3A_213 = arith.constant 0 : i32
        %dma_start3A_214 = tpu.memref_slice %arg2[%arg0, %mul3A_212, %dma_start3A_213] : memref<2x160000x128xf32, #tpu.memory_space<hbm>> -> memref<1x128x128xf32, #tpu.memory_space<hbm>>
        %dma_start3A_215 = tpu.memref_squeeze %dma_start3A_214 : memref<1x128x128xf32, #tpu.memory_space<hbm>> -> memref<128x128xf32, #tpu.memory_space<hbm>>
        %dma_start3A_216 = arith.constant 0 : i32
        %dma_start3A_217 = tpu.memref_slice %arg2[%arg0, %mul3A_212, %dma_start3A_216] : memref<2x160000x128xf32, #tpu.memory_space<hbm>> -> memref<1x128x128xf32, #tpu.memory_space<hbm>>
        %dma_start3A_218 = tpu.memref_squeeze %dma_start3A_217 : memref<1x128x128xf32, #tpu.memory_space<hbm>> -> memref<128x128xf32, #tpu.memory_space<hbm>>
        tpu.enqueue_dma source(%dma_start3A_218 : memref<128x128xf32, #tpu.memory_space<hbm>>) target(%arg11 : memref<128x128xf32, #tpu.memory_space<vmem>>) target_semaphore(%arg15 : memref<!tpu.dma_semaphore, #tpu.memory_space<semaphore_mem>>)
        %dma_start3A_219 = arith.constant 0 : i32
        %dma_start3A_220 = tpu.memref_slice %arg3[%arg0, %add3A_153, %dma_start3A_219] : memref<2x1250x128xi32, #tpu.memory_space<hbm>> -> memref<1x1x128xi32, #tpu.memory_space<hbm>>
        %dma_start3A_221 = tpu.memref_squeeze %dma_start3A_220 : memref<1x1x128xi32, #tpu.memory_space<hbm>> -> memref<128xi32, #tpu.memory_space<hbm>>
        %dma_start3A_222 = arith.constant 0 : i32
        %dma_start3A_223 = tpu.memref_slice %arg3[%arg0, %add3A_153, %dma_start3A_222] : memref<2x1250x128xi32, #tpu.memory_space<hbm>> -> memref<1x1x128xi32, #tpu.memory_space<hbm>>
        %dma_start3A_224 = tpu.memref_squeeze %dma_start3A_223 : memref<1x1x128xi32, #tpu.memory_space<hbm>> -> memref<128xi32, #tpu.memory_space<hbm>>
        tpu.enqueue_dma source(%dma_start3A_224 : memref<128xi32, #tpu.memory_space<hbm>>) target(%arg13 : memref<128xi32, #tpu.memory_space<vmem>>) target_semaphore(%arg17 : memref<!tpu.dma_semaphore, #tpu.memory_space<semaphore_mem>>)
      } else {
      }
      %lt3A_170 = arith.constant 1250 : i32
      %lt3A_171 = arith.cmpi slt, %add3A_151, %lt3A_170 : i32
      %convert_element_type3A_172 = arith.extui %lt3A_171 : i1 to i32
      %cond3A_173 = arith.constant 0 : i32
      %cond3A_174 = arith.cmpi ne, %convert_element_type3A_172, %cond3A_173 : i32
      scf.if %cond3A_174 {
        %dma_start3A_211 = arith.constant 0 : i32
        %dma_start3A_212 = arith.constant 0 : i32
        %dma_start3A_213 = tpu.memref_slice %arg20[%dma_start3A_211, %dma_start3A_212] : memref<10000x128xf32, #tpu.memory_space<vmem_shared>> -> memref<10000x128xf32, #tpu.memory_space<vmem_shared>>
        tpu.enqueue_indirect_dma source(%arg10 : memref<128x128xf32, #tpu.memory_space<vmem>>) target(%dma_start3A_213 : memref<10000x128xf32, #tpu.memory_space<vmem_shared>>) offsets(%arg12 : memref<128xi32, #tpu.memory_space<vmem>>) semaphore(%arg18 : memref<!tpu.dma_semaphore, #tpu.memory_space<semaphore_mem>>) {add = true}
      } else {
      }
      %mul3A_175 = arith.constant 2 : i32
      %mul3A_176 = arith.muli %mul3A_175, %scan3A_145 : i32
      %add3A_177 = arith.constant 1 : i32
      %add3A_178 = arith.addi %mul3A_176, %add3A_177 : i32
      %mul3A_179 = arith.constant 16 : i32
      %mul3A_180 = arith.muli %mul3A_179, %add3A_178 : i32
      %add3A_181 = arith.addi %arg1, %mul3A_180 : i32
      %add3A_182 = arith.constant 16 : i32
      %add3A_183 = arith.addi %add3A_181, %add3A_182 : i32
      %lt3A_184 = arith.constant 1250 : i32
      %lt3A_185 = arith.cmpi slt, %add3A_181, %lt3A_184 : i32
      %convert_element_type3A_186 = arith.extui %lt3A_185 : i1 to i32
      %cond3A_187 = arith.constant 0 : i32
      %cond3A_188 = arith.cmpi ne, %convert_element_type3A_186, %cond3A_187 : i32
      scf.if %cond3A_188 {
        %mul3A_211 = arith.constant 128 : i32
        %mul3A_212 = arith.muli %add3A_181, %mul3A_211 : i32
        %dma_wait3A = arith.constant 0 : i32
        %dma_wait3A_213 = tpu.memref_slice %arg2[%arg0, %mul3A_212, %dma_wait3A] : memref<2x160000x128xf32, #tpu.memory_space<hbm>> -> memref<1x128x128xf32, #tpu.memory_space<hbm>>
        %dma_wait3A_214 = tpu.memref_squeeze %dma_wait3A_213 : memref<1x128x128xf32, #tpu.memory_space<hbm>> -> memref<128x128xf32, #tpu.memory_space<hbm>>
        %dma_wait3A_215 = arith.constant 0 : i32
        %dma_wait3A_216 = tpu.memref_slice %arg2[%arg0, %mul3A_212, %dma_wait3A_215] : memref<2x160000x128xf32, #tpu.memory_space<hbm>> -> memref<1x128x128xf32, #tpu.memory_space<hbm>>
        %dma_wait3A_217 = tpu.memref_squeeze %dma_wait3A_216 : memref<1x128x128xf32, #tpu.memory_space<hbm>> -> memref<128x128xf32, #tpu.memory_space<hbm>>
        tpu.wait_dma2 semaphore(%arg15 : memref<!tpu.dma_semaphore, #tpu.memory_space<semaphore_mem>>) src(%dma_wait3A_217 : memref<128x128xf32, #tpu.memory_space<hbm>>) dst(%arg11 : memref<128x128xf32, #tpu.memory_space<vmem>>)
        %dma_wait3A_218 = arith.constant 0 : i32
        %dma_wait3A_219 = tpu.memref_slice %arg3[%arg0, %add3A_181, %dma_wait3A_218] : memref<2x1250x128xi32, #tpu.memory_space<hbm>> -> memref<1x1x128xi32, #tpu.memory_space<hbm>>
        %dma_wait3A_220 = tpu.memref_squeeze %dma_wait3A_219 : memref<1x1x128xi32, #tpu.memory_space<hbm>> -> memref<128xi32, #tpu.memory_space<hbm>>
        %dma_wait3A_221 = arith.constant 0 : i32
        %dma_wait3A_222 = tpu.memref_slice %arg3[%arg0, %add3A_181, %dma_wait3A_221] : memref<2x1250x128xi32, #tpu.memory_space<hbm>> -> memref<1x1x128xi32, #tpu.memory_space<hbm>>
        %dma_wait3A_223 = tpu.memref_squeeze %dma_wait3A_222 : memref<1x1x128xi32, #tpu.memory_space<hbm>> -> memref<128xi32, #tpu.memory_space<hbm>>
        tpu.wait_dma2 semaphore(%arg17 : memref<!tpu.dma_semaphore, #tpu.memory_space<semaphore_mem>>) src(%dma_wait3A_223 : memref<128xi32, #tpu.memory_space<hbm>>) dst(%arg13 : memref<128xi32, #tpu.memory_space<vmem>>)
      } else {
      }
      %sub3A_189 = arith.constant 16 : i32
      %sub3A_190 = arith.subi %add3A_181, %sub3A_189 : i32
      %ge3A_191 = arith.constant 0 : i32
      %ge3A_192 = arith.cmpi sge, %sub3A_190, %ge3A_191 : i32
      %sub3A_193 = arith.constant 16 : i32
      %sub3A_194 = arith.subi %add3A_181, %sub3A_193 : i32
      %lt3A_195 = arith.constant 1250 : i32
      %lt3A_196 = arith.cmpi slt, %sub3A_194, %lt3A_195 : i32
      %and3A_197 = arith.andi %ge3A_192, %lt3A_196 : i1
      %convert_element_type3A_198 = arith.extui %and3A_197 : i1 to i32
      %cond3A_199 = arith.constant 0 : i32
      %cond3A_200 = arith.cmpi ne, %convert_element_type3A_198, %cond3A_199 : i32
      scf.if %cond3A_200 {
        %dma_wait3A = arith.constant 0 : i32
        %dma_wait3A_211 = arith.constant 0 : i32
        %dma_wait3A_212 = tpu.memref_slice %arg20[%dma_wait3A, %dma_wait3A_211] : memref<10000x128xf32, #tpu.memory_space<vmem_shared>> -> memref<10000x128xf32, #tpu.memory_space<vmem_shared>>
        tpu.wait_indirect_dma semaphore(%arg18 : memref<!tpu.dma_semaphore, #tpu.memory_space<semaphore_mem>>) src(%arg10 : memref<128x128xf32, #tpu.memory_space<vmem>>) dst(%dma_wait3A_212 : memref<10000x128xf32, #tpu.memory_space<vmem_shared>>)
      } else {
      }
      %lt3A_201 = arith.constant 1250 : i32
      %lt3A_202 = arith.cmpi slt, %add3A_183, %lt3A_201 : i32
      %convert_element_type3A_203 = arith.extui %lt3A_202 : i1 to i32
      %cond3A_204 = arith.constant 0 : i32
      %cond3A_205 = arith.cmpi ne, %convert_element_type3A_203, %cond3A_204 : i32
      scf.if %cond3A_205 {
        %mul3A_211 = arith.constant 128 : i32
        %mul3A_212 = arith.muli %add3A_183, %mul3A_211 : i32
        %dma_start3A_213 = arith.constant 0 : i32
        %dma_start3A_214 = tpu.memref_slice %arg2[%arg0, %mul3A_212, %dma_start3A_213] : memref<2x160000x128xf32, #tpu.memory_space<hbm>> -> memref<1x128x128xf32, #tpu.memory_space<hbm>>
        %dma_start3A_215 = tpu.memref_squeeze %dma_start3A_214 : memref<1x128x128xf32, #tpu.memory_space<hbm>> -> memref<128x128xf32, #tpu.memory_space<hbm>>
        %dma_start3A_216 = arith.constant 0 : i32
        %dma_start3A_217 = tpu.memref_slice %arg2[%arg0, %mul3A_212, %dma_start3A_216] : memref<2x160000x128xf32, #tpu.memory_space<hbm>> -> memref<1x128x128xf32, #tpu.memory_space<hbm>>
        %dma_start3A_218 = tpu.memref_squeeze %dma_start3A_217 : memref<1x128x128xf32, #tpu.memory_space<hbm>> -> memref<128x128xf32, #tpu.memory_space<hbm>>
        tpu.enqueue_dma source(%dma_start3A_218 : memref<128x128xf32, #tpu.memory_space<hbm>>) target(%arg10 : memref<128x128xf32, #tpu.memory_space<vmem>>) target_semaphore(%arg14 : memref<!tpu.dma_semaphore, #tpu.memory_space<semaphore_mem>>)
        %dma_start3A_219 = arith.constant 0 : i32
        %dma_start3A_220 = tpu.memref_slice %arg3[%arg0, %add3A_183, %dma_start3A_219] : memref<2x1250x128xi32, #tpu.memory_space<hbm>> -> memref<1x1x128xi32, #tpu.memory_space<hbm>>
        %dma_start3A_221 = tpu.memref_squeeze %dma_start3A_220 : memref<1x1x128xi32, #tpu.memory_space<hbm>> -> memref<128xi32, #tpu.memory_space<hbm>>
        %dma_start3A_222 = arith.constant 0 : i32
        %dma_start3A_223 = tpu.memref_slice %arg3[%arg0, %add3A_183, %dma_start3A_222] : memref<2x1250x128xi32, #tpu.memory_space<hbm>> -> memref<1x1x128xi32, #tpu.memory_space<hbm>>
        %dma_start3A_224 = tpu.memref_squeeze %dma_start3A_223 : memref<1x1x128xi32, #tpu.memory_space<hbm>> -> memref<128xi32, #tpu.memory_space<hbm>>
        tpu.enqueue_dma source(%dma_start3A_224 : memref<128xi32, #tpu.memory_space<hbm>>) target(%arg12 : memref<128xi32, #tpu.memory_space<vmem>>) target_semaphore(%arg16 : memref<!tpu.dma_semaphore, #tpu.memory_space<semaphore_mem>>)
      } else {
      }
      %lt3A_206 = arith.constant 1250 : i32
      %lt3A_207 = arith.cmpi slt, %add3A_181, %lt3A_206 : i32
      %convert_element_type3A_208 = arith.extui %lt3A_207 : i1 to i32
      %cond3A_209 = arith.constant 0 : i32
      %cond3A_210 = arith.cmpi ne, %convert_element_type3A_208, %cond3A_209 : i32
      scf.if %cond3A_210 {
        %dma_start3A_211 = arith.constant 0 : i32
        %dma_start3A_212 = arith.constant 0 : i32
        %dma_start3A_213 = tpu.memref_slice %arg20[%dma_start3A_211, %dma_start3A_212] : memref<10000x128xf32, #tpu.memory_space<vmem_shared>> -> memref<10000x128xf32, #tpu.memory_space<vmem_shared>>
        tpu.enqueue_indirect_dma source(%arg11 : memref<128x128xf32, #tpu.memory_space<vmem>>) target(%dma_start3A_213 : memref<10000x128xf32, #tpu.memory_space<vmem_shared>>) offsets(%arg13 : memref<128xi32, #tpu.memory_space<vmem>>) semaphore(%arg19 : memref<!tpu.dma_semaphore, #tpu.memory_space<semaphore_mem>>) {add = true}
      } else {
      }
    }
    %scan3A_29 = arith.constant 40 : i32
    %barrier3A_30 = arith.constant 0 : index
    tpu.barrier barrier_id(%barrier3A_30)
    %scan3A_31 = arith.constant 0 : i32
    %scan3A_32 = arith.constant 0 : i32
    %scan3A_33 = arith.constant 8 : i32
    %scan3A_34 = arith.addi %scan3A_32, %scan3A_33 : i32
    %scan3A_35 = arith.constant 1 : i32
    scf.for %scan3A_145 = %scan3A_32 to %scan3A_34 step %scan3A_35  : i32 {
      %mul3A_146 = arith.constant 16 : i32
      %mul3A_147 = arith.muli %mul3A_146, %scan3A_145 : i32
      %add3A = arith.addi %arg1, %mul3A_147 : i32
      %lt3A = arith.constant 125 : i32
      %lt3A_148 = arith.cmpi slt, %add3A, %lt3A : i32
      %convert_element_type3A = arith.extui %lt3A_148 : i1 to i32
      %cond3A = arith.constant 0 : i32
      %cond3A_149 = arith.cmpi ne, %convert_element_type3A, %cond3A : i32
      scf.if %cond3A_149 {
        %mul3A_150 = arith.constant 80 : i32
        %mul3A_151 = arith.muli %add3A, %mul3A_150 : i32
        "tpu.region"() ({
          %run_scoped3A = tpu.sem_alloc : memref<!tpu.dma_semaphore, #tpu.memory_space<semaphore_mem>>
          %dma_start3A_154 = arith.constant 0 : i32
          %dma_start3A_155 = arith.constant 0 : i32
          %dma_start3A_156 = tpu.memref_slice %arg10[%dma_start3A_154, %dma_start3A_155] : memref<128x128xf32, #tpu.memory_space<vmem>> -> memref<80x128xf32, #tpu.memory_space<vmem>>
          %dma_start3A_157 = arith.constant 0 : i32
          %dma_start3A_158 = tpu.memref_slice %arg20[%mul3A_151, %dma_start3A_157] : memref<10000x128xf32, #tpu.memory_space<vmem_shared>> -> memref<80x128xf32, #tpu.memory_space<vmem_shared>>
          %dma_start3A_159 = arith.constant 0 : i32
          %dma_start3A_160 = arith.constant 0 : i32
          %dma_start3A_161 = tpu.memref_slice %arg10[%dma_start3A_159, %dma_start3A_160] : memref<128x128xf32, #tpu.memory_space<vmem>> -> memref<80x128xf32, #tpu.memory_space<vmem>>
          %dma_start3A_162 = arith.constant 0 : i32
          %dma_start3A_163 = tpu.memref_slice %arg20[%mul3A_151, %dma_start3A_162] : memref<10000x128xf32, #tpu.memory_space<vmem_shared>> -> memref<80x128xf32, #tpu.memory_space<vmem_shared>>
          tpu.enqueue_dma source(%dma_start3A_163 : memref<80x128xf32, #tpu.memory_space<vmem_shared>>) target(%dma_start3A_161 : memref<80x128xf32, #tpu.memory_space<vmem>>) target_semaphore(%run_scoped3A : memref<!tpu.dma_semaphore, #tpu.memory_space<semaphore_mem>>)
          %dma_wait3A = arith.constant 0 : i32
          %dma_wait3A_164 = arith.constant 0 : i32
          %dma_wait3A_165 = tpu.memref_slice %arg10[%dma_wait3A, %dma_wait3A_164] : memref<128x128xf32, #tpu.memory_space<vmem>> -> memref<80x128xf32, #tpu.memory_space<vmem>>
          %dma_wait3A_166 = arith.constant 0 : i32
          %dma_wait3A_167 = tpu.memref_slice %arg20[%mul3A_151, %dma_wait3A_166] : memref<10000x128xf32, #tpu.memory_space<vmem_shared>> -> memref<80x128xf32, #tpu.memory_space<vmem_shared>>
          %dma_wait3A_168 = arith.constant 0 : i32
          %dma_wait3A_169 = arith.constant 0 : i32
          %dma_wait3A_170 = tpu.memref_slice %arg10[%dma_wait3A_168, %dma_wait3A_169] : memref<128x128xf32, #tpu.memory_space<vmem>> -> memref<80x128xf32, #tpu.memory_space<vmem>>
          %dma_wait3A_171 = arith.constant 0 : i32
          %dma_wait3A_172 = tpu.memref_slice %arg20[%mul3A_151, %dma_wait3A_171] : memref<10000x128xf32, #tpu.memory_space<vmem_shared>> -> memref<80x128xf32, #tpu.memory_space<vmem_shared>>
          tpu.wait_dma2 semaphore(%run_scoped3A : memref<!tpu.dma_semaphore, #tpu.memory_space<semaphore_mem>>) src(%dma_wait3A_172 : memref<80x128xf32, #tpu.memory_space<vmem_shared>>) dst(%dma_wait3A_170 : memref<80x128xf32, #tpu.memory_space<vmem>>)
          tpu.yield
        }) : () -> ()
        %mul3A_152 = arith.constant 80 : i32
        %mul3A_153 = arith.muli %add3A, %mul3A_152 : i32
        "tpu.region"() ({
          %run_scoped3A = tpu.sem_alloc : memref<!tpu.dma_semaphore, #tpu.memory_space<semaphore_mem>>
          %dma_start3A_154 = arith.constant 0 : i32
          %dma_start3A_155 = arith.constant 0 : i32
          %dma_start3A_156 = tpu.memref_slice %arg10[%dma_start3A_154, %dma_start3A_155] : memref<128x128xf32, #tpu.memory_space<vmem>> -> memref<80x128xf32, #tpu.memory_space<vmem>>
          %dma_start3A_157 = arith.constant 0 : i32
          %dma_start3A_158 = tpu.memref_slice %arg6[%arg0, %mul3A_153, %dma_start3A_157] : memref<2x10000x128xf32, #tpu.memory_space<hbm>> -> memref<1x80x128xf32, #tpu.memory_space<hbm>>
          %dma_start3A_159 = tpu.memref_squeeze %dma_start3A_158 : memref<1x80x128xf32, #tpu.memory_space<hbm>> -> memref<80x128xf32, #tpu.memory_space<hbm>>
          %dma_start3A_160 = arith.constant 0 : i32
          %dma_start3A_161 = tpu.memref_slice %arg6[%arg0, %mul3A_153, %dma_start3A_160] : memref<2x10000x128xf32, #tpu.memory_space<hbm>> -> memref<1x80x128xf32, #tpu.memory_space<hbm>>
          %dma_start3A_162 = tpu.memref_squeeze %dma_start3A_161 : memref<1x80x128xf32, #tpu.memory_space<hbm>> -> memref<80x128xf32, #tpu.memory_space<hbm>>
          %dma_start3A_163 = arith.constant 0 : i32
          %dma_start3A_164 = arith.constant 0 : i32
          %dma_start3A_165 = tpu.memref_slice %arg10[%dma_start3A_163, %dma_start3A_164] : memref<128x128xf32, #tpu.memory_space<vmem>> -> memref<80x128xf32, #tpu.memory_space<vmem>>
          tpu.enqueue_dma source(%dma_start3A_165 : memref<80x128xf32, #tpu.memory_space<vmem>>) target(%dma_start3A_162 : memref<80x128xf32, #tpu.memory_space<hbm>>) target_semaphore(%run_scoped3A : memref<!tpu.dma_semaphore, #tpu.memory_space<semaphore_mem>>)
          %dma_wait3A = arith.constant 0 : i32
          %dma_wait3A_166 = arith.constant 0 : i32
          %dma_wait3A_167 = tpu.memref_slice %arg10[%dma_wait3A, %dma_wait3A_166] : memref<128x128xf32, #tpu.memory_space<vmem>> -> memref<80x128xf32, #tpu.memory_space<vmem>>
          %dma_wait3A_168 = arith.constant 0 : i32
          %dma_wait3A_169 = tpu.memref_slice %arg6[%arg0, %mul3A_153, %dma_wait3A_168] : memref<2x10000x128xf32, #tpu.memory_space<hbm>> -> memref<1x80x128xf32, #tpu.memory_space<hbm>>
          %dma_wait3A_170 = tpu.memref_squeeze %dma_wait3A_169 : memref<1x80x128xf32, #tpu.memory_space<hbm>> -> memref<80x128xf32, #tpu.memory_space<hbm>>
          %dma_wait3A_171 = arith.constant 0 : i32
          %dma_wait3A_172 = tpu.memref_slice %arg6[%arg0, %mul3A_153, %dma_wait3A_171] : memref<2x10000x128xf32, #tpu.memory_space<hbm>> -> memref<1x80x128xf32, #tpu.memory_space<hbm>>
          %dma_wait3A_173 = tpu.memref_squeeze %dma_wait3A_172 : memref<1x80x128xf32, #tpu.memory_space<hbm>> -> memref<80x128xf32, #tpu.memory_space<hbm>>
          %dma_wait3A_174 = arith.constant 0 : i32
          %dma_wait3A_175 = arith.constant 0 : i32
          %dma_wait3A_176 = tpu.memref_slice %arg10[%dma_wait3A_174, %dma_wait3A_175] : memref<128x128xf32, #tpu.memory_space<vmem>> -> memref<80x128xf32, #tpu.memory_space<vmem>>
          tpu.wait_dma2 semaphore(%run_scoped3A : memref<!tpu.dma_semaphore, #tpu.memory_space<semaphore_mem>>) src(%dma_wait3A_176 : memref<80x128xf32, #tpu.memory_space<vmem>>) dst(%dma_wait3A_173 : memref<80x128xf32, #tpu.memory_space<hbm>>)
          tpu.yield
        }) : () -> ()
      } else {
      }
    }
    %scan3A_36 = arith.constant 8 : i32
    %barrier3A_37 = arith.constant 0 : index
    tpu.barrier barrier_id(%barrier3A_37)
    %scan3A_38 = arith.constant 0 : i32
    %scan3A_39 = arith.constant 0 : i32
    %scan3A_40 = arith.constant 640 : i32
    %scan3A_41 = arith.addi %scan3A_39, %scan3A_40 : i32
    %scan3A_42 = arith.constant 1 : i32
    scf.for %scan3A_145 = %scan3A_39 to %scan3A_41 step %scan3A_42  : i32 {
      %jit3A = arith.constant 8 : i32
      %div3A = arith.divsi %scan3A_145, %jit3A : i32
      %sign3A = arith.constant 0 : i32
      %sign3A_146 = arith.cmpi sgt, %scan3A_145, %sign3A : i32
      %sign3A_147 = arith.extui %sign3A_146 : i1 to i32
      %sign3A_148 = arith.constant 0 : i32
      %sign3A_149 = arith.cmpi slt, %scan3A_145, %sign3A_148 : i32
      %sign3A_150 = arith.extui %sign3A_149 : i1 to i32
      %sign3A_151 = arith.subi %sign3A_147, %sign3A_150 : i32
      %sign3A_152 = arith.constant 0 : i32
      %sign3A_153 = arith.cmpi sgt, %jit3A, %sign3A_152 : i32
      %sign3A_154 = arith.extui %sign3A_153 : i1 to i32
      %sign3A_155 = arith.constant 0 : i32
      %sign3A_156 = arith.cmpi slt, %jit3A, %sign3A_155 : i32
      %sign3A_157 = arith.extui %sign3A_156 : i1 to i32
      %sign3A_158 = arith.subi %sign3A_154, %sign3A_157 : i32
      %ne3A = arith.cmpi ne, %sign3A_151, %sign3A_158 : i32
      %rem3A = arith.remsi %scan3A_145, %jit3A : i32
      %ne3A_159 = arith.constant 0 : i32
      %ne3A_160 = arith.cmpi ne, %rem3A, %ne3A_159 : i32
      %and3A = arith.andi %ne3A, %ne3A_160 : i1
      %sub3A = arith.constant 1 : i32
      %sub3A_161 = arith.subi %div3A, %sub3A : i32
      %select_n3A = arith.select %and3A, %sub3A_161, %div3A : i32
      %jit3A_162 = arith.constant 8 : i32
      %eq3A = arith.constant 0 : i32
      %eq3A_163 = arith.cmpi eq, %jit3A_162, %eq3A : i32
      %jit3A_164 = arith.constant 1 : i32
      %select_n3A_165 = arith.select %eq3A_163, %jit3A_164, %jit3A_162 : i32
      %rem3A_166 = arith.remsi %scan3A_145, %select_n3A_165 : i32
      %ne3A_167 = arith.constant 0 : i32
      %ne3A_168 = arith.cmpi ne, %rem3A_166, %ne3A_167 : i32
      %lt3A = arith.constant 0 : i32
      %lt3A_169 = arith.cmpi slt, %rem3A_166, %lt3A : i32
      %lt3A_170 = arith.constant 0 : i32
      %lt3A_171 = arith.cmpi slt, %select_n3A_165, %lt3A_170 : i32
      %ne3A_172 = arith.xori %lt3A_169, %lt3A_171 : i1
      %and3A_173 = arith.andi %ne3A_172, %ne3A_168 : i1
      %add3A = arith.addi %rem3A_166, %select_n3A_165 : i32
      %select_n3A_174 = arith.select %and3A_173, %add3A, %rem3A_166 : i32
      %mul3A_175 = arith.constant 16 : i32
      %mul3A_176 = arith.muli %select_n3A_174, %mul3A_175 : i32
      %swap3A = arith.index_cast %select_n3A : i32 to index
      %swap3A_177 = arith.index_cast %mul3A_176 : i32 to index
      %swap3A_178 = tpu.vector_load %arg10[%swap3A, %swap3A_177] {strides = array<i32>} : memref<128x128xf32, #tpu.memory_space<vmem>>, vector<1x16xf32>,
      %swap3A_179 = vector.shape_cast %swap3A_178 : vector<1x16xf32> to vector<16xf32>
      %swap3A_180 = vector.shape_cast %broadcast_in_dim3A_0 : vector<16xf32> to vector<1x16xf32>
      tpu.vector_store %arg10[%swap3A, %swap3A_177], %swap3A_180 {strides = array<i32>} : memref<128x128xf32, #tpu.memory_space<vmem>>, vector<1x16xf32>,
    }
    %scan3A_43 = arith.constant 640 : i32
    %scan3A_44 = arith.constant 0 : i32
    %scan3A_45 = arith.constant 0 : i32
    %scan3A_46 = arith.constant 8 : i32
    %scan3A_47 = arith.addi %scan3A_45, %scan3A_46 : i32
    %scan3A_48 = arith.constant 1 : i32
    scf.for %scan3A_145 = %scan3A_45 to %scan3A_47 step %scan3A_48  : i32 {
      %mul3A_146 = arith.constant 16 : i32
      %mul3A_147 = arith.muli %mul3A_146, %scan3A_145 : i32
      %add3A = arith.addi %arg1, %mul3A_147 : i32
      %lt3A = arith.constant 125 : i32
      %lt3A_148 = arith.cmpi slt, %add3A, %lt3A : i32
      %convert_element_type3A = arith.extui %lt3A_148 : i1 to i32
      %cond3A = arith.constant 0 : i32
      %cond3A_149 = arith.cmpi ne, %convert_element_type3A, %cond3A : i32
      scf.if %cond3A_149 {
        %mul3A_150 = arith.constant 80 : i32
        %mul3A_151 = arith.muli %add3A, %mul3A_150 : i32
        "tpu.region"() ({
          %run_scoped3A = tpu.sem_alloc : memref<!tpu.dma_semaphore, #tpu.memory_space<semaphore_mem>>
          %dma_start3A_152 = arith.constant 0 : i32
          %dma_start3A_153 = arith.constant 0 : i32
          %dma_start3A_154 = tpu.memref_slice %arg10[%dma_start3A_152, %dma_start3A_153] : memref<128x128xf32, #tpu.memory_space<vmem>> -> memref<80x128xf32, #tpu.memory_space<vmem>>
          %dma_start3A_155 = arith.constant 0 : i32
          %dma_start3A_156 = tpu.memref_slice %arg20[%mul3A_151, %dma_start3A_155] : memref<10000x128xf32, #tpu.memory_space<vmem_shared>> -> memref<80x128xf32, #tpu.memory_space<vmem_shared>>
          %dma_start3A_157 = arith.constant 0 : i32
          %dma_start3A_158 = tpu.memref_slice %arg20[%mul3A_151, %dma_start3A_157] : memref<10000x128xf32, #tpu.memory_space<vmem_shared>> -> memref<80x128xf32, #tpu.memory_space<vmem_shared>>
          %dma_start3A_159 = arith.constant 0 : i32
          %dma_start3A_160 = arith.constant 0 : i32
          %dma_start3A_161 = tpu.memref_slice %arg10[%dma_start3A_159, %dma_start3A_160] : memref<128x128xf32, #tpu.memory_space<vmem>> -> memref<80x128xf32, #tpu.memory_space<vmem>>
          tpu.enqueue_dma source(%dma_start3A_161 : memref<80x128xf32, #tpu.memory_space<vmem>>) target(%dma_start3A_158 : memref<80x128xf32, #tpu.memory_space<vmem_shared>>) target_semaphore(%run_scoped3A : memref<!tpu.dma_semaphore, #tpu.memory_space<semaphore_mem>>)
          %dma_wait3A = arith.constant 0 : i32
          %dma_wait3A_162 = arith.constant 0 : i32
          %dma_wait3A_163 = tpu.memref_slice %arg10[%dma_wait3A, %dma_wait3A_162] : memref<128x128xf32, #tpu.memory_space<vmem>> -> memref<80x128xf32, #tpu.memory_space<vmem>>
          %dma_wait3A_164 = arith.constant 0 : i32
          %dma_wait3A_165 = tpu.memref_slice %arg20[%mul3A_151, %dma_wait3A_164] : memref<10000x128xf32, #tpu.memory_space<vmem_shared>> -> memref<80x128xf32, #tpu.memory_space<vmem_shared>>
          %dma_wait3A_166 = arith.constant 0 : i32
          %dma_wait3A_167 = tpu.memref_slice %arg20[%mul3A_151, %dma_wait3A_166] : memref<10000x128xf32, #tpu.memory_space<vmem_shared>> -> memref<80x128xf32, #tpu.memory_space<vmem_shared>>
          %dma_wait3A_168 = arith.constant 0 : i32
          %dma_wait3A_169 = arith.constant 0 : i32
          %dma_wait3A_170 = tpu.memref_slice %arg10[%dma_wait3A_168, %dma_wait3A_169] : memref<128x128xf32, #tpu.memory_space<vmem>> -> memref<80x128xf32, #tpu.memory_space<vmem>>
          tpu.wait_dma2 semaphore(%run_scoped3A : memref<!tpu.dma_semaphore, #tpu.memory_space<semaphore_mem>>) src(%dma_wait3A_170 : memref<80x128xf32, #tpu.memory_space<vmem>>) dst(%dma_wait3A_167 : memref<80x128xf32, #tpu.memory_space<vmem_shared>>)
          tpu.yield
        }) : () -> ()
      } else {
      }
    }
    %scan3A_49 = arith.constant 8 : i32
    %barrier3A_50 = arith.constant 0 : index
    tpu.barrier barrier_id(%barrier3A_50)
    %mul3A_51 = arith.constant 128 : i32
    %mul3A_52 = arith.muli %arg1, %mul3A_51 : i32
    %dma_start3A_53 = arith.constant 0 : i32
    %dma_start3A_54 = tpu.memref_slice %arg2[%arg0, %mul3A_52, %dma_start3A_53] : memref<2x160000x128xf32, #tpu.memory_space<hbm>> -> memref<1x128x128xf32, #tpu.memory_space<hbm>>
    %dma_start3A_55 = tpu.memref_squeeze %dma_start3A_54 : memref<1x128x128xf32, #tpu.memory_space<hbm>> -> memref<128x128xf32, #tpu.memory_space<hbm>>
    %dma_start3A_56 = arith.constant 0 : i32
    %dma_start3A_57 = tpu.memref_slice %arg2[%arg0, %mul3A_52, %dma_start3A_56] : memref<2x160000x128xf32, #tpu.memory_space<hbm>> -> memref<1x128x128xf32, #tpu.memory_space<hbm>>
    %dma_start3A_58 = tpu.memref_squeeze %dma_start3A_57 : memref<1x128x128xf32, #tpu.memory_space<hbm>> -> memref<128x128xf32, #tpu.memory_space<hbm>>
    tpu.enqueue_dma source(%dma_start3A_58 : memref<128x128xf32, #tpu.memory_space<hbm>>) target(%arg10 : memref<128x128xf32, #tpu.memory_space<vmem>>) target_semaphore(%arg14 : memref<!tpu.dma_semaphore, #tpu.memory_space<semaphore_mem>>)
    %dma_start3A_59 = arith.constant 0 : i32
    %dma_start3A_60 = tpu.memref_slice %arg4[%arg0, %arg1, %dma_start3A_59] : memref<2x1250x128xi32, #tpu.memory_space<hbm>> -> memref<1x1x128xi32, #tpu.memory_space<hbm>>
    %dma_start3A_61 = tpu.memref_squeeze %dma_start3A_60 : memref<1x1x128xi32, #tpu.memory_space<hbm>> -> memref<128xi32, #tpu.memory_space<hbm>>
    %dma_start3A_62 = arith.constant 0 : i32
    %dma_start3A_63 = tpu.memref_slice %arg4[%arg0, %arg1, %dma_start3A_62] : memref<2x1250x128xi32, #tpu.memory_space<hbm>> -> memref<1x1x128xi32, #tpu.memory_space<hbm>>
    %dma_start3A_64 = tpu.memref_squeeze %dma_start3A_63 : memref<1x1x128xi32, #tpu.memory_space<hbm>> -> memref<128xi32, #tpu.memory_space<hbm>>
    tpu.enqueue_dma source(%dma_start3A_64 : memref<128xi32, #tpu.memory_space<hbm>>) target(%arg12 : memref<128xi32, #tpu.memory_space<vmem>>) target_semaphore(%arg16 : memref<!tpu.dma_semaphore, #tpu.memory_space<semaphore_mem>>)
    %scan3A_65 = arith.constant 0 : i32
    %scan3A_66 = arith.constant 0 : i32
    %scan3A_67 = arith.constant 40 : i32
    %scan3A_68 = arith.addi %scan3A_66, %scan3A_67 : i32
    %scan3A_69 = arith.constant 1 : i32
    scf.for %scan3A_145 = %scan3A_66 to %scan3A_68 step %scan3A_69  : i32 {
      %mul3A_146 = arith.constant 2 : i32
      %mul3A_147 = arith.muli %mul3A_146, %scan3A_145 : i32
      %add3A = arith.constant 0 : i32
      %add3A_148 = arith.addi %mul3A_147, %add3A : i32
      %mul3A_149 = arith.constant 16 : i32
      %mul3A_150 = arith.muli %mul3A_149, %add3A_148 : i32
      %add3A_151 = arith.addi %arg1, %mul3A_150 : i32
      %add3A_152 = arith.constant 16 : i32
      %add3A_153 = arith.addi %add3A_151, %add3A_152 : i32
      %lt3A = arith.constant 1250 : i32
      %lt3A_154 = arith.cmpi slt, %add3A_151, %lt3A : i32
      %convert_element_type3A = arith.extui %lt3A_154 : i1 to i32
      %cond3A = arith.constant 0 : i32
      %cond3A_155 = arith.cmpi ne, %convert_element_type3A, %cond3A : i32
      scf.if %cond3A_155 {
        %mul3A_211 = arith.constant 128 : i32
        %mul3A_212 = arith.muli %add3A_151, %mul3A_211 : i32
        %dma_wait3A = arith.constant 0 : i32
        %dma_wait3A_213 = tpu.memref_slice %arg2[%arg0, %mul3A_212, %dma_wait3A] : memref<2x160000x128xf32, #tpu.memory_space<hbm>> -> memref<1x128x128xf32, #tpu.memory_space<hbm>>
        %dma_wait3A_214 = tpu.memref_squeeze %dma_wait3A_213 : memref<1x128x128xf32, #tpu.memory_space<hbm>> -> memref<128x128xf32, #tpu.memory_space<hbm>>
        %dma_wait3A_215 = arith.constant 0 : i32
        %dma_wait3A_216 = tpu.memref_slice %arg2[%arg0, %mul3A_212, %dma_wait3A_215] : memref<2x160000x128xf32, #tpu.memory_space<hbm>> -> memref<1x128x128xf32, #tpu.memory_space<hbm>>
        %dma_wait3A_217 = tpu.memref_squeeze %dma_wait3A_216 : memref<1x128x128xf32, #tpu.memory_space<hbm>> -> memref<128x128xf32, #tpu.memory_space<hbm>>
        tpu.wait_dma2 semaphore(%arg14 : memref<!tpu.dma_semaphore, #tpu.memory_space<semaphore_mem>>) src(%dma_wait3A_217 : memref<128x128xf32, #tpu.memory_space<hbm>>) dst(%arg10 : memref<128x128xf32, #tpu.memory_space<vmem>>)
        %dma_wait3A_218 = arith.constant 0 : i32
        %dma_wait3A_219 = tpu.memref_slice %arg4[%arg0, %add3A_151, %dma_wait3A_218] : memref<2x1250x128xi32, #tpu.memory_space<hbm>> -> memref<1x1x128xi32, #tpu.memory_space<hbm>>
        %dma_wait3A_220 = tpu.memref_squeeze %dma_wait3A_219 : memref<1x1x128xi32, #tpu.memory_space<hbm>> -> memref<128xi32, #tpu.memory_space<hbm>>
        %dma_wait3A_221 = arith.constant 0 : i32
        %dma_wait3A_222 = tpu.memref_slice %arg4[%arg0, %add3A_151, %dma_wait3A_221] : memref<2x1250x128xi32, #tpu.memory_space<hbm>> -> memref<1x1x128xi32, #tpu.memory_space<hbm>>
        %dma_wait3A_223 = tpu.memref_squeeze %dma_wait3A_222 : memref<1x1x128xi32, #tpu.memory_space<hbm>> -> memref<128xi32, #tpu.memory_space<hbm>>
        tpu.wait_dma2 semaphore(%arg16 : memref<!tpu.dma_semaphore, #tpu.memory_space<semaphore_mem>>) src(%dma_wait3A_223 : memref<128xi32, #tpu.memory_space<hbm>>) dst(%arg12 : memref<128xi32, #tpu.memory_space<vmem>>)
      } else {
      }
      %sub3A = arith.constant 16 : i32
      %sub3A_156 = arith.subi %add3A_151, %sub3A : i32
      %ge3A = arith.constant 0 : i32
      %ge3A_157 = arith.cmpi sge, %sub3A_156, %ge3A : i32
      %sub3A_158 = arith.constant 16 : i32
      %sub3A_159 = arith.subi %add3A_151, %sub3A_158 : i32
      %lt3A_160 = arith.constant 1250 : i32
      %lt3A_161 = arith.cmpi slt, %sub3A_159, %lt3A_160 : i32
      %and3A = arith.andi %ge3A_157, %lt3A_161 : i1
      %convert_element_type3A_162 = arith.extui %and3A : i1 to i32
      %cond3A_163 = arith.constant 0 : i32
      %cond3A_164 = arith.cmpi ne, %convert_element_type3A_162, %cond3A_163 : i32
      scf.if %cond3A_164 {
        %dma_wait3A = arith.constant 0 : i32
        %dma_wait3A_211 = arith.constant 0 : i32
        %dma_wait3A_212 = tpu.memref_slice %arg20[%dma_wait3A, %dma_wait3A_211] : memref<10000x128xf32, #tpu.memory_space<vmem_shared>> -> memref<10000x128xf32, #tpu.memory_space<vmem_shared>>
        tpu.wait_indirect_dma semaphore(%arg19 : memref<!tpu.dma_semaphore, #tpu.memory_space<semaphore_mem>>) src(%arg11 : memref<128x128xf32, #tpu.memory_space<vmem>>) dst(%dma_wait3A_212 : memref<10000x128xf32, #tpu.memory_space<vmem_shared>>)
      } else {
      }
      %lt3A_165 = arith.constant 1250 : i32
      %lt3A_166 = arith.cmpi slt, %add3A_153, %lt3A_165 : i32
      %convert_element_type3A_167 = arith.extui %lt3A_166 : i1 to i32
      %cond3A_168 = arith.constant 0 : i32
      %cond3A_169 = arith.cmpi ne, %convert_element_type3A_167, %cond3A_168 : i32
      scf.if %cond3A_169 {
        %mul3A_211 = arith.constant 128 : i32
        %mul3A_212 = arith.muli %add3A_153, %mul3A_211 : i32
        %dma_start3A_213 = arith.constant 0 : i32
        %dma_start3A_214 = tpu.memref_slice %arg2[%arg0, %mul3A_212, %dma_start3A_213] : memref<2x160000x128xf32, #tpu.memory_space<hbm>> -> memref<1x128x128xf32, #tpu.memory_space<hbm>>
        %dma_start3A_215 = tpu.memref_squeeze %dma_start3A_214 : memref<1x128x128xf32, #tpu.memory_space<hbm>> -> memref<128x128xf32, #tpu.memory_space<hbm>>
        %dma_start3A_216 = arith.constant 0 : i32
        %dma_start3A_217 = tpu.memref_slice %arg2[%arg0, %mul3A_212, %dma_start3A_216] : memref<2x160000x128xf32, #tpu.memory_space<hbm>> -> memref<1x128x128xf32, #tpu.memory_space<hbm>>
        %dma_start3A_218 = tpu.memref_squeeze %dma_start3A_217 : memref<1x128x128xf32, #tpu.memory_space<hbm>> -> memref<128x128xf32, #tpu.memory_space<hbm>>
        tpu.enqueue_dma source(%dma_start3A_218 : memref<128x128xf32, #tpu.memory_space<hbm>>) target(%arg11 : memref<128x128xf32, #tpu.memory_space<vmem>>) target_semaphore(%arg15 : memref<!tpu.dma_semaphore, #tpu.memory_space<semaphore_mem>>)
        %dma_start3A_219 = arith.constant 0 : i32
        %dma_start3A_220 = tpu.memref_slice %arg4[%arg0, %add3A_153, %dma_start3A_219] : memref<2x1250x128xi32, #tpu.memory_space<hbm>> -> memref<1x1x128xi32, #tpu.memory_space<hbm>>
        %dma_start3A_221 = tpu.memref_squeeze %dma_start3A_220 : memref<1x1x128xi32, #tpu.memory_space<hbm>> -> memref<128xi32, #tpu.memory_space<hbm>>
        %dma_start3A_222 = arith.constant 0 : i32
        %dma_start3A_223 = tpu.memref_slice %arg4[%arg0, %add3A_153, %dma_start3A_222] : memref<2x1250x128xi32, #tpu.memory_space<hbm>> -> memref<1x1x128xi32, #tpu.memory_space<hbm>>
        %dma_start3A_224 = tpu.memref_squeeze %dma_start3A_223 : memref<1x1x128xi32, #tpu.memory_space<hbm>> -> memref<128xi32, #tpu.memory_space<hbm>>
        tpu.enqueue_dma source(%dma_start3A_224 : memref<128xi32, #tpu.memory_space<hbm>>) target(%arg13 : memref<128xi32, #tpu.memory_space<vmem>>) target_semaphore(%arg17 : memref<!tpu.dma_semaphore, #tpu.memory_space<semaphore_mem>>)
      } else {
      }
      %lt3A_170 = arith.constant 1250 : i32
      %lt3A_171 = arith.cmpi slt, %add3A_151, %lt3A_170 : i32
      %convert_element_type3A_172 = arith.extui %lt3A_171 : i1 to i32
      %cond3A_173 = arith.constant 0 : i32
      %cond3A_174 = arith.cmpi ne, %convert_element_type3A_172, %cond3A_173 : i32
      scf.if %cond3A_174 {
        %dma_start3A_211 = arith.constant 0 : i32
        %dma_start3A_212 = arith.constant 0 : i32
        %dma_start3A_213 = tpu.memref_slice %arg20[%dma_start3A_211, %dma_start3A_212] : memref<10000x128xf32, #tpu.memory_space<vmem_shared>> -> memref<10000x128xf32, #tpu.memory_space<vmem_shared>>
        tpu.enqueue_indirect_dma source(%arg10 : memref<128x128xf32, #tpu.memory_space<vmem>>) target(%dma_start3A_213 : memref<10000x128xf32, #tpu.memory_space<vmem_shared>>) offsets(%arg12 : memref<128xi32, #tpu.memory_space<vmem>>) semaphore(%arg18 : memref<!tpu.dma_semaphore, #tpu.memory_space<semaphore_mem>>) {add = true}
      } else {
      }
      %mul3A_175 = arith.constant 2 : i32
      %mul3A_176 = arith.muli %mul3A_175, %scan3A_145 : i32
      %add3A_177 = arith.constant 1 : i32
      %add3A_178 = arith.addi %mul3A_176, %add3A_177 : i32
      %mul3A_179 = arith.constant 16 : i32
      %mul3A_180 = arith.muli %mul3A_179, %add3A_178 : i32
      %add3A_181 = arith.addi %arg1, %mul3A_180 : i32
      %add3A_182 = arith.constant 16 : i32
      %add3A_183 = arith.addi %add3A_181, %add3A_182 : i32
      %lt3A_184 = arith.constant 1250 : i32
      %lt3A_185 = arith.cmpi slt, %add3A_181, %lt3A_184 : i32
      %convert_element_type3A_186 = arith.extui %lt3A_185 : i1 to i32
      %cond3A_187 = arith.constant 0 : i32
      %cond3A_188 = arith.cmpi ne, %convert_element_type3A_186, %cond3A_187 : i32
      scf.if %cond3A_188 {
        %mul3A_211 = arith.constant 128 : i32
        %mul3A_212 = arith.muli %add3A_181, %mul3A_211 : i32
        %dma_wait3A = arith.constant 0 : i32
        %dma_wait3A_213 = tpu.memref_slice %arg2[%arg0, %mul3A_212, %dma_wait3A] : memref<2x160000x128xf32, #tpu.memory_space<hbm>> -> memref<1x128x128xf32, #tpu.memory_space<hbm>>
        %dma_wait3A_214 = tpu.memref_squeeze %dma_wait3A_213 : memref<1x128x128xf32, #tpu.memory_space<hbm>> -> memref<128x128xf32, #tpu.memory_space<hbm>>
        %dma_wait3A_215 = arith.constant 0 : i32
        %dma_wait3A_216 = tpu.memref_slice %arg2[%arg0, %mul3A_212, %dma_wait3A_215] : memref<2x160000x128xf32, #tpu.memory_space<hbm>> -> memref<1x128x128xf32, #tpu.memory_space<hbm>>
        %dma_wait3A_217 = tpu.memref_squeeze %dma_wait3A_216 : memref<1x128x128xf32, #tpu.memory_space<hbm>> -> memref<128x128xf32, #tpu.memory_space<hbm>>
        tpu.wait_dma2 semaphore(%arg15 : memref<!tpu.dma_semaphore, #tpu.memory_space<semaphore_mem>>) src(%dma_wait3A_217 : memref<128x128xf32, #tpu.memory_space<hbm>>) dst(%arg11 : memref<128x128xf32, #tpu.memory_space<vmem>>)
        %dma_wait3A_218 = arith.constant 0 : i32
        %dma_wait3A_219 = tpu.memref_slice %arg4[%arg0, %add3A_181, %dma_wait3A_218] : memref<2x1250x128xi32, #tpu.memory_space<hbm>> -> memref<1x1x128xi32, #tpu.memory_space<hbm>>
        %dma_wait3A_220 = tpu.memref_squeeze %dma_wait3A_219 : memref<1x1x128xi32, #tpu.memory_space<hbm>> -> memref<128xi32, #tpu.memory_space<hbm>>
        %dma_wait3A_221 = arith.constant 0 : i32
        %dma_wait3A_222 = tpu.memref_slice %arg4[%arg0, %add3A_181, %dma_wait3A_221] : memref<2x1250x128xi32, #tpu.memory_space<hbm>> -> memref<1x1x128xi32, #tpu.memory_space<hbm>>
        %dma_wait3A_223 = tpu.memref_squeeze %dma_wait3A_222 : memref<1x1x128xi32, #tpu.memory_space<hbm>> -> memref<128xi32, #tpu.memory_space<hbm>>
        tpu.wait_dma2 semaphore(%arg17 : memref<!tpu.dma_semaphore, #tpu.memory_space<semaphore_mem>>) src(%dma_wait3A_223 : memref<128xi32, #tpu.memory_space<hbm>>) dst(%arg13 : memref<128xi32, #tpu.memory_space<vmem>>)
      } else {
      }
      %sub3A_189 = arith.constant 16 : i32
      %sub3A_190 = arith.subi %add3A_181, %sub3A_189 : i32
      %ge3A_191 = arith.constant 0 : i32
      %ge3A_192 = arith.cmpi sge, %sub3A_190, %ge3A_191 : i32
      %sub3A_193 = arith.constant 16 : i32
      %sub3A_194 = arith.subi %add3A_181, %sub3A_193 : i32
      %lt3A_195 = arith.constant 1250 : i32
      %lt3A_196 = arith.cmpi slt, %sub3A_194, %lt3A_195 : i32
      %and3A_197 = arith.andi %ge3A_192, %lt3A_196 : i1
      %convert_element_type3A_198 = arith.extui %and3A_197 : i1 to i32
      %cond3A_199 = arith.constant 0 : i32
      %cond3A_200 = arith.cmpi ne, %convert_element_type3A_198, %cond3A_199 : i32
      scf.if %cond3A_200 {
        %dma_wait3A = arith.constant 0 : i32
        %dma_wait3A_211 = arith.constant 0 : i32
        %dma_wait3A_212 = tpu.memref_slice %arg20[%dma_wait3A, %dma_wait3A_211] : memref<10000x128xf32, #tpu.memory_space<vmem_shared>> -> memref<10000x128xf32, #tpu.memory_space<vmem_shared>>
        tpu.wait_indirect_dma semaphore(%arg18 : memref<!tpu.dma_semaphore, #tpu.memory_space<semaphore_mem>>) src(%arg10 : memref<128x128xf32, #tpu.memory_space<vmem>>) dst(%dma_wait3A_212 : memref<10000x128xf32, #tpu.memory_space<vmem_shared>>)
      } else {
      }
      %lt3A_201 = arith.constant 1250 : i32
      %lt3A_202 = arith.cmpi slt, %add3A_183, %lt3A_201 : i32
      %convert_element_type3A_203 = arith.extui %lt3A_202 : i1 to i32
      %cond3A_204 = arith.constant 0 : i32
      %cond3A_205 = arith.cmpi ne, %convert_element_type3A_203, %cond3A_204 : i32
      scf.if %cond3A_205 {
        %mul3A_211 = arith.constant 128 : i32
        %mul3A_212 = arith.muli %add3A_183, %mul3A_211 : i32
        %dma_start3A_213 = arith.constant 0 : i32
        %dma_start3A_214 = tpu.memref_slice %arg2[%arg0, %mul3A_212, %dma_start3A_213] : memref<2x160000x128xf32, #tpu.memory_space<hbm>> -> memref<1x128x128xf32, #tpu.memory_space<hbm>>
        %dma_start3A_215 = tpu.memref_squeeze %dma_start3A_214 : memref<1x128x128xf32, #tpu.memory_space<hbm>> -> memref<128x128xf32, #tpu.memory_space<hbm>>
        %dma_start3A_216 = arith.constant 0 : i32
        %dma_start3A_217 = tpu.memref_slice %arg2[%arg0, %mul3A_212, %dma_start3A_216] : memref<2x160000x128xf32, #tpu.memory_space<hbm>> -> memref<1x128x128xf32, #tpu.memory_space<hbm>>
        %dma_start3A_218 = tpu.memref_squeeze %dma_start3A_217 : memref<1x128x128xf32, #tpu.memory_space<hbm>> -> memref<128x128xf32, #tpu.memory_space<hbm>>
        tpu.enqueue_dma source(%dma_start3A_218 : memref<128x128xf32, #tpu.memory_space<hbm>>) target(%arg10 : memref<128x128xf32, #tpu.memory_space<vmem>>) target_semaphore(%arg14 : memref<!tpu.dma_semaphore, #tpu.memory_space<semaphore_mem>>)
        %dma_start3A_219 = arith.constant 0 : i32
        %dma_start3A_220 = tpu.memref_slice %arg4[%arg0, %add3A_183, %dma_start3A_219] : memref<2x1250x128xi32, #tpu.memory_space<hbm>> -> memref<1x1x128xi32, #tpu.memory_space<hbm>>
        %dma_start3A_221 = tpu.memref_squeeze %dma_start3A_220 : memref<1x1x128xi32, #tpu.memory_space<hbm>> -> memref<128xi32, #tpu.memory_space<hbm>>
        %dma_start3A_222 = arith.constant 0 : i32
        %dma_start3A_223 = tpu.memref_slice %arg4[%arg0, %add3A_183, %dma_start3A_222] : memref<2x1250x128xi32, #tpu.memory_space<hbm>> -> memref<1x1x128xi32, #tpu.memory_space<hbm>>
        %dma_start3A_224 = tpu.memref_squeeze %dma_start3A_223 : memref<1x1x128xi32, #tpu.memory_space<hbm>> -> memref<128xi32, #tpu.memory_space<hbm>>
        tpu.enqueue_dma source(%dma_start3A_224 : memref<128xi32, #tpu.memory_space<hbm>>) target(%arg12 : memref<128xi32, #tpu.memory_space<vmem>>) target_semaphore(%arg16 : memref<!tpu.dma_semaphore, #tpu.memory_space<semaphore_mem>>)
      } else {
      }
      %lt3A_206 = arith.constant 1250 : i32
      %lt3A_207 = arith.cmpi slt, %add3A_181, %lt3A_206 : i32
      %convert_element_type3A_208 = arith.extui %lt3A_207 : i1 to i32
      %cond3A_209 = arith.constant 0 : i32
      %cond3A_210 = arith.cmpi ne, %convert_element_type3A_208, %cond3A_209 : i32
      scf.if %cond3A_210 {
        %dma_start3A_211 = arith.constant 0 : i32
        %dma_start3A_212 = arith.constant 0 : i32
        %dma_start3A_213 = tpu.memref_slice %arg20[%dma_start3A_211, %dma_start3A_212] : memref<10000x128xf32, #tpu.memory_space<vmem_shared>> -> memref<10000x128xf32, #tpu.memory_space<vmem_shared>>
        tpu.enqueue_indirect_dma source(%arg11 : memref<128x128xf32, #tpu.memory_space<vmem>>) target(%dma_start3A_213 : memref<10000x128xf32, #tpu.memory_space<vmem_shared>>) offsets(%arg13 : memref<128xi32, #tpu.memory_space<vmem>>) semaphore(%arg19 : memref<!tpu.dma_semaphore, #tpu.memory_space<semaphore_mem>>) {add = true}
      } else {
      }
    }
    %scan3A_70 = arith.constant 40 : i32
    %barrier3A_71 = arith.constant 0 : index
    tpu.barrier barrier_id(%barrier3A_71)
    %scan3A_72 = arith.constant 0 : i32
    %scan3A_73 = arith.constant 0 : i32
    %scan3A_74 = arith.constant 8 : i32
    %scan3A_75 = arith.addi %scan3A_73, %scan3A_74 : i32
    %scan3A_76 = arith.constant 1 : i32
    scf.for %scan3A_145 = %scan3A_73 to %scan3A_75 step %scan3A_76  : i32 {
      %mul3A_146 = arith.constant 16 : i32
      %mul3A_147 = arith.muli %mul3A_146, %scan3A_145 : i32
      %add3A = arith.addi %arg1, %mul3A_147 : i32
      %lt3A = arith.constant 125 : i32
      %lt3A_148 = arith.cmpi slt, %add3A, %lt3A : i32
      %convert_element_type3A = arith.extui %lt3A_148 : i1 to i32
      %cond3A = arith.constant 0 : i32
      %cond3A_149 = arith.cmpi ne, %convert_element_type3A, %cond3A : i32
      scf.if %cond3A_149 {
        %mul3A_150 = arith.constant 80 : i32
        %mul3A_151 = arith.muli %add3A, %mul3A_150 : i32
        "tpu.region"() ({
          %run_scoped3A = tpu.sem_alloc : memref<!tpu.dma_semaphore, #tpu.memory_space<semaphore_mem>>
          %dma_start3A_154 = arith.constant 0 : i32
          %dma_start3A_155 = arith.constant 0 : i32
          %dma_start3A_156 = tpu.memref_slice %arg10[%dma_start3A_154, %dma_start3A_155] : memref<128x128xf32, #tpu.memory_space<vmem>> -> memref<80x128xf32, #tpu.memory_space<vmem>>
          %dma_start3A_157 = arith.constant 0 : i32
          %dma_start3A_158 = tpu.memref_slice %arg20[%mul3A_151, %dma_start3A_157] : memref<10000x128xf32, #tpu.memory_space<vmem_shared>> -> memref<80x128xf32, #tpu.memory_space<vmem_shared>>
          %dma_start3A_159 = arith.constant 0 : i32
          %dma_start3A_160 = arith.constant 0 : i32
          %dma_start3A_161 = tpu.memref_slice %arg10[%dma_start3A_159, %dma_start3A_160] : memref<128x128xf32, #tpu.memory_space<vmem>> -> memref<80x128xf32, #tpu.memory_space<vmem>>
          %dma_start3A_162 = arith.constant 0 : i32
          %dma_start3A_163 = tpu.memref_slice %arg20[%mul3A_151, %dma_start3A_162] : memref<10000x128xf32, #tpu.memory_space<vmem_shared>> -> memref<80x128xf32, #tpu.memory_space<vmem_shared>>
          tpu.enqueue_dma source(%dma_start3A_163 : memref<80x128xf32, #tpu.memory_space<vmem_shared>>) target(%dma_start3A_161 : memref<80x128xf32, #tpu.memory_space<vmem>>) target_semaphore(%run_scoped3A : memref<!tpu.dma_semaphore, #tpu.memory_space<semaphore_mem>>)
          %dma_wait3A = arith.constant 0 : i32
          %dma_wait3A_164 = arith.constant 0 : i32
          %dma_wait3A_165 = tpu.memref_slice %arg10[%dma_wait3A, %dma_wait3A_164] : memref<128x128xf32, #tpu.memory_space<vmem>> -> memref<80x128xf32, #tpu.memory_space<vmem>>
          %dma_wait3A_166 = arith.constant 0 : i32
          %dma_wait3A_167 = tpu.memref_slice %arg20[%mul3A_151, %dma_wait3A_166] : memref<10000x128xf32, #tpu.memory_space<vmem_shared>> -> memref<80x128xf32, #tpu.memory_space<vmem_shared>>
          %dma_wait3A_168 = arith.constant 0 : i32
          %dma_wait3A_169 = arith.constant 0 : i32
          %dma_wait3A_170 = tpu.memref_slice %arg10[%dma_wait3A_168, %dma_wait3A_169] : memref<128x128xf32, #tpu.memory_space<vmem>> -> memref<80x128xf32, #tpu.memory_space<vmem>>
          %dma_wait3A_171 = arith.constant 0 : i32
          %dma_wait3A_172 = tpu.memref_slice %arg20[%mul3A_151, %dma_wait3A_171] : memref<10000x128xf32, #tpu.memory_space<vmem_shared>> -> memref<80x128xf32, #tpu.memory_space<vmem_shared>>
          tpu.wait_dma2 semaphore(%run_scoped3A : memref<!tpu.dma_semaphore, #tpu.memory_space<semaphore_mem>>) src(%dma_wait3A_172 : memref<80x128xf32, #tpu.memory_space<vmem_shared>>) dst(%dma_wait3A_170 : memref<80x128xf32, #tpu.memory_space<vmem>>)
          tpu.yield
        }) : () -> ()
        %mul3A_152 = arith.constant 80 : i32
        %mul3A_153 = arith.muli %add3A, %mul3A_152 : i32
        "tpu.region"() ({
          %run_scoped3A = tpu.sem_alloc : memref<!tpu.dma_semaphore, #tpu.memory_space<semaphore_mem>>
          %dma_start3A_154 = arith.constant 0 : i32
          %dma_start3A_155 = arith.constant 0 : i32
          %dma_start3A_156 = tpu.memref_slice %arg10[%dma_start3A_154, %dma_start3A_155] : memref<128x128xf32, #tpu.memory_space<vmem>> -> memref<80x128xf32, #tpu.memory_space<vmem>>
          %dma_start3A_157 = arith.constant 0 : i32
          %dma_start3A_158 = tpu.memref_slice %arg7[%arg0, %mul3A_153, %dma_start3A_157] : memref<2x10000x128xf32, #tpu.memory_space<hbm>> -> memref<1x80x128xf32, #tpu.memory_space<hbm>>
          %dma_start3A_159 = tpu.memref_squeeze %dma_start3A_158 : memref<1x80x128xf32, #tpu.memory_space<hbm>> -> memref<80x128xf32, #tpu.memory_space<hbm>>
          %dma_start3A_160 = arith.constant 0 : i32
          %dma_start3A_161 = tpu.memref_slice %arg7[%arg0, %mul3A_153, %dma_start3A_160] : memref<2x10000x128xf32, #tpu.memory_space<hbm>> -> memref<1x80x128xf32, #tpu.memory_space<hbm>>
          %dma_start3A_162 = tpu.memref_squeeze %dma_start3A_161 : memref<1x80x128xf32, #tpu.memory_space<hbm>> -> memref<80x128xf32, #tpu.memory_space<hbm>>
          %dma_start3A_163 = arith.constant 0 : i32
          %dma_start3A_164 = arith.constant 0 : i32
          %dma_start3A_165 = tpu.memref_slice %arg10[%dma_start3A_163, %dma_start3A_164] : memref<128x128xf32, #tpu.memory_space<vmem>> -> memref<80x128xf32, #tpu.memory_space<vmem>>
          tpu.enqueue_dma source(%dma_start3A_165 : memref<80x128xf32, #tpu.memory_space<vmem>>) target(%dma_start3A_162 : memref<80x128xf32, #tpu.memory_space<hbm>>) target_semaphore(%run_scoped3A : memref<!tpu.dma_semaphore, #tpu.memory_space<semaphore_mem>>)
          %dma_wait3A = arith.constant 0 : i32
          %dma_wait3A_166 = arith.constant 0 : i32
          %dma_wait3A_167 = tpu.memref_slice %arg10[%dma_wait3A, %dma_wait3A_166] : memref<128x128xf32, #tpu.memory_space<vmem>> -> memref<80x128xf32, #tpu.memory_space<vmem>>
          %dma_wait3A_168 = arith.constant 0 : i32
          %dma_wait3A_169 = tpu.memref_slice %arg7[%arg0, %mul3A_153, %dma_wait3A_168] : memref<2x10000x128xf32, #tpu.memory_space<hbm>> -> memref<1x80x128xf32, #tpu.memory_space<hbm>>
          %dma_wait3A_170 = tpu.memref_squeeze %dma_wait3A_169 : memref<1x80x128xf32, #tpu.memory_space<hbm>> -> memref<80x128xf32, #tpu.memory_space<hbm>>
          %dma_wait3A_171 = arith.constant 0 : i32
          %dma_wait3A_172 = tpu.memref_slice %arg7[%arg0, %mul3A_153, %dma_wait3A_171] : memref<2x10000x128xf32, #tpu.memory_space<hbm>> -> memref<1x80x128xf32, #tpu.memory_space<hbm>>
          %dma_wait3A_173 = tpu.memref_squeeze %dma_wait3A_172 : memref<1x80x128xf32, #tpu.memory_space<hbm>> -> memref<80x128xf32, #tpu.memory_space<hbm>>
          %dma_wait3A_174 = arith.constant 0 : i32
          %dma_wait3A_175 = arith.constant 0 : i32
          %dma_wait3A_176 = tpu.memref_slice %arg10[%dma_wait3A_174, %dma_wait3A_175] : memref<128x128xf32, #tpu.memory_space<vmem>> -> memref<80x128xf32, #tpu.memory_space<vmem>>
          tpu.wait_dma2 semaphore(%run_scoped3A : memref<!tpu.dma_semaphore, #tpu.memory_space<semaphore_mem>>) src(%dma_wait3A_176 : memref<80x128xf32, #tpu.memory_space<vmem>>) dst(%dma_wait3A_173 : memref<80x128xf32, #tpu.memory_space<hbm>>)
          tpu.yield
        }) : () -> ()
      } else {
      }
    }
    %scan3A_77 = arith.constant 8 : i32
    %barrier3A_78 = arith.constant 0 : index
    tpu.barrier barrier_id(%barrier3A_78)
    "tpu.region"() ({
      %run_scoped3A = tpu.sem_alloc : memref<!tpu.dma_semaphore, #tpu.memory_space<semaphore_mem>>
      tpu.enqueue_dma source(%arg5 : memref<128x128xf32, #tpu.memory_space<hbm>>) target(%arg10 : memref<128x128xf32, #tpu.memory_space<vmem>>) target_semaphore(%run_scoped3A : memref<!tpu.dma_semaphore, #tpu.memory_space<semaphore_mem>>)
      tpu.wait_dma2 semaphore(%run_scoped3A : memref<!tpu.dma_semaphore, #tpu.memory_space<semaphore_mem>>) src(%arg5 : memref<128x128xf32, #tpu.memory_space<hbm>>) dst(%arg10 : memref<128x128xf32, #tpu.memory_space<vmem>>)
      tpu.yield
    }) : () -> ()
    %scan3A_79 = arith.constant 0 : i32
    %scan3A_80 = arith.constant 0 : i32
    %scan3A_81 = arith.constant 640 : i32
    %scan3A_82 = arith.addi %scan3A_80, %scan3A_81 : i32
    %scan3A_83 = arith.constant 1 : i32
    scf.for %scan3A_145 = %scan3A_80 to %scan3A_82 step %scan3A_83  : i32 {
      %jit3A = arith.constant 8 : i32
      %div3A = arith.divsi %scan3A_145, %jit3A : i32
      %sign3A = arith.constant 0 : i32
      %sign3A_146 = arith.cmpi sgt, %scan3A_145, %sign3A : i32
      %sign3A_147 = arith.extui %sign3A_146 : i1 to i32
      %sign3A_148 = arith.constant 0 : i32
      %sign3A_149 = arith.cmpi slt, %scan3A_145, %sign3A_148 : i32
      %sign3A_150 = arith.extui %sign3A_149 : i1 to i32
      %sign3A_151 = arith.subi %sign3A_147, %sign3A_150 : i32
      %sign3A_152 = arith.constant 0 : i32
      %sign3A_153 = arith.cmpi sgt, %jit3A, %sign3A_152 : i32
      %sign3A_154 = arith.extui %sign3A_153 : i1 to i32
      %sign3A_155 = arith.constant 0 : i32
      %sign3A_156 = arith.cmpi slt, %jit3A, %sign3A_155 : i32
      %sign3A_157 = arith.extui %sign3A_156 : i1 to i32
      %sign3A_158 = arith.subi %sign3A_154, %sign3A_157 : i32
      %ne3A = arith.cmpi ne, %sign3A_151, %sign3A_158 : i32
      %rem3A = arith.remsi %scan3A_145, %jit3A : i32
      %ne3A_159 = arith.constant 0 : i32
      %ne3A_160 = arith.cmpi ne, %rem3A, %ne3A_159 : i32
      %and3A = arith.andi %ne3A, %ne3A_160 : i1
      %sub3A = arith.constant 1 : i32
      %sub3A_161 = arith.subi %div3A, %sub3A : i32
      %select_n3A = arith.select %and3A, %sub3A_161, %div3A : i32
      %jit3A_162 = arith.constant 8 : i32
      %eq3A = arith.constant 0 : i32
      %eq3A_163 = arith.cmpi eq, %jit3A_162, %eq3A : i32
      %jit3A_164 = arith.constant 1 : i32
      %select_n3A_165 = arith.select %eq3A_163, %jit3A_164, %jit3A_162 : i32
      %rem3A_166 = arith.remsi %scan3A_145, %select_n3A_165 : i32
      %ne3A_167 = arith.constant 0 : i32
      %ne3A_168 = arith.cmpi ne, %rem3A_166, %ne3A_167 : i32
      %lt3A = arith.constant 0 : i32
      %lt3A_169 = arith.cmpi slt, %rem3A_166, %lt3A : i32
      %lt3A_170 = arith.constant 0 : i32
      %lt3A_171 = arith.cmpi slt, %select_n3A_165, %lt3A_170 : i32
      %ne3A_172 = arith.xori %lt3A_169, %lt3A_171 : i1
      %and3A_173 = arith.andi %ne3A_172, %ne3A_168 : i1
      %add3A = arith.addi %rem3A_166, %select_n3A_165 : i32
      %select_n3A_174 = arith.select %and3A_173, %add3A, %rem3A_166 : i32
      %mul3A_175 = arith.constant 16 : i32
      %mul3A_176 = arith.muli %select_n3A_174, %mul3A_175 : i32
      %swap3A = arith.index_cast %select_n3A : i32 to index
      %swap3A_177 = arith.index_cast %mul3A_176 : i32 to index
      %swap3A_178 = tpu.vector_load %arg11[%swap3A, %swap3A_177] {strides = array<i32>} : memref<128x128xf32, #tpu.memory_space<vmem>>, vector<1x16xf32>,
      %swap3A_179 = vector.shape_cast %swap3A_178 : vector<1x16xf32> to vector<16xf32>
      %swap3A_180 = vector.shape_cast %broadcast_in_dim3A_0 : vector<16xf32> to vector<1x16xf32>
      tpu.vector_store %arg11[%swap3A, %swap3A_177], %swap3A_180 {strides = array<i32>} : memref<128x128xf32, #tpu.memory_space<vmem>>, vector<1x16xf32>,
    }
    %scan3A_84 = arith.constant 640 : i32
    %scan3A_85 = arith.constant 0 : i32
    %scan3A_86 = arith.constant 0 : i32
    %scan3A_87 = arith.constant 8 : i32
    %scan3A_88 = arith.addi %scan3A_86, %scan3A_87 : i32
    %scan3A_89 = arith.constant 1 : i32
    scf.for %scan3A_145 = %scan3A_86 to %scan3A_88 step %scan3A_89  : i32 {
      %mul3A_146 = arith.constant 16 : i32
      %mul3A_147 = arith.muli %mul3A_146, %scan3A_145 : i32
      %add3A = arith.addi %arg1, %mul3A_147 : i32
      %lt3A = arith.constant 125 : i32
      %lt3A_148 = arith.cmpi slt, %add3A, %lt3A : i32
      %convert_element_type3A = arith.extui %lt3A_148 : i1 to i32
      %cond3A = arith.constant 0 : i32
      %cond3A_149 = arith.cmpi ne, %convert_element_type3A, %cond3A : i32
      scf.if %cond3A_149 {
        %mul3A_150 = arith.constant 80 : i32
        %mul3A_151 = arith.muli %add3A, %mul3A_150 : i32
        "tpu.region"() ({
          %run_scoped3A = tpu.sem_alloc : memref<!tpu.dma_semaphore, #tpu.memory_space<semaphore_mem>>
          %dma_start3A_152 = arith.constant 0 : i32
          %dma_start3A_153 = arith.constant 0 : i32
          %dma_start3A_154 = tpu.memref_slice %arg11[%dma_start3A_152, %dma_start3A_153] : memref<128x128xf32, #tpu.memory_space<vmem>> -> memref<80x128xf32, #tpu.memory_space<vmem>>
          %dma_start3A_155 = arith.constant 0 : i32
          %dma_start3A_156 = tpu.memref_slice %arg20[%mul3A_151, %dma_start3A_155] : memref<10000x128xf32, #tpu.memory_space<vmem_shared>> -> memref<80x128xf32, #tpu.memory_space<vmem_shared>>
          %dma_start3A_157 = arith.constant 0 : i32
          %dma_start3A_158 = tpu.memref_slice %arg20[%mul3A_151, %dma_start3A_157] : memref<10000x128xf32, #tpu.memory_space<vmem_shared>> -> memref<80x128xf32, #tpu.memory_space<vmem_shared>>
          %dma_start3A_159 = arith.constant 0 : i32
          %dma_start3A_160 = arith.constant 0 : i32
          %dma_start3A_161 = tpu.memref_slice %arg11[%dma_start3A_159, %dma_start3A_160] : memref<128x128xf32, #tpu.memory_space<vmem>> -> memref<80x128xf32, #tpu.memory_space<vmem>>
          tpu.enqueue_dma source(%dma_start3A_161 : memref<80x128xf32, #tpu.memory_space<vmem>>) target(%dma_start3A_158 : memref<80x128xf32, #tpu.memory_space<vmem_shared>>) target_semaphore(%run_scoped3A : memref<!tpu.dma_semaphore, #tpu.memory_space<semaphore_mem>>)
          %dma_wait3A = arith.constant 0 : i32
          %dma_wait3A_162 = arith.constant 0 : i32
          %dma_wait3A_163 = tpu.memref_slice %arg11[%dma_wait3A, %dma_wait3A_162] : memref<128x128xf32, #tpu.memory_space<vmem>> -> memref<80x128xf32, #tpu.memory_space<vmem>>
          %dma_wait3A_164 = arith.constant 0 : i32
          %dma_wait3A_165 = tpu.memref_slice %arg20[%mul3A_151, %dma_wait3A_164] : memref<10000x128xf32, #tpu.memory_space<vmem_shared>> -> memref<80x128xf32, #tpu.memory_space<vmem_shared>>
          %dma_wait3A_166 = arith.constant 0 : i32
          %dma_wait3A_167 = tpu.memref_slice %arg20[%mul3A_151, %dma_wait3A_166] : memref<10000x128xf32, #tpu.memory_space<vmem_shared>> -> memref<80x128xf32, #tpu.memory_space<vmem_shared>>
          %dma_wait3A_168 = arith.constant 0 : i32
          %dma_wait3A_169 = arith.constant 0 : i32
          %dma_wait3A_170 = tpu.memref_slice %arg11[%dma_wait3A_168, %dma_wait3A_169] : memref<128x128xf32, #tpu.memory_space<vmem>> -> memref<80x128xf32, #tpu.memory_space<vmem>>
          tpu.wait_dma2 semaphore(%run_scoped3A : memref<!tpu.dma_semaphore, #tpu.memory_space<semaphore_mem>>) src(%dma_wait3A_170 : memref<80x128xf32, #tpu.memory_space<vmem>>) dst(%dma_wait3A_167 : memref<80x128xf32, #tpu.memory_space<vmem_shared>>)
          tpu.yield
        }) : () -> ()
      } else {
      }
    }
    %scan3A_90 = arith.constant 8 : i32
    %barrier3A_91 = arith.constant 0 : index
    tpu.barrier barrier_id(%barrier3A_91)
    %dma_start3A_92 = arith.constant 0 : i32
    %dma_start3A_93 = tpu.memref_slice %arg3[%arg0, %arg1, %dma_start3A_92] : memref<2x1250x128xi32, #tpu.memory_space<hbm>> -> memref<1x1x128xi32, #tpu.memory_space<hbm>>
    %dma_start3A_94 = tpu.memref_squeeze %dma_start3A_93 : memref<1x1x128xi32, #tpu.memory_space<hbm>> -> memref<128xi32, #tpu.memory_space<hbm>>
    %dma_start3A_95 = arith.constant 0 : i32
    %dma_start3A_96 = tpu.memref_slice %arg3[%arg0, %arg1, %dma_start3A_95] : memref<2x1250x128xi32, #tpu.memory_space<hbm>> -> memref<1x1x128xi32, #tpu.memory_space<hbm>>
    %dma_start3A_97 = tpu.memref_squeeze %dma_start3A_96 : memref<1x1x128xi32, #tpu.memory_space<hbm>> -> memref<128xi32, #tpu.memory_space<hbm>>
    tpu.enqueue_dma source(%dma_start3A_97 : memref<128xi32, #tpu.memory_space<hbm>>) target(%arg12 : memref<128xi32, #tpu.memory_space<vmem>>) target_semaphore(%arg16 : memref<!tpu.dma_semaphore, #tpu.memory_space<semaphore_mem>>)
    %scan3A_98 = arith.constant 0 : i32
    %scan3A_99 = arith.constant 0 : i32
    %scan3A_100 = arith.constant 40 : i32
    %scan3A_101 = arith.addi %scan3A_99, %scan3A_100 : i32
    %scan3A_102 = arith.constant 1 : i32
    scf.for %scan3A_145 = %scan3A_99 to %scan3A_101 step %scan3A_102  : i32 {
      %mul3A_146 = arith.constant 2 : i32
      %mul3A_147 = arith.muli %mul3A_146, %scan3A_145 : i32
      %add3A = arith.constant 0 : i32
      %add3A_148 = arith.addi %mul3A_147, %add3A : i32
      %mul3A_149 = arith.constant 16 : i32
      %mul3A_150 = arith.muli %mul3A_149, %add3A_148 : i32
      %add3A_151 = arith.addi %arg1, %mul3A_150 : i32
      %add3A_152 = arith.constant 16 : i32
      %add3A_153 = arith.addi %add3A_151, %add3A_152 : i32
      %lt3A = arith.constant 1250 : i32
      %lt3A_154 = arith.cmpi slt, %add3A_151, %lt3A : i32
      %convert_element_type3A = arith.extui %lt3A_154 : i1 to i32
      %cond3A = arith.constant 0 : i32
      %cond3A_155 = arith.cmpi ne, %convert_element_type3A, %cond3A : i32
      scf.if %cond3A_155 {
        %dma_wait3A = arith.constant 0 : i32
        %dma_wait3A_211 = tpu.memref_slice %arg3[%arg0, %add3A_151, %dma_wait3A] : memref<2x1250x128xi32, #tpu.memory_space<hbm>> -> memref<1x1x128xi32, #tpu.memory_space<hbm>>
        %dma_wait3A_212 = tpu.memref_squeeze %dma_wait3A_211 : memref<1x1x128xi32, #tpu.memory_space<hbm>> -> memref<128xi32, #tpu.memory_space<hbm>>
        %dma_wait3A_213 = arith.constant 0 : i32
        %dma_wait3A_214 = tpu.memref_slice %arg3[%arg0, %add3A_151, %dma_wait3A_213] : memref<2x1250x128xi32, #tpu.memory_space<hbm>> -> memref<1x1x128xi32, #tpu.memory_space<hbm>>
        %dma_wait3A_215 = tpu.memref_squeeze %dma_wait3A_214 : memref<1x1x128xi32, #tpu.memory_space<hbm>> -> memref<128xi32, #tpu.memory_space<hbm>>
        tpu.wait_dma2 semaphore(%arg16 : memref<!tpu.dma_semaphore, #tpu.memory_space<semaphore_mem>>) src(%dma_wait3A_215 : memref<128xi32, #tpu.memory_space<hbm>>) dst(%arg12 : memref<128xi32, #tpu.memory_space<vmem>>)
      } else {
      }
      %sub3A = arith.constant 16 : i32
      %sub3A_156 = arith.subi %add3A_151, %sub3A : i32
      %ge3A = arith.constant 0 : i32
      %ge3A_157 = arith.cmpi sge, %sub3A_156, %ge3A : i32
      %sub3A_158 = arith.constant 16 : i32
      %sub3A_159 = arith.subi %add3A_151, %sub3A_158 : i32
      %lt3A_160 = arith.constant 1250 : i32
      %lt3A_161 = arith.cmpi slt, %sub3A_159, %lt3A_160 : i32
      %and3A = arith.andi %ge3A_157, %lt3A_161 : i1
      %convert_element_type3A_162 = arith.extui %and3A : i1 to i32
      %cond3A_163 = arith.constant 0 : i32
      %cond3A_164 = arith.cmpi ne, %convert_element_type3A_162, %cond3A_163 : i32
      scf.if %cond3A_164 {
        %dma_wait3A = arith.constant 0 : i32
        %dma_wait3A_211 = arith.constant 0 : i32
        %dma_wait3A_212 = tpu.memref_slice %arg20[%dma_wait3A, %dma_wait3A_211] : memref<10000x128xf32, #tpu.memory_space<vmem_shared>> -> memref<10000x128xf32, #tpu.memory_space<vmem_shared>>
        tpu.wait_indirect_dma semaphore(%arg19 : memref<!tpu.dma_semaphore, #tpu.memory_space<semaphore_mem>>) src(%arg10 : memref<128x128xf32, #tpu.memory_space<vmem>>) dst(%dma_wait3A_212 : memref<10000x128xf32, #tpu.memory_space<vmem_shared>>)
      } else {
      }
      %lt3A_165 = arith.constant 1250 : i32
      %lt3A_166 = arith.cmpi slt, %add3A_153, %lt3A_165 : i32
      %convert_element_type3A_167 = arith.extui %lt3A_166 : i1 to i32
      %cond3A_168 = arith.constant 0 : i32
      %cond3A_169 = arith.cmpi ne, %convert_element_type3A_167, %cond3A_168 : i32
      scf.if %cond3A_169 {
        %dma_start3A_211 = arith.constant 0 : i32
        %dma_start3A_212 = tpu.memref_slice %arg3[%arg0, %add3A_153, %dma_start3A_211] : memref<2x1250x128xi32, #tpu.memory_space<hbm>> -> memref<1x1x128xi32, #tpu.memory_space<hbm>>
        %dma_start3A_213 = tpu.memref_squeeze %dma_start3A_212 : memref<1x1x128xi32, #tpu.memory_space<hbm>> -> memref<128xi32, #tpu.memory_space<hbm>>
        %dma_start3A_214 = arith.constant 0 : i32
        %dma_start3A_215 = tpu.memref_slice %arg3[%arg0, %add3A_153, %dma_start3A_214] : memref<2x1250x128xi32, #tpu.memory_space<hbm>> -> memref<1x1x128xi32, #tpu.memory_space<hbm>>
        %dma_start3A_216 = tpu.memref_squeeze %dma_start3A_215 : memref<1x1x128xi32, #tpu.memory_space<hbm>> -> memref<128xi32, #tpu.memory_space<hbm>>
        tpu.enqueue_dma source(%dma_start3A_216 : memref<128xi32, #tpu.memory_space<hbm>>) target(%arg13 : memref<128xi32, #tpu.memory_space<vmem>>) target_semaphore(%arg17 : memref<!tpu.dma_semaphore, #tpu.memory_space<semaphore_mem>>)
      } else {
      }
      %lt3A_170 = arith.constant 1250 : i32
      %lt3A_171 = arith.cmpi slt, %add3A_151, %lt3A_170 : i32
      %convert_element_type3A_172 = arith.extui %lt3A_171 : i1 to i32
      %cond3A_173 = arith.constant 0 : i32
      %cond3A_174 = arith.cmpi ne, %convert_element_type3A_172, %cond3A_173 : i32
      scf.if %cond3A_174 {
        %dma_start3A_211 = arith.constant 0 : i32
        %dma_start3A_212 = arith.constant 0 : i32
        %dma_start3A_213 = tpu.memref_slice %arg20[%dma_start3A_211, %dma_start3A_212] : memref<10000x128xf32, #tpu.memory_space<vmem_shared>> -> memref<10000x128xf32, #tpu.memory_space<vmem_shared>>
        tpu.enqueue_indirect_dma source(%arg10 : memref<128x128xf32, #tpu.memory_space<vmem>>) target(%dma_start3A_213 : memref<10000x128xf32, #tpu.memory_space<vmem_shared>>) offsets(%arg12 : memref<128xi32, #tpu.memory_space<vmem>>) semaphore(%arg18 : memref<!tpu.dma_semaphore, #tpu.memory_space<semaphore_mem>>) {add = true}
      } else {
      }
      %mul3A_175 = arith.constant 2 : i32
      %mul3A_176 = arith.muli %mul3A_175, %scan3A_145 : i32
      %add3A_177 = arith.constant 1 : i32
      %add3A_178 = arith.addi %mul3A_176, %add3A_177 : i32
      %mul3A_179 = arith.constant 16 : i32
      %mul3A_180 = arith.muli %mul3A_179, %add3A_178 : i32
      %add3A_181 = arith.addi %arg1, %mul3A_180 : i32
      %add3A_182 = arith.constant 16 : i32
      %add3A_183 = arith.addi %add3A_181, %add3A_182 : i32
      %lt3A_184 = arith.constant 1250 : i32
      %lt3A_185 = arith.cmpi slt, %add3A_181, %lt3A_184 : i32
      %convert_element_type3A_186 = arith.extui %lt3A_185 : i1 to i32
      %cond3A_187 = arith.constant 0 : i32
      %cond3A_188 = arith.cmpi ne, %convert_element_type3A_186, %cond3A_187 : i32
      scf.if %cond3A_188 {
        %dma_wait3A = arith.constant 0 : i32
        %dma_wait3A_211 = tpu.memref_slice %arg3[%arg0, %add3A_181, %dma_wait3A] : memref<2x1250x128xi32, #tpu.memory_space<hbm>> -> memref<1x1x128xi32, #tpu.memory_space<hbm>>
        %dma_wait3A_212 = tpu.memref_squeeze %dma_wait3A_211 : memref<1x1x128xi32, #tpu.memory_space<hbm>> -> memref<128xi32, #tpu.memory_space<hbm>>
        %dma_wait3A_213 = arith.constant 0 : i32
        %dma_wait3A_214 = tpu.memref_slice %arg3[%arg0, %add3A_181, %dma_wait3A_213] : memref<2x1250x128xi32, #tpu.memory_space<hbm>> -> memref<1x1x128xi32, #tpu.memory_space<hbm>>
        %dma_wait3A_215 = tpu.memref_squeeze %dma_wait3A_214 : memref<1x1x128xi32, #tpu.memory_space<hbm>> -> memref<128xi32, #tpu.memory_space<hbm>>
        tpu.wait_dma2 semaphore(%arg17 : memref<!tpu.dma_semaphore, #tpu.memory_space<semaphore_mem>>) src(%dma_wait3A_215 : memref<128xi32, #tpu.memory_space<hbm>>) dst(%arg13 : memref<128xi32, #tpu.memory_space<vmem>>)
      } else {
      }
      %sub3A_189 = arith.constant 16 : i32
      %sub3A_190 = arith.subi %add3A_181, %sub3A_189 : i32
      %ge3A_191 = arith.constant 0 : i32
      %ge3A_192 = arith.cmpi sge, %sub3A_190, %ge3A_191 : i32
      %sub3A_193 = arith.constant 16 : i32
      %sub3A_194 = arith.subi %add3A_181, %sub3A_193 : i32
      %lt3A_195 = arith.constant 1250 : i32
      %lt3A_196 = arith.cmpi slt, %sub3A_194, %lt3A_195 : i32
      %and3A_197 = arith.andi %ge3A_192, %lt3A_196 : i1
      %convert_element_type3A_198 = arith.extui %and3A_197 : i1 to i32
      %cond3A_199 = arith.constant 0 : i32
      %cond3A_200 = arith.cmpi ne, %convert_element_type3A_198, %cond3A_199 : i32
      scf.if %cond3A_200 {
        %dma_wait3A = arith.constant 0 : i32
        %dma_wait3A_211 = arith.constant 0 : i32
        %dma_wait3A_212 = tpu.memref_slice %arg20[%dma_wait3A, %dma_wait3A_211] : memref<10000x128xf32, #tpu.memory_space<vmem_shared>> -> memref<10000x128xf32, #tpu.memory_space<vmem_shared>>
        tpu.wait_indirect_dma semaphore(%arg18 : memref<!tpu.dma_semaphore, #tpu.memory_space<semaphore_mem>>) src(%arg10 : memref<128x128xf32, #tpu.memory_space<vmem>>) dst(%dma_wait3A_212 : memref<10000x128xf32, #tpu.memory_space<vmem_shared>>)
      } else {
      }
      %lt3A_201 = arith.constant 1250 : i32
      %lt3A_202 = arith.cmpi slt, %add3A_183, %lt3A_201 : i32
      %convert_element_type3A_203 = arith.extui %lt3A_202 : i1 to i32
      %cond3A_204 = arith.constant 0 : i32
      %cond3A_205 = arith.cmpi ne, %convert_element_type3A_203, %cond3A_204 : i32
      scf.if %cond3A_205 {
        %dma_start3A_211 = arith.constant 0 : i32
        %dma_start3A_212 = tpu.memref_slice %arg3[%arg0, %add3A_183, %dma_start3A_211] : memref<2x1250x128xi32, #tpu.memory_space<hbm>> -> memref<1x1x128xi32, #tpu.memory_space<hbm>>
        %dma_start3A_213 = tpu.memref_squeeze %dma_start3A_212 : memref<1x1x128xi32, #tpu.memory_space<hbm>> -> memref<128xi32, #tpu.memory_space<hbm>>
        %dma_start3A_214 = arith.constant 0 : i32
        %dma_start3A_215 = tpu.memref_slice %arg3[%arg0, %add3A_183, %dma_start3A_214] : memref<2x1250x128xi32, #tpu.memory_space<hbm>> -> memref<1x1x128xi32, #tpu.memory_space<hbm>>
        %dma_start3A_216 = tpu.memref_squeeze %dma_start3A_215 : memref<1x1x128xi32, #tpu.memory_space<hbm>> -> memref<128xi32, #tpu.memory_space<hbm>>
        tpu.enqueue_dma source(%dma_start3A_216 : memref<128xi32, #tpu.memory_space<hbm>>) target(%arg12 : memref<128xi32, #tpu.memory_space<vmem>>) target_semaphore(%arg16 : memref<!tpu.dma_semaphore, #tpu.memory_space<semaphore_mem>>)
      } else {
      }
      %lt3A_206 = arith.constant 1250 : i32
      %lt3A_207 = arith.cmpi slt, %add3A_181, %lt3A_206 : i32
      %convert_element_type3A_208 = arith.extui %lt3A_207 : i1 to i32
      %cond3A_209 = arith.constant 0 : i32
      %cond3A_210 = arith.cmpi ne, %convert_element_type3A_208, %cond3A_209 : i32
      scf.if %cond3A_210 {
        %dma_start3A_211 = arith.constant 0 : i32
        %dma_start3A_212 = arith.constant 0 : i32
        %dma_start3A_213 = tpu.memref_slice %arg20[%dma_start3A_211, %dma_start3A_212] : memref<10000x128xf32, #tpu.memory_space<vmem_shared>> -> memref<10000x128xf32, #tpu.memory_space<vmem_shared>>
        tpu.enqueue_indirect_dma source(%arg10 : memref<128x128xf32, #tpu.memory_space<vmem>>) target(%dma_start3A_213 : memref<10000x128xf32, #tpu.memory_space<vmem_shared>>) offsets(%arg13 : memref<128xi32, #tpu.memory_space<vmem>>) semaphore(%arg19 : memref<!tpu.dma_semaphore, #tpu.memory_space<semaphore_mem>>) {add = true}
      } else {
      }
    }
    %scan3A_103 = arith.constant 40 : i32
    %barrier3A_104 = arith.constant 0 : index
    tpu.barrier barrier_id(%barrier3A_104)
    %scan3A_105 = arith.constant 0 : i32
    %scan3A_106 = arith.constant 0 : i32
    %scan3A_107 = arith.constant 8 : i32
    %scan3A_108 = arith.addi %scan3A_106, %scan3A_107 : i32
    %scan3A_109 = arith.constant 1 : i32
    scf.for %scan3A_145 = %scan3A_106 to %scan3A_108 step %scan3A_109  : i32 {
      %mul3A_146 = arith.constant 16 : i32
      %mul3A_147 = arith.muli %mul3A_146, %scan3A_145 : i32
      %add3A = arith.addi %arg1, %mul3A_147 : i32
      %lt3A = arith.constant 125 : i32
      %lt3A_148 = arith.cmpi slt, %add3A, %lt3A : i32
      %convert_element_type3A = arith.extui %lt3A_148 : i1 to i32
      %cond3A = arith.constant 0 : i32
      %cond3A_149 = arith.cmpi ne, %convert_element_type3A, %cond3A : i32
      scf.if %cond3A_149 {
        %mul3A_150 = arith.constant 80 : i32
        %mul3A_151 = arith.muli %add3A, %mul3A_150 : i32
        "tpu.region"() ({
          %run_scoped3A = tpu.sem_alloc : memref<!tpu.dma_semaphore, #tpu.memory_space<semaphore_mem>>
          %dma_start3A_154 = arith.constant 0 : i32
          %dma_start3A_155 = arith.constant 0 : i32
          %dma_start3A_156 = tpu.memref_slice %arg11[%dma_start3A_154, %dma_start3A_155] : memref<128x128xf32, #tpu.memory_space<vmem>> -> memref<80x128xf32, #tpu.memory_space<vmem>>
          %dma_start3A_157 = arith.constant 0 : i32
          %dma_start3A_158 = tpu.memref_slice %arg20[%mul3A_151, %dma_start3A_157] : memref<10000x128xf32, #tpu.memory_space<vmem_shared>> -> memref<80x128xf32, #tpu.memory_space<vmem_shared>>
          %dma_start3A_159 = arith.constant 0 : i32
          %dma_start3A_160 = arith.constant 0 : i32
          %dma_start3A_161 = tpu.memref_slice %arg11[%dma_start3A_159, %dma_start3A_160] : memref<128x128xf32, #tpu.memory_space<vmem>> -> memref<80x128xf32, #tpu.memory_space<vmem>>
          %dma_start3A_162 = arith.constant 0 : i32
          %dma_start3A_163 = tpu.memref_slice %arg20[%mul3A_151, %dma_start3A_162] : memref<10000x128xf32, #tpu.memory_space<vmem_shared>> -> memref<80x128xf32, #tpu.memory_space<vmem_shared>>
          tpu.enqueue_dma source(%dma_start3A_163 : memref<80x128xf32, #tpu.memory_space<vmem_shared>>) target(%dma_start3A_161 : memref<80x128xf32, #tpu.memory_space<vmem>>) target_semaphore(%run_scoped3A : memref<!tpu.dma_semaphore, #tpu.memory_space<semaphore_mem>>)
          %dma_wait3A = arith.constant 0 : i32
          %dma_wait3A_164 = arith.constant 0 : i32
          %dma_wait3A_165 = tpu.memref_slice %arg11[%dma_wait3A, %dma_wait3A_164] : memref<128x128xf32, #tpu.memory_space<vmem>> -> memref<80x128xf32, #tpu.memory_space<vmem>>
          %dma_wait3A_166 = arith.constant 0 : i32
          %dma_wait3A_167 = tpu.memref_slice %arg20[%mul3A_151, %dma_wait3A_166] : memref<10000x128xf32, #tpu.memory_space<vmem_shared>> -> memref<80x128xf32, #tpu.memory_space<vmem_shared>>
          %dma_wait3A_168 = arith.constant 0 : i32
          %dma_wait3A_169 = arith.constant 0 : i32
          %dma_wait3A_170 = tpu.memref_slice %arg11[%dma_wait3A_168, %dma_wait3A_169] : memref<128x128xf32, #tpu.memory_space<vmem>> -> memref<80x128xf32, #tpu.memory_space<vmem>>
          %dma_wait3A_171 = arith.constant 0 : i32
          %dma_wait3A_172 = tpu.memref_slice %arg20[%mul3A_151, %dma_wait3A_171] : memref<10000x128xf32, #tpu.memory_space<vmem_shared>> -> memref<80x128xf32, #tpu.memory_space<vmem_shared>>
          tpu.wait_dma2 semaphore(%run_scoped3A : memref<!tpu.dma_semaphore, #tpu.memory_space<semaphore_mem>>) src(%dma_wait3A_172 : memref<80x128xf32, #tpu.memory_space<vmem_shared>>) dst(%dma_wait3A_170 : memref<80x128xf32, #tpu.memory_space<vmem>>)
          tpu.yield
        }) : () -> ()
        %mul3A_152 = arith.constant 80 : i32
        %mul3A_153 = arith.muli %add3A, %mul3A_152 : i32
        "tpu.region"() ({
          %run_scoped3A = tpu.sem_alloc : memref<!tpu.dma_semaphore, #tpu.memory_space<semaphore_mem>>
          %dma_start3A_154 = arith.constant 0 : i32
          %dma_start3A_155 = arith.constant 0 : i32
          %dma_start3A_156 = tpu.memref_slice %arg11[%dma_start3A_154, %dma_start3A_155] : memref<128x128xf32, #tpu.memory_space<vmem>> -> memref<80x128xf32, #tpu.memory_space<vmem>>
          %dma_start3A_157 = arith.constant 0 : i32
          %dma_start3A_158 = tpu.memref_slice %arg8[%arg0, %mul3A_153, %dma_start3A_157] : memref<2x10000x128xf32, #tpu.memory_space<hbm>> -> memref<1x80x128xf32, #tpu.memory_space<hbm>>
          %dma_start3A_159 = tpu.memref_squeeze %dma_start3A_158 : memref<1x80x128xf32, #tpu.memory_space<hbm>> -> memref<80x128xf32, #tpu.memory_space<hbm>>
          %dma_start3A_160 = arith.constant 0 : i32
          %dma_start3A_161 = tpu.memref_slice %arg8[%arg0, %mul3A_153, %dma_start3A_160] : memref<2x10000x128xf32, #tpu.memory_space<hbm>> -> memref<1x80x128xf32, #tpu.memory_space<hbm>>
          %dma_start3A_162 = tpu.memref_squeeze %dma_start3A_161 : memref<1x80x128xf32, #tpu.memory_space<hbm>> -> memref<80x128xf32, #tpu.memory_space<hbm>>
          %dma_start3A_163 = arith.constant 0 : i32
          %dma_start3A_164 = arith.constant 0 : i32
          %dma_start3A_165 = tpu.memref_slice %arg11[%dma_start3A_163, %dma_start3A_164] : memref<128x128xf32, #tpu.memory_space<vmem>> -> memref<80x128xf32, #tpu.memory_space<vmem>>
          tpu.enqueue_dma source(%dma_start3A_165 : memref<80x128xf32, #tpu.memory_space<vmem>>) target(%dma_start3A_162 : memref<80x128xf32, #tpu.memory_space<hbm>>) target_semaphore(%run_scoped3A : memref<!tpu.dma_semaphore, #tpu.memory_space<semaphore_mem>>)
          %dma_wait3A = arith.constant 0 : i32
          %dma_wait3A_166 = arith.constant 0 : i32
          %dma_wait3A_167 = tpu.memref_slice %arg11[%dma_wait3A, %dma_wait3A_166] : memref<128x128xf32, #tpu.memory_space<vmem>> -> memref<80x128xf32, #tpu.memory_space<vmem>>
          %dma_wait3A_168 = arith.constant 0 : i32
          %dma_wait3A_169 = tpu.memref_slice %arg8[%arg0, %mul3A_153, %dma_wait3A_168] : memref<2x10000x128xf32, #tpu.memory_space<hbm>> -> memref<1x80x128xf32, #tpu.memory_space<hbm>>
          %dma_wait3A_170 = tpu.memref_squeeze %dma_wait3A_169 : memref<1x80x128xf32, #tpu.memory_space<hbm>> -> memref<80x128xf32, #tpu.memory_space<hbm>>
          %dma_wait3A_171 = arith.constant 0 : i32
          %dma_wait3A_172 = tpu.memref_slice %arg8[%arg0, %mul3A_153, %dma_wait3A_171] : memref<2x10000x128xf32, #tpu.memory_space<hbm>> -> memref<1x80x128xf32, #tpu.memory_space<hbm>>
          %dma_wait3A_173 = tpu.memref_squeeze %dma_wait3A_172 : memref<1x80x128xf32, #tpu.memory_space<hbm>> -> memref<80x128xf32, #tpu.memory_space<hbm>>
          %dma_wait3A_174 = arith.constant 0 : i32
          %dma_wait3A_175 = arith.constant 0 : i32
          %dma_wait3A_176 = tpu.memref_slice %arg11[%dma_wait3A_174, %dma_wait3A_175] : memref<128x128xf32, #tpu.memory_space<vmem>> -> memref<80x128xf32, #tpu.memory_space<vmem>>
          tpu.wait_dma2 semaphore(%run_scoped3A : memref<!tpu.dma_semaphore, #tpu.memory_space<semaphore_mem>>) src(%dma_wait3A_176 : memref<80x128xf32, #tpu.memory_space<vmem>>) dst(%dma_wait3A_173 : memref<80x128xf32, #tpu.memory_space<hbm>>)
          tpu.yield
        }) : () -> ()
      } else {
      }
    }
    %scan3A_110 = arith.constant 8 : i32
    %barrier3A_111 = arith.constant 0 : index
    tpu.barrier barrier_id(%barrier3A_111)
    %scan3A_112 = arith.constant 0 : i32
    %scan3A_113 = arith.constant 0 : i32
    %scan3A_114 = arith.constant 640 : i32
    %scan3A_115 = arith.addi %scan3A_113, %scan3A_114 : i32
    %scan3A_116 = arith.constant 1 : i32
    scf.for %scan3A_145 = %scan3A_113 to %scan3A_115 step %scan3A_116  : i32 {
      %jit3A = arith.constant 8 : i32
      %div3A = arith.divsi %scan3A_145, %jit3A : i32
      %sign3A = arith.constant 0 : i32
      %sign3A_146 = arith.cmpi sgt, %scan3A_145, %sign3A : i32
      %sign3A_147 = arith.extui %sign3A_146 : i1 to i32
      %sign3A_148 = arith.constant 0 : i32
      %sign3A_149 = arith.cmpi slt, %scan3A_145, %sign3A_148 : i32
      %sign3A_150 = arith.extui %sign3A_149 : i1 to i32
      %sign3A_151 = arith.subi %sign3A_147, %sign3A_150 : i32
      %sign3A_152 = arith.constant 0 : i32
      %sign3A_153 = arith.cmpi sgt, %jit3A, %sign3A_152 : i32
      %sign3A_154 = arith.extui %sign3A_153 : i1 to i32
      %sign3A_155 = arith.constant 0 : i32
      %sign3A_156 = arith.cmpi slt, %jit3A, %sign3A_155 : i32
      %sign3A_157 = arith.extui %sign3A_156 : i1 to i32
      %sign3A_158 = arith.subi %sign3A_154, %sign3A_157 : i32
      %ne3A = arith.cmpi ne, %sign3A_151, %sign3A_158 : i32
      %rem3A = arith.remsi %scan3A_145, %jit3A : i32
      %ne3A_159 = arith.constant 0 : i32
      %ne3A_160 = arith.cmpi ne, %rem3A, %ne3A_159 : i32
      %and3A = arith.andi %ne3A, %ne3A_160 : i1
      %sub3A = arith.constant 1 : i32
      %sub3A_161 = arith.subi %div3A, %sub3A : i32
      %select_n3A = arith.select %and3A, %sub3A_161, %div3A : i32
      %jit3A_162 = arith.constant 8 : i32
      %eq3A = arith.constant 0 : i32
      %eq3A_163 = arith.cmpi eq, %jit3A_162, %eq3A : i32
      %jit3A_164 = arith.constant 1 : i32
      %select_n3A_165 = arith.select %eq3A_163, %jit3A_164, %jit3A_162 : i32
      %rem3A_166 = arith.remsi %scan3A_145, %select_n3A_165 : i32
      %ne3A_167 = arith.constant 0 : i32
      %ne3A_168 = arith.cmpi ne, %rem3A_166, %ne3A_167 : i32
      %lt3A = arith.constant 0 : i32
      %lt3A_169 = arith.cmpi slt, %rem3A_166, %lt3A : i32
      %lt3A_170 = arith.constant 0 : i32
      %lt3A_171 = arith.cmpi slt, %select_n3A_165, %lt3A_170 : i32
      %ne3A_172 = arith.xori %lt3A_169, %lt3A_171 : i1
      %and3A_173 = arith.andi %ne3A_172, %ne3A_168 : i1
      %add3A = arith.addi %rem3A_166, %select_n3A_165 : i32
      %select_n3A_174 = arith.select %and3A_173, %add3A, %rem3A_166 : i32
      %mul3A_175 = arith.constant 16 : i32
      %mul3A_176 = arith.muli %select_n3A_174, %mul3A_175 : i32
      %swap3A = arith.index_cast %select_n3A : i32 to index
      %swap3A_177 = arith.index_cast %mul3A_176 : i32 to index
      %swap3A_178 = tpu.vector_load %arg11[%swap3A, %swap3A_177] {strides = array<i32>} : memref<128x128xf32, #tpu.memory_space<vmem>>, vector<1x16xf32>,
      %swap3A_179 = vector.shape_cast %swap3A_178 : vector<1x16xf32> to vector<16xf32>
      %swap3A_180 = vector.shape_cast %broadcast_in_dim3A_0 : vector<16xf32> to vector<1x16xf32>
      tpu.vector_store %arg11[%swap3A, %swap3A_177], %swap3A_180 {strides = array<i32>} : memref<128x128xf32, #tpu.memory_space<vmem>>, vector<1x16xf32>,
    }
    %scan3A_117 = arith.constant 640 : i32
    %scan3A_118 = arith.constant 0 : i32
    %scan3A_119 = arith.constant 0 : i32
    %scan3A_120 = arith.constant 8 : i32
    %scan3A_121 = arith.addi %scan3A_119, %scan3A_120 : i32
    %scan3A_122 = arith.constant 1 : i32
    scf.for %scan3A_145 = %scan3A_119 to %scan3A_121 step %scan3A_122  : i32 {
      %mul3A_146 = arith.constant 16 : i32
      %mul3A_147 = arith.muli %mul3A_146, %scan3A_145 : i32
      %add3A = arith.addi %arg1, %mul3A_147 : i32
      %lt3A = arith.constant 125 : i32
      %lt3A_148 = arith.cmpi slt, %add3A, %lt3A : i32
      %convert_element_type3A = arith.extui %lt3A_148 : i1 to i32
      %cond3A = arith.constant 0 : i32
      %cond3A_149 = arith.cmpi ne, %convert_element_type3A, %cond3A : i32
      scf.if %cond3A_149 {
        %mul3A_150 = arith.constant 80 : i32
        %mul3A_151 = arith.muli %add3A, %mul3A_150 : i32
        "tpu.region"() ({
          %run_scoped3A = tpu.sem_alloc : memref<!tpu.dma_semaphore, #tpu.memory_space<semaphore_mem>>
          %dma_start3A_152 = arith.constant 0 : i32
          %dma_start3A_153 = arith.constant 0 : i32
          %dma_start3A_154 = tpu.memref_slice %arg11[%dma_start3A_152, %dma_start3A_153] : memref<128x128xf32, #tpu.memory_space<vmem>> -> memref<80x128xf32, #tpu.memory_space<vmem>>
          %dma_start3A_155 = arith.constant 0 : i32
          %dma_start3A_156 = tpu.memref_slice %arg20[%mul3A_151, %dma_start3A_155] : memref<10000x128xf32, #tpu.memory_space<vmem_shared>> -> memref<80x128xf32, #tpu.memory_space<vmem_shared>>
          %dma_start3A_157 = arith.constant 0 : i32
          %dma_start3A_158 = tpu.memref_slice %arg20[%mul3A_151, %dma_start3A_157] : memref<10000x128xf32, #tpu.memory_space<vmem_shared>> -> memref<80x128xf32, #tpu.memory_space<vmem_shared>>
          %dma_start3A_159 = arith.constant 0 : i32
          %dma_start3A_160 = arith.constant 0 : i32
          %dma_start3A_161 = tpu.memref_slice %arg11[%dma_start3A_159, %dma_start3A_160] : memref<128x128xf32, #tpu.memory_space<vmem>> -> memref<80x128xf32, #tpu.memory_space<vmem>>
          tpu.enqueue_dma source(%dma_start3A_161 : memref<80x128xf32, #tpu.memory_space<vmem>>) target(%dma_start3A_158 : memref<80x128xf32, #tpu.memory_space<vmem_shared>>) target_semaphore(%run_scoped3A : memref<!tpu.dma_semaphore, #tpu.memory_space<semaphore_mem>>)
          %dma_wait3A = arith.constant 0 : i32
          %dma_wait3A_162 = arith.constant 0 : i32
          %dma_wait3A_163 = tpu.memref_slice %arg11[%dma_wait3A, %dma_wait3A_162] : memref<128x128xf32, #tpu.memory_space<vmem>> -> memref<80x128xf32, #tpu.memory_space<vmem>>
          %dma_wait3A_164 = arith.constant 0 : i32
          %dma_wait3A_165 = tpu.memref_slice %arg20[%mul3A_151, %dma_wait3A_164] : memref<10000x128xf32, #tpu.memory_space<vmem_shared>> -> memref<80x128xf32, #tpu.memory_space<vmem_shared>>
          %dma_wait3A_166 = arith.constant 0 : i32
          %dma_wait3A_167 = tpu.memref_slice %arg20[%mul3A_151, %dma_wait3A_166] : memref<10000x128xf32, #tpu.memory_space<vmem_shared>> -> memref<80x128xf32, #tpu.memory_space<vmem_shared>>
          %dma_wait3A_168 = arith.constant 0 : i32
          %dma_wait3A_169 = arith.constant 0 : i32
          %dma_wait3A_170 = tpu.memref_slice %arg11[%dma_wait3A_168, %dma_wait3A_169] : memref<128x128xf32, #tpu.memory_space<vmem>> -> memref<80x128xf32, #tpu.memory_space<vmem>>
          tpu.wait_dma2 semaphore(%run_scoped3A : memref<!tpu.dma_semaphore, #tpu.memory_space<semaphore_mem>>) src(%dma_wait3A_170 : memref<80x128xf32, #tpu.memory_space<vmem>>) dst(%dma_wait3A_167 : memref<80x128xf32, #tpu.memory_space<vmem_shared>>)
          tpu.yield
        }) : () -> ()
      } else {
      }
    }
    %scan3A_123 = arith.constant 8 : i32
    %barrier3A_124 = arith.constant 0 : index
    tpu.barrier barrier_id(%barrier3A_124)
    %dma_start3A_125 = arith.constant 0 : i32
    %dma_start3A_126 = tpu.memref_slice %arg4[%arg0, %arg1, %dma_start3A_125] : memref<2x1250x128xi32, #tpu.memory_space<hbm>> -> memref<1x1x128xi32, #tpu.memory_space<hbm>>
    %dma_start3A_127 = tpu.memref_squeeze %dma_start3A_126 : memref<1x1x128xi32, #tpu.memory_space<hbm>> -> memref<128xi32, #tpu.memory_space<hbm>>
    %dma_start3A_128 = arith.constant 0 : i32
    %dma_start3A_129 = tpu.memref_slice %arg4[%arg0, %arg1, %dma_start3A_128] : memref<2x1250x128xi32, #tpu.memory_space<hbm>> -> memref<1x1x128xi32, #tpu.memory_space<hbm>>
    %dma_start3A_130 = tpu.memref_squeeze %dma_start3A_129 : memref<1x1x128xi32, #tpu.memory_space<hbm>> -> memref<128xi32, #tpu.memory_space<hbm>>
    tpu.enqueue_dma source(%dma_start3A_130 : memref<128xi32, #tpu.memory_space<hbm>>) target(%arg12 : memref<128xi32, #tpu.memory_space<vmem>>) target_semaphore(%arg16 : memref<!tpu.dma_semaphore, #tpu.memory_space<semaphore_mem>>)
    %scan3A_131 = arith.constant 0 : i32
    %scan3A_132 = arith.constant 0 : i32
    %scan3A_133 = arith.constant 40 : i32
    %scan3A_134 = arith.addi %scan3A_132, %scan3A_133 : i32
    %scan3A_135 = arith.constant 1 : i32
    scf.for %scan3A_145 = %scan3A_132 to %scan3A_134 step %scan3A_135  : i32 {
      %mul3A_146 = arith.constant 2 : i32
      %mul3A_147 = arith.muli %mul3A_146, %scan3A_145 : i32
      %add3A = arith.constant 0 : i32
      %add3A_148 = arith.addi %mul3A_147, %add3A : i32
      %mul3A_149 = arith.constant 16 : i32
      %mul3A_150 = arith.muli %mul3A_149, %add3A_148 : i32
      %add3A_151 = arith.addi %arg1, %mul3A_150 : i32
      %add3A_152 = arith.constant 16 : i32
      %add3A_153 = arith.addi %add3A_151, %add3A_152 : i32
      %lt3A = arith.constant 1250 : i32
      %lt3A_154 = arith.cmpi slt, %add3A_151, %lt3A : i32
      %convert_element_type3A = arith.extui %lt3A_154 : i1 to i32
      %cond3A = arith.constant 0 : i32
      %cond3A_155 = arith.cmpi ne, %convert_element_type3A, %cond3A : i32
      scf.if %cond3A_155 {
        %dma_wait3A = arith.constant 0 : i32
        %dma_wait3A_211 = tpu.memref_slice %arg4[%arg0, %add3A_151, %dma_wait3A] : memref<2x1250x128xi32, #tpu.memory_space<hbm>> -> memref<1x1x128xi32, #tpu.memory_space<hbm>>
        %dma_wait3A_212 = tpu.memref_squeeze %dma_wait3A_211 : memref<1x1x128xi32, #tpu.memory_space<hbm>> -> memref<128xi32, #tpu.memory_space<hbm>>
        %dma_wait3A_213 = arith.constant 0 : i32
        %dma_wait3A_214 = tpu.memref_slice %arg4[%arg0, %add3A_151, %dma_wait3A_213] : memref<2x1250x128xi32, #tpu.memory_space<hbm>> -> memref<1x1x128xi32, #tpu.memory_space<hbm>>
        %dma_wait3A_215 = tpu.memref_squeeze %dma_wait3A_214 : memref<1x1x128xi32, #tpu.memory_space<hbm>> -> memref<128xi32, #tpu.memory_space<hbm>>
        tpu.wait_dma2 semaphore(%arg16 : memref<!tpu.dma_semaphore, #tpu.memory_space<semaphore_mem>>) src(%dma_wait3A_215 : memref<128xi32, #tpu.memory_space<hbm>>) dst(%arg12 : memref<128xi32, #tpu.memory_space<vmem>>)
      } else {
      }
      %sub3A = arith.constant 16 : i32
      %sub3A_156 = arith.subi %add3A_151, %sub3A : i32
      %ge3A = arith.constant 0 : i32
      %ge3A_157 = arith.cmpi sge, %sub3A_156, %ge3A : i32
      %sub3A_158 = arith.constant 16 : i32
      %sub3A_159 = arith.subi %add3A_151, %sub3A_158 : i32
      %lt3A_160 = arith.constant 1250 : i32
      %lt3A_161 = arith.cmpi slt, %sub3A_159, %lt3A_160 : i32
      %and3A = arith.andi %ge3A_157, %lt3A_161 : i1
      %convert_element_type3A_162 = arith.extui %and3A : i1 to i32
      %cond3A_163 = arith.constant 0 : i32
      %cond3A_164 = arith.cmpi ne, %convert_element_type3A_162, %cond3A_163 : i32
      scf.if %cond3A_164 {
        %dma_wait3A = arith.constant 0 : i32
        %dma_wait3A_211 = arith.constant 0 : i32
        %dma_wait3A_212 = tpu.memref_slice %arg20[%dma_wait3A, %dma_wait3A_211] : memref<10000x128xf32, #tpu.memory_space<vmem_shared>> -> memref<10000x128xf32, #tpu.memory_space<vmem_shared>>
        tpu.wait_indirect_dma semaphore(%arg19 : memref<!tpu.dma_semaphore, #tpu.memory_space<semaphore_mem>>) src(%arg10 : memref<128x128xf32, #tpu.memory_space<vmem>>) dst(%dma_wait3A_212 : memref<10000x128xf32, #tpu.memory_space<vmem_shared>>)
      } else {
      }
      %lt3A_165 = arith.constant 1250 : i32
      %lt3A_166 = arith.cmpi slt, %add3A_153, %lt3A_165 : i32
      %convert_element_type3A_167 = arith.extui %lt3A_166 : i1 to i32
      %cond3A_168 = arith.constant 0 : i32
      %cond3A_169 = arith.cmpi ne, %convert_element_type3A_167, %cond3A_168 : i32
      scf.if %cond3A_169 {
        %dma_start3A_211 = arith.constant 0 : i32
        %dma_start3A_212 = tpu.memref_slice %arg4[%arg0, %add3A_153, %dma_start3A_211] : memref<2x1250x128xi32, #tpu.memory_space<hbm>> -> memref<1x1x128xi32, #tpu.memory_space<hbm>>
        %dma_start3A_213 = tpu.memref_squeeze %dma_start3A_212 : memref<1x1x128xi32, #tpu.memory_space<hbm>> -> memref<128xi32, #tpu.memory_space<hbm>>
        %dma_start3A_214 = arith.constant 0 : i32
        %dma_start3A_215 = tpu.memref_slice %arg4[%arg0, %add3A_153, %dma_start3A_214] : memref<2x1250x128xi32, #tpu.memory_space<hbm>> -> memref<1x1x128xi32, #tpu.memory_space<hbm>>
        %dma_start3A_216 = tpu.memref_squeeze %dma_start3A_215 : memref<1x1x128xi32, #tpu.memory_space<hbm>> -> memref<128xi32, #tpu.memory_space<hbm>>
        tpu.enqueue_dma source(%dma_start3A_216 : memref<128xi32, #tpu.memory_space<hbm>>) target(%arg13 : memref<128xi32, #tpu.memory_space<vmem>>) target_semaphore(%arg17 : memref<!tpu.dma_semaphore, #tpu.memory_space<semaphore_mem>>)
      } else {
      }
      %lt3A_170 = arith.constant 1250 : i32
      %lt3A_171 = arith.cmpi slt, %add3A_151, %lt3A_170 : i32
      %convert_element_type3A_172 = arith.extui %lt3A_171 : i1 to i32
      %cond3A_173 = arith.constant 0 : i32
      %cond3A_174 = arith.cmpi ne, %convert_element_type3A_172, %cond3A_173 : i32
      scf.if %cond3A_174 {
        %dma_start3A_211 = arith.constant 0 : i32
        %dma_start3A_212 = arith.constant 0 : i32
        %dma_start3A_213 = tpu.memref_slice %arg20[%dma_start3A_211, %dma_start3A_212] : memref<10000x128xf32, #tpu.memory_space<vmem_shared>> -> memref<10000x128xf32, #tpu.memory_space<vmem_shared>>
        tpu.enqueue_indirect_dma source(%arg10 : memref<128x128xf32, #tpu.memory_space<vmem>>) target(%dma_start3A_213 : memref<10000x128xf32, #tpu.memory_space<vmem_shared>>) offsets(%arg12 : memref<128xi32, #tpu.memory_space<vmem>>) semaphore(%arg18 : memref<!tpu.dma_semaphore, #tpu.memory_space<semaphore_mem>>) {add = true}
      } else {
      }
      %mul3A_175 = arith.constant 2 : i32
      %mul3A_176 = arith.muli %mul3A_175, %scan3A_145 : i32
      %add3A_177 = arith.constant 1 : i32
      %add3A_178 = arith.addi %mul3A_176, %add3A_177 : i32
      %mul3A_179 = arith.constant 16 : i32
      %mul3A_180 = arith.muli %mul3A_179, %add3A_178 : i32
      %add3A_181 = arith.addi %arg1, %mul3A_180 : i32
      %add3A_182 = arith.constant 16 : i32
      %add3A_183 = arith.addi %add3A_181, %add3A_182 : i32
      %lt3A_184 = arith.constant 1250 : i32
      %lt3A_185 = arith.cmpi slt, %add3A_181, %lt3A_184 : i32
      %convert_element_type3A_186 = arith.extui %lt3A_185 : i1 to i32
      %cond3A_187 = arith.constant 0 : i32
      %cond3A_188 = arith.cmpi ne, %convert_element_type3A_186, %cond3A_187 : i32
      scf.if %cond3A_188 {
        %dma_wait3A = arith.constant 0 : i32
        %dma_wait3A_211 = tpu.memref_slice %arg4[%arg0, %add3A_181, %dma_wait3A] : memref<2x1250x128xi32, #tpu.memory_space<hbm>> -> memref<1x1x128xi32, #tpu.memory_space<hbm>>
        %dma_wait3A_212 = tpu.memref_squeeze %dma_wait3A_211 : memref<1x1x128xi32, #tpu.memory_space<hbm>> -> memref<128xi32, #tpu.memory_space<hbm>>
        %dma_wait3A_213 = arith.constant 0 : i32
        %dma_wait3A_214 = tpu.memref_slice %arg4[%arg0, %add3A_181, %dma_wait3A_213] : memref<2x1250x128xi32, #tpu.memory_space<hbm>> -> memref<1x1x128xi32, #tpu.memory_space<hbm>>
        %dma_wait3A_215 = tpu.memref_squeeze %dma_wait3A_214 : memref<1x1x128xi32, #tpu.memory_space<hbm>> -> memref<128xi32, #tpu.memory_space<hbm>>
        tpu.wait_dma2 semaphore(%arg17 : memref<!tpu.dma_semaphore, #tpu.memory_space<semaphore_mem>>) src(%dma_wait3A_215 : memref<128xi32, #tpu.memory_space<hbm>>) dst(%arg13 : memref<128xi32, #tpu.memory_space<vmem>>)
      } else {
      }
      %sub3A_189 = arith.constant 16 : i32
      %sub3A_190 = arith.subi %add3A_181, %sub3A_189 : i32
      %ge3A_191 = arith.constant 0 : i32
      %ge3A_192 = arith.cmpi sge, %sub3A_190, %ge3A_191 : i32
      %sub3A_193 = arith.constant 16 : i32
      %sub3A_194 = arith.subi %add3A_181, %sub3A_193 : i32
      %lt3A_195 = arith.constant 1250 : i32
      %lt3A_196 = arith.cmpi slt, %sub3A_194, %lt3A_195 : i32
      %and3A_197 = arith.andi %ge3A_192, %lt3A_196 : i1
      %convert_element_type3A_198 = arith.extui %and3A_197 : i1 to i32
      %cond3A_199 = arith.constant 0 : i32
      %cond3A_200 = arith.cmpi ne, %convert_element_type3A_198, %cond3A_199 : i32
      scf.if %cond3A_200 {
        %dma_wait3A = arith.constant 0 : i32
        %dma_wait3A_211 = arith.constant 0 : i32
        %dma_wait3A_212 = tpu.memref_slice %arg20[%dma_wait3A, %dma_wait3A_211] : memref<10000x128xf32, #tpu.memory_space<vmem_shared>> -> memref<10000x128xf32, #tpu.memory_space<vmem_shared>>
        tpu.wait_indirect_dma semaphore(%arg18 : memref<!tpu.dma_semaphore, #tpu.memory_space<semaphore_mem>>) src(%arg10 : memref<128x128xf32, #tpu.memory_space<vmem>>) dst(%dma_wait3A_212 : memref<10000x128xf32, #tpu.memory_space<vmem_shared>>)
      } else {
      }
      %lt3A_201 = arith.constant 1250 : i32
      %lt3A_202 = arith.cmpi slt, %add3A_183, %lt3A_201 : i32
      %convert_element_type3A_203 = arith.extui %lt3A_202 : i1 to i32
      %cond3A_204 = arith.constant 0 : i32
      %cond3A_205 = arith.cmpi ne, %convert_element_type3A_203, %cond3A_204 : i32
      scf.if %cond3A_205 {
        %dma_start3A_211 = arith.constant 0 : i32
        %dma_start3A_212 = tpu.memref_slice %arg4[%arg0, %add3A_183, %dma_start3A_211] : memref<2x1250x128xi32, #tpu.memory_space<hbm>> -> memref<1x1x128xi32, #tpu.memory_space<hbm>>
        %dma_start3A_213 = tpu.memref_squeeze %dma_start3A_212 : memref<1x1x128xi32, #tpu.memory_space<hbm>> -> memref<128xi32, #tpu.memory_space<hbm>>
        %dma_start3A_214 = arith.constant 0 : i32
        %dma_start3A_215 = tpu.memref_slice %arg4[%arg0, %add3A_183, %dma_start3A_214] : memref<2x1250x128xi32, #tpu.memory_space<hbm>> -> memref<1x1x128xi32, #tpu.memory_space<hbm>>
        %dma_start3A_216 = tpu.memref_squeeze %dma_start3A_215 : memref<1x1x128xi32, #tpu.memory_space<hbm>> -> memref<128xi32, #tpu.memory_space<hbm>>
        tpu.enqueue_dma source(%dma_start3A_216 : memref<128xi32, #tpu.memory_space<hbm>>) target(%arg12 : memref<128xi32, #tpu.memory_space<vmem>>) target_semaphore(%arg16 : memref<!tpu.dma_semaphore, #tpu.memory_space<semaphore_mem>>)
      } else {
      }
      %lt3A_206 = arith.constant 1250 : i32
      %lt3A_207 = arith.cmpi slt, %add3A_181, %lt3A_206 : i32
      %convert_element_type3A_208 = arith.extui %lt3A_207 : i1 to i32
      %cond3A_209 = arith.constant 0 : i32
      %cond3A_210 = arith.cmpi ne, %convert_element_type3A_208, %cond3A_209 : i32
      scf.if %cond3A_210 {
        %dma_start3A_211 = arith.constant 0 : i32
        %dma_start3A_212 = arith.constant 0 : i32
        %dma_start3A_213 = tpu.memref_slice %arg20[%dma_start3A_211, %dma_start3A_212] : memref<10000x128xf32, #tpu.memory_space<vmem_shared>> -> memref<10000x128xf32, #tpu.memory_space<vmem_shared>>
        tpu.enqueue_indirect_dma source(%arg10 : memref<128x128xf32, #tpu.memory_space<vmem>>) target(%dma_start3A_213 : memref<10000x128xf32, #tpu.memory_space<vmem_shared>>) offsets(%arg13 : memref<128xi32, #tpu.memory_space<vmem>>) semaphore(%arg19 : memref<!tpu.dma_semaphore, #tpu.memory_space<semaphore_mem>>) {add = true}
      } else {
      }
    }
    %scan3A_136 = arith.constant 40 : i32
    %barrier3A_137 = arith.constant 0 : index
    tpu.barrier barrier_id(%barrier3A_137)
    %scan3A_138 = arith.constant 0 : i32
    %scan3A_139 = arith.constant 0 : i32
    %scan3A_140 = arith.constant 8 : i32
    %scan3A_141 = arith.addi %scan3A_139, %scan3A_140 : i32
    %scan3A_142 = arith.constant 1 : i32
    scf.for %scan3A_145 = %scan3A_139 to %scan3A_141 step %scan3A_142  : i32 {
      %mul3A_146 = arith.constant 16 : i32
      %mul3A_147 = arith.muli %mul3A_146, %scan3A_145 : i32
      %add3A = arith.addi %arg1, %mul3A_147 : i32
      %lt3A = arith.constant 125 : i32
      %lt3A_148 = arith.cmpi slt, %add3A, %lt3A : i32
      %convert_element_type3A = arith.extui %lt3A_148 : i1 to i32
      %cond3A = arith.constant 0 : i32
      %cond3A_149 = arith.cmpi ne, %convert_element_type3A, %cond3A : i32
      scf.if %cond3A_149 {
        %mul3A_150 = arith.constant 80 : i32
        %mul3A_151 = arith.muli %add3A, %mul3A_150 : i32
        "tpu.region"() ({
          %run_scoped3A = tpu.sem_alloc : memref<!tpu.dma_semaphore, #tpu.memory_space<semaphore_mem>>
          %dma_start3A_154 = arith.constant 0 : i32
          %dma_start3A_155 = arith.constant 0 : i32
          %dma_start3A_156 = tpu.memref_slice %arg11[%dma_start3A_154, %dma_start3A_155] : memref<128x128xf32, #tpu.memory_space<vmem>> -> memref<80x128xf32, #tpu.memory_space<vmem>>
          %dma_start3A_157 = arith.constant 0 : i32
          %dma_start3A_158 = tpu.memref_slice %arg20[%mul3A_151, %dma_start3A_157] : memref<10000x128xf32, #tpu.memory_space<vmem_shared>> -> memref<80x128xf32, #tpu.memory_space<vmem_shared>>
          %dma_start3A_159 = arith.constant 0 : i32
          %dma_start3A_160 = arith.constant 0 : i32
          %dma_start3A_161 = tpu.memref_slice %arg11[%dma_start3A_159, %dma_start3A_160] : memref<128x128xf32, #tpu.memory_space<vmem>> -> memref<80x128xf32, #tpu.memory_space<vmem>>
          %dma_start3A_162 = arith.constant 0 : i32
          %dma_start3A_163 = tpu.memref_slice %arg20[%mul3A_151, %dma_start3A_162] : memref<10000x128xf32, #tpu.memory_space<vmem_shared>> -> memref<80x128xf32, #tpu.memory_space<vmem_shared>>
          tpu.enqueue_dma source(%dma_start3A_163 : memref<80x128xf32, #tpu.memory_space<vmem_shared>>) target(%dma_start3A_161 : memref<80x128xf32, #tpu.memory_space<vmem>>) target_semaphore(%run_scoped3A : memref<!tpu.dma_semaphore, #tpu.memory_space<semaphore_mem>>)
          %dma_wait3A = arith.constant 0 : i32
          %dma_wait3A_164 = arith.constant 0 : i32
          %dma_wait3A_165 = tpu.memref_slice %arg11[%dma_wait3A, %dma_wait3A_164] : memref<128x128xf32, #tpu.memory_space<vmem>> -> memref<80x128xf32, #tpu.memory_space<vmem>>
          %dma_wait3A_166 = arith.constant 0 : i32
          %dma_wait3A_167 = tpu.memref_slice %arg20[%mul3A_151, %dma_wait3A_166] : memref<10000x128xf32, #tpu.memory_space<vmem_shared>> -> memref<80x128xf32, #tpu.memory_space<vmem_shared>>
          %dma_wait3A_168 = arith.constant 0 : i32
          %dma_wait3A_169 = arith.constant 0 : i32
          %dma_wait3A_170 = tpu.memref_slice %arg11[%dma_wait3A_168, %dma_wait3A_169] : memref<128x128xf32, #tpu.memory_space<vmem>> -> memref<80x128xf32, #tpu.memory_space<vmem>>
          %dma_wait3A_171 = arith.constant 0 : i32
          %dma_wait3A_172 = tpu.memref_slice %arg20[%mul3A_151, %dma_wait3A_171] : memref<10000x128xf32, #tpu.memory_space<vmem_shared>> -> memref<80x128xf32, #tpu.memory_space<vmem_shared>>
          tpu.wait_dma2 semaphore(%run_scoped3A : memref<!tpu.dma_semaphore, #tpu.memory_space<semaphore_mem>>) src(%dma_wait3A_172 : memref<80x128xf32, #tpu.memory_space<vmem_shared>>) dst(%dma_wait3A_170 : memref<80x128xf32, #tpu.memory_space<vmem>>)
          tpu.yield
        }) : () -> ()
        %mul3A_152 = arith.constant 80 : i32
        %mul3A_153 = arith.muli %add3A, %mul3A_152 : i32
        "tpu.region"() ({
          %run_scoped3A = tpu.sem_alloc : memref<!tpu.dma_semaphore, #tpu.memory_space<semaphore_mem>>
          %dma_start3A_154 = arith.constant 0 : i32
          %dma_start3A_155 = arith.constant 0 : i32
          %dma_start3A_156 = tpu.memref_slice %arg11[%dma_start3A_154, %dma_start3A_155] : memref<128x128xf32, #tpu.memory_space<vmem>> -> memref<80x128xf32, #tpu.memory_space<vmem>>
          %dma_start3A_157 = arith.constant 0 : i32
          %dma_start3A_158 = tpu.memref_slice %arg9[%arg0, %mul3A_153, %dma_start3A_157] : memref<2x10000x128xf32, #tpu.memory_space<hbm>> -> memref<1x80x128xf32, #tpu.memory_space<hbm>>
          %dma_start3A_159 = tpu.memref_squeeze %dma_start3A_158 : memref<1x80x128xf32, #tpu.memory_space<hbm>> -> memref<80x128xf32, #tpu.memory_space<hbm>>
          %dma_start3A_160 = arith.constant 0 : i32
          %dma_start3A_161 = tpu.memref_slice %arg9[%arg0, %mul3A_153, %dma_start3A_160] : memref<2x10000x128xf32, #tpu.memory_space<hbm>> -> memref<1x80x128xf32, #tpu.memory_space<hbm>>
          %dma_start3A_162 = tpu.memref_squeeze %dma_start3A_161 : memref<1x80x128xf32, #tpu.memory_space<hbm>> -> memref<80x128xf32, #tpu.memory_space<hbm>>
          %dma_start3A_163 = arith.constant 0 : i32
          %dma_start3A_164 = arith.constant 0 : i32
          %dma_start3A_165 = tpu.memref_slice %arg11[%dma_start3A_163, %dma_start3A_164] : memref<128x128xf32, #tpu.memory_space<vmem>> -> memref<80x128xf32, #tpu.memory_space<vmem>>
          tpu.enqueue_dma source(%dma_start3A_165 : memref<80x128xf32, #tpu.memory_space<vmem>>) target(%dma_start3A_162 : memref<80x128xf32, #tpu.memory_space<hbm>>) target_semaphore(%run_scoped3A : memref<!tpu.dma_semaphore, #tpu.memory_space<semaphore_mem>>)
          %dma_wait3A = arith.constant 0 : i32
          %dma_wait3A_166 = arith.constant 0 : i32
          %dma_wait3A_167 = tpu.memref_slice %arg11[%dma_wait3A, %dma_wait3A_166] : memref<128x128xf32, #tpu.memory_space<vmem>> -> memref<80x128xf32, #tpu.memory_space<vmem>>
          %dma_wait3A_168 = arith.constant 0 : i32
          %dma_wait3A_169 = tpu.memref_slice %arg9[%arg0, %mul3A_153, %dma_wait3A_168] : memref<2x10000x128xf32, #tpu.memory_space<hbm>> -> memref<1x80x128xf32, #tpu.memory_space<hbm>>
          %dma_wait3A_170 = tpu.memref_squeeze %dma_wait3A_169 : memref<1x80x128xf32, #tpu.memory_space<hbm>> -> memref<80x128xf32, #tpu.memory_space<hbm>>
          %dma_wait3A_171 = arith.constant 0 : i32
          %dma_wait3A_172 = tpu.memref_slice %arg9[%arg0, %mul3A_153, %dma_wait3A_171] : memref<2x10000x128xf32, #tpu.memory_space<hbm>> -> memref<1x80x128xf32, #tpu.memory_space<hbm>>
          %dma_wait3A_173 = tpu.memref_squeeze %dma_wait3A_172 : memref<1x80x128xf32, #tpu.memory_space<hbm>> -> memref<80x128xf32, #tpu.memory_space<hbm>>
          %dma_wait3A_174 = arith.constant 0 : i32
          %dma_wait3A_175 = arith.constant 0 : i32
          %dma_wait3A_176 = tpu.memref_slice %arg11[%dma_wait3A_174, %dma_wait3A_175] : memref<128x128xf32, #tpu.memory_space<vmem>> -> memref<80x128xf32, #tpu.memory_space<vmem>>
          tpu.wait_dma2 semaphore(%run_scoped3A : memref<!tpu.dma_semaphore, #tpu.memory_space<semaphore_mem>>) src(%dma_wait3A_176 : memref<80x128xf32, #tpu.memory_space<vmem>>) dst(%dma_wait3A_173 : memref<80x128xf32, #tpu.memory_space<hbm>>)
          tpu.yield
        }) : () -> ()
      } else {
      }
    }
    %scan3A_143 = arith.constant 8 : i32
    %barrier3A_144 = arith.constant 0 : index
    tpu.barrier barrier_id(%barrier3A_144)
    return
  }
}

module attributes {stable_mosaic.version = 14 : i64} {
  func.func @_p2_body(%arg0: i32, %arg1: i32, %arg2: memref<1x5000x128xf32, #tpu.memory_space<vmem>>, %arg3: memref<1x5000x128xf32, #tpu.memory_space<vmem>>, %arg4: memref<1x5000x128xf32, #tpu.memory_space<vmem>>, %arg5: memref<1x5000x128xf32, #tpu.memory_space<vmem>>, %arg6: memref<128x128xf32, #tpu.memory_space<vmem>>, %arg7: memref<128x128xf32, #tpu.memory_space<vmem>>, %arg8: memref<1x5000x128xf32, #tpu.memory_space<vmem>>, %arg9: memref<1x5000x128xf32, #tpu.memory_space<vmem>>, %arg10: memref<1x8x128xf32, #tpu.memory_space<vmem>>) attributes {dimension_semantics = [#tpu.dimension_semantics<arbitrary>, #tpu.dimension_semantics<arbitrary>], iteration_bounds = array<i64: 2, 2>, scalar_prefetch = 0 : i64, scratch_operands = 0 : i64, tpu.core_type = #tpu.core_type<tc>, window_params = [{transform_indices = @transform_0, window_bounds = array<i64: 1, 5000, 128>}, {transform_indices = @transform_1, window_bounds = array<i64: 1, 5000, 128>}, {transform_indices = @transform_2, window_bounds = array<i64: 1, 5000, 128>}, {transform_indices = @transform_3, window_bounds = array<i64: 1, 5000, 128>}, {pipeline_mode = #tpu.pipeline_mode<synchronous>, transform_indices = @transform_4, window_bounds = array<i64: 128, 128>}, {pipeline_mode = #tpu.pipeline_mode<synchronous>, transform_indices = @transform_5, window_bounds = array<i64: 128, 128>}, {transform_indices = @transform_6, window_bounds = array<i64: 1, 5000, 128>}, {transform_indices = @transform_7, window_bounds = array<i64: 1, 5000, 128>}, {transform_indices = @transform_8, window_bounds = array<i64: 1, 8, 128>}]} {
    %get3A = arith.constant 0 : index
    %get3A_0 = arith.constant 0 : index
    %get3A_1 = arith.constant 0 : index
    %get3A_2 = vector.load %arg2[%get3A, %get3A_0, %get3A_1] : memref<1x5000x128xf32, #tpu.memory_space<vmem>>, vector<1x5000x128xf32>
    %get3A_3 = vector.shape_cast %get3A_2 : vector<1x5000x128xf32> to vector<5000x128xf32>
    %get3A_4 = arith.constant 0 : index
    %get3A_5 = arith.constant 0 : index
    %get3A_6 = arith.constant 0 : index
    %get3A_7 = vector.load %arg3[%get3A_4, %get3A_5, %get3A_6] : memref<1x5000x128xf32, #tpu.memory_space<vmem>>, vector<1x5000x128xf32>
    %get3A_8 = vector.shape_cast %get3A_7 : vector<1x5000x128xf32> to vector<5000x128xf32>
    %slice3A = vector.extract_strided_slice %get3A_8 {offsets = [0, 0], sizes = [5000, 1], strides = [1, 1]} : vector<5000x128xf32> to vector<5000x1xf32>
    %add3A = arith.constant 9.99999971E-10 : f32
    %add3A_9 = vector.broadcast %add3A : f32 to vector<5000x1xf32>
    %add3A_10 = arith.addf %slice3A, %add3A_9 : vector<5000x1xf32>
    %get3A_11 = arith.constant 0 : index
    %get3A_12 = arith.constant 0 : index
    %get3A_13 = arith.constant 0 : index
    %get3A_14 = vector.load %arg4[%get3A_11, %get3A_12, %get3A_13] : memref<1x5000x128xf32, #tpu.memory_space<vmem>>, vector<1x5000x128xf32>
    %get3A_15 = vector.shape_cast %get3A_14 : vector<1x5000x128xf32> to vector<5000x128xf32>
    %get3A_16 = arith.constant 0 : index
    %get3A_17 = arith.constant 0 : index
    %get3A_18 = arith.constant 0 : index
    %get3A_19 = vector.load %arg5[%get3A_16, %get3A_17, %get3A_18] : memref<1x5000x128xf32, #tpu.memory_space<vmem>>, vector<1x5000x128xf32>
    %get3A_20 = vector.shape_cast %get3A_19 : vector<1x5000x128xf32> to vector<5000x128xf32>
    %slice3A_21 = vector.extract_strided_slice %get3A_20 {offsets = [0, 0], sizes = [5000, 1], strides = [1, 1]} : vector<5000x128xf32> to vector<5000x1xf32>
    %add3A_22 = arith.constant 9.99999971E-10 : f32
    %add3A_23 = vector.broadcast %add3A_22 : f32 to vector<5000x1xf32>
    %add3A_24 = arith.addf %slice3A_21, %add3A_23 : vector<5000x1xf32>
    %div3A = vector.broadcast %add3A_10 : vector<5000x1xf32> to vector<5000x128xf32>
    %div3A_25 = arith.divf %get3A_3, %div3A : vector<5000x128xf32>
    %get3A_26 = arith.constant 0 : index
    %get3A_27 = arith.constant 0 : index
    %get3A_28 = vector.load %arg6[%get3A_26, %get3A_27] : memref<128x128xf32, #tpu.memory_space<vmem>>, vector<128x128xf32>
    %dot_general3A = arith.constant dense<0.000000e+00> : vector<5000x128xf32>
    %dot_general3A_29 = tpu.matmul %div3A_25, %get3A_28, %dot_general3A {dimension_numbers = #tpu.dot_dimension_numbers<[1], [0], [0], [1], [0, 0, 1, 1], [], []>, transpose_lhs_hint = false} : vector<5000x128xf32>, vector<128x128xf32>, vector<5000x128xf32> -> vector<5000x128xf32>
    %swap3A = arith.constant 0 : index
    %swap3A_30 = arith.constant 0 : index
    %swap3A_31 = arith.constant 0 : index
    %swap3A_32 = vector.load %arg8[%swap3A, %swap3A_30, %swap3A_31] : memref<1x5000x128xf32, #tpu.memory_space<vmem>>, vector<1x5000x128xf32>
    %swap3A_33 = vector.shape_cast %swap3A_32 : vector<1x5000x128xf32> to vector<5000x128xf32>
    %swap3A_34 = vector.shape_cast %dot_general3A_29 : vector<5000x128xf32> to vector<1x5000x128xf32>
    tpu.vector_store %arg8[%swap3A, %swap3A_30, %swap3A_31], %swap3A_34 {strides = array<i32>} : memref<1x5000x128xf32, #tpu.memory_space<vmem>>, vector<1x5000x128xf32>,
    %div3A_35 = vector.broadcast %add3A_24 : vector<5000x1xf32> to vector<5000x128xf32>
    %div3A_36 = arith.divf %get3A_15, %div3A_35 : vector<5000x128xf32>
    %get3A_37 = arith.constant 0 : index
    %get3A_38 = arith.constant 0 : index
    %get3A_39 = vector.load %arg7[%get3A_37, %get3A_38] : memref<128x128xf32, #tpu.memory_space<vmem>>, vector<128x128xf32>
    %dot_general3A_40 = arith.constant dense<0.000000e+00> : vector<5000x128xf32>
    %dot_general3A_41 = tpu.matmul %div3A_36, %get3A_39, %dot_general3A_40 {dimension_numbers = #tpu.dot_dimension_numbers<[1], [0], [0], [1], [0, 0, 1, 1], [], []>, transpose_lhs_hint = false} : vector<5000x128xf32>, vector<128x128xf32>, vector<5000x128xf32> -> vector<5000x128xf32>
    %swap3A_42 = arith.constant 0 : index
    %swap3A_43 = arith.constant 0 : index
    %swap3A_44 = arith.constant 0 : index
    %swap3A_45 = vector.load %arg9[%swap3A_42, %swap3A_43, %swap3A_44] : memref<1x5000x128xf32, #tpu.memory_space<vmem>>, vector<1x5000x128xf32>
    %swap3A_46 = vector.shape_cast %swap3A_45 : vector<1x5000x128xf32> to vector<5000x128xf32>
    %swap3A_47 = vector.shape_cast %dot_general3A_41 : vector<5000x128xf32> to vector<1x5000x128xf32>
    tpu.vector_store %arg9[%swap3A_42, %swap3A_43, %swap3A_44], %swap3A_47 {strides = array<i32>} : memref<1x5000x128xf32, #tpu.memory_space<vmem>>, vector<1x5000x128xf32>,
    %reduce_sum3A = arith.constant dense<0.000000e+00> : vector<128xf32>
    %reduce_sum3A_48 = vector.multi_reduction <add>, %get3A_3, %reduce_sum3A [0] : vector<5000x128xf32> to vector<128xf32>
    %broadcast_in_dim3A = vector.shape_cast %reduce_sum3A_48 : vector<128xf32> to vector<1x128xf32>
    %broadcast_in_dim3A_49 = vector.shape_cast %broadcast_in_dim3A : vector<1x128xf32> to vector<1x128xf32>
    %broadcast_in_dim3A_50 = vector.broadcast %broadcast_in_dim3A_49 : vector<1x128xf32> to vector<8x128xf32>
    %eq3A = arith.constant 0 : i32
    %eq3A_51 = arith.cmpi eq, %arg1, %eq3A : i32
    %convert_element_type3A = arith.extui %eq3A_51 : i1 to i32
    %cond3A = arith.constant 0 : i32
    %cond3A_52 = arith.cmpi ne, %convert_element_type3A, %cond3A : i32
    scf.if %cond3A_52 {
      %swap3A_57 = arith.constant 0 : index
      %swap3A_58 = arith.constant 0 : index
      %swap3A_59 = arith.constant 0 : index
      %swap3A_60 = vector.load %arg10[%swap3A_57, %swap3A_58, %swap3A_59] : memref<1x8x128xf32, #tpu.memory_space<vmem>>, vector<1x8x128xf32>
      %swap3A_61 = vector.shape_cast %swap3A_60 : vector<1x8x128xf32> to vector<8x128xf32>
      %swap3A_62 = vector.shape_cast %broadcast_in_dim3A_50 : vector<8x128xf32> to vector<1x8x128xf32>
      tpu.vector_store %arg10[%swap3A_57, %swap3A_58, %swap3A_59], %swap3A_62 {strides = array<i32>} : memref<1x8x128xf32, #tpu.memory_space<vmem>>, vector<1x8x128xf32>,
    } else {
    }
    %ne3A = arith.constant 0 : i32
    %ne3A_53 = arith.cmpi ne, %arg1, %ne3A : i32
    %convert_element_type3A_54 = arith.extui %ne3A_53 : i1 to i32
    %cond3A_55 = arith.constant 0 : i32
    %cond3A_56 = arith.cmpi ne, %convert_element_type3A_54, %cond3A_55 : i32
    scf.if %cond3A_56 {
      %get3A_57 = arith.constant 0 : index
      %get3A_58 = arith.constant 0 : index
      %get3A_59 = arith.constant 0 : index
      %get3A_60 = vector.load %arg10[%get3A_57, %get3A_58, %get3A_59] : memref<1x8x128xf32, #tpu.memory_space<vmem>>, vector<1x8x128xf32>
      %get3A_61 = vector.shape_cast %get3A_60 : vector<1x8x128xf32> to vector<8x128xf32>
      %add3A_62 = arith.addf %get3A_61, %broadcast_in_dim3A_50 : vector<8x128xf32>
      %swap3A_63 = arith.constant 0 : index
      %swap3A_64 = arith.constant 0 : index
      %swap3A_65 = arith.constant 0 : index
      %swap3A_66 = vector.load %arg10[%swap3A_63, %swap3A_64, %swap3A_65] : memref<1x8x128xf32, #tpu.memory_space<vmem>>, vector<1x8x128xf32>
      %swap3A_67 = vector.shape_cast %swap3A_66 : vector<1x8x128xf32> to vector<8x128xf32>
      %swap3A_68 = vector.shape_cast %add3A_62 : vector<8x128xf32> to vector<1x8x128xf32>
      tpu.vector_store %arg10[%swap3A_63, %swap3A_64, %swap3A_65], %swap3A_68 {strides = array<i32>} : memref<1x8x128xf32, #tpu.memory_space<vmem>>, vector<1x8x128xf32>,
    } else {
    }
    return
  }
  func.func @transform_0(%arg0: i32, %arg1: i32) -> (i32, i32, i32) {
    %c0_i32 = arith.constant 0 : i32
    %c0_i32_0 = arith.constant 0 : i32
    return %arg0, %arg1, %c0_i32 : i32, i32, i32
  }
  func.func @transform_1(%arg0: i32, %arg1: i32) -> (i32, i32, i32) {
    %c0_i32 = arith.constant 0 : i32
    %c0_i32_0 = arith.constant 0 : i32
    return %arg0, %arg1, %c0_i32 : i32, i32, i32
  }
  func.func @transform_2(%arg0: i32, %arg1: i32) -> (i32, i32, i32) {
    %c0_i32 = arith.constant 0 : i32
    %c0_i32_0 = arith.constant 0 : i32
    return %arg0, %arg1, %c0_i32 : i32, i32, i32
  }
  func.func @transform_3(%arg0: i32, %arg1: i32) -> (i32, i32, i32) {
    %c0_i32 = arith.constant 0 : i32
    %c0_i32_0 = arith.constant 0 : i32
    return %arg0, %arg1, %c0_i32 : i32, i32, i32
  }
  func.func @transform_4(%arg0: i32, %arg1: i32) -> (i32, i32) {
    %c0_i32 = arith.constant 0 : i32
    %c0_i32_0 = arith.constant 0 : i32
    %c0_i32_1 = arith.constant 0 : i32
    return %c0_i32, %c0_i32_0 : i32, i32
  }
  func.func @transform_5(%arg0: i32, %arg1: i32) -> (i32, i32) {
    %c0_i32 = arith.constant 0 : i32
    %c0_i32_0 = arith.constant 0 : i32
    %c0_i32_1 = arith.constant 0 : i32
    return %c0_i32, %c0_i32_0 : i32, i32
  }
  func.func @transform_6(%arg0: i32, %arg1: i32) -> (i32, i32, i32) {
    %c0_i32 = arith.constant 0 : i32
    %c0_i32_0 = arith.constant 0 : i32
    return %arg0, %arg1, %c0_i32 : i32, i32, i32
  }
  func.func @transform_7(%arg0: i32, %arg1: i32) -> (i32, i32, i32) {
    %c0_i32 = arith.constant 0 : i32
    %c0_i32_0 = arith.constant 0 : i32
    return %arg0, %arg1, %c0_i32 : i32, i32, i32
  }
  func.func @transform_8(%arg0: i32, %arg1: i32) -> (i32, i32, i32) {
    %c0_i32 = arith.constant 0 : i32
    %c0_i32_0 = arith.constant 0 : i32
    %c0_i32_1 = arith.constant 0 : i32
    return %arg0, %c0_i32, %c0_i32_0 : i32, i32, i32
  }
}

module attributes {stable_mosaic.version = 14 : i64} {
  func.func @_p3b_body(%arg0: i32, %arg1: i32, %arg2: memref<1x10000x128xf32, #tpu.memory_space<vmem>>, %arg3: memref<1x10000x128xf32, #tpu.memory_space<vmem>>, %arg4: memref<128x128xf32, #tpu.memory_space<vmem>>, %arg5: memref<1x1x128xf32, #tpu.memory_space<vmem>>, %arg6: memref<1x10000x128xf32, #tpu.memory_space<vmem>>) attributes {dimension_semantics = [#tpu.dimension_semantics<arbitrary>, #tpu.dimension_semantics<arbitrary>], iteration_bounds = array<i64: 2, 16>, scalar_prefetch = 0 : i64, scratch_operands = 0 : i64, tpu.core_type = #tpu.core_type<tc>, window_params = [{transform_indices = @transform_0, window_bounds = array<i64: 1, 10000, 128>}, {transform_indices = @transform_1, window_bounds = array<i64: 1, 10000, 128>}, {pipeline_mode = #tpu.pipeline_mode<synchronous>, transform_indices = @transform_2, window_bounds = array<i64: 128, 128>}, {transform_indices = @transform_3, window_bounds = array<i64: 1, 1, 128>}, {transform_indices = @transform_4, window_bounds = array<i64: 1, 10000, 128>}]} {
    %get3A = arith.constant 0 : index
    %get3A_0 = arith.constant 0 : index
    %get3A_1 = arith.constant 0 : index
    %get3A_2 = vector.load %arg2[%get3A, %get3A_0, %get3A_1] : memref<1x10000x128xf32, #tpu.memory_space<vmem>>, vector<1x10000x128xf32>
    %get3A_3 = vector.shape_cast %get3A_2 : vector<1x10000x128xf32> to vector<10000x128xf32>
    %get3A_4 = arith.constant 0 : index
    %get3A_5 = arith.constant 0 : index
    %get3A_6 = vector.load %arg4[%get3A_4, %get3A_5] : memref<128x128xf32, #tpu.memory_space<vmem>>, vector<128x128xf32>
    %dot_general3A = arith.constant dense<0.000000e+00> : vector<10000x128xf32>
    %dot_general3A_7 = tpu.matmul %get3A_3, %get3A_6, %dot_general3A {dimension_numbers = #tpu.dot_dimension_numbers<[1], [0], [0], [1], [0, 0, 1, 1], [], []>, transpose_lhs_hint = false} : vector<10000x128xf32>, vector<128x128xf32>, vector<10000x128xf32> -> vector<10000x128xf32>
    %get3A_8 = arith.constant 0 : index
    %get3A_9 = arith.constant 0 : index
    %get3A_10 = arith.constant 0 : index
    %get3A_11 = vector.load %arg3[%get3A_8, %get3A_9, %get3A_10] : memref<1x10000x128xf32, #tpu.memory_space<vmem>>, vector<1x10000x128xf32>
    %get3A_12 = vector.shape_cast %get3A_11 : vector<1x10000x128xf32> to vector<10000x128xf32>
    %add3A = arith.addf %dot_general3A_7, %get3A_12 : vector<10000x128xf32>
    %get3A_13 = arith.constant 0 : index
    %get3A_14 = arith.constant 0 : index
    %get3A_15 = arith.constant 0 : index
    %get3A_16 = vector.load %arg5[%get3A_13, %get3A_14, %get3A_15] : memref<1x1x128xf32, #tpu.memory_space<vmem>>, vector<1x1x128xf32>
    %get3A_17 = vector.shape_cast %get3A_16 : vector<1x1x128xf32> to vector<1x128xf32>
    %add3A_18 = vector.broadcast %get3A_17 : vector<1x128xf32> to vector<10000x128xf32>
    %add3A_19 = arith.addf %add3A, %add3A_18 : vector<10000x128xf32>
    %ge3A = arith.constant 0.000000e+00 : f32
    %ge3A_20 = vector.broadcast %ge3A : f32 to vector<10000x128xf32>
    %ge3A_21 = arith.cmpf oge, %add3A_19, %ge3A_20 : vector<10000x128xf32>
    %mul3A = arith.constant 0.00999999977 : f32
    %mul3A_22 = vector.broadcast %mul3A : f32 to vector<10000x128xf32>
    %mul3A_23 = arith.mulf %mul3A_22, %add3A_19 : vector<10000x128xf32>
    %select_n3A = arith.select %ge3A_21, %add3A_19, %mul3A_23 : vector<10000x128xi1>, vector<10000x128xf32>
    %swap3A = arith.constant 0 : index
    %swap3A_24 = arith.constant 0 : index
    %swap3A_25 = arith.constant 0 : index
    %swap3A_26 = vector.load %arg6[%swap3A, %swap3A_24, %swap3A_25] : memref<1x10000x128xf32, #tpu.memory_space<vmem>>, vector<1x10000x128xf32>
    %swap3A_27 = vector.shape_cast %swap3A_26 : vector<1x10000x128xf32> to vector<10000x128xf32>
    %swap3A_28 = vector.shape_cast %select_n3A : vector<10000x128xf32> to vector<1x10000x128xf32>
    tpu.vector_store %arg6[%swap3A, %swap3A_24, %swap3A_25], %swap3A_28 {strides = array<i32>} : memref<1x10000x128xf32, #tpu.memory_space<vmem>>, vector<1x10000x128xf32>,
    return
  }
  func.func @transform_0(%arg0: i32, %arg1: i32) -> (i32, i32, i32) {
    %c0_i32 = arith.constant 0 : i32
    %c0_i32_0 = arith.constant 0 : i32
    return %arg0, %arg1, %c0_i32 : i32, i32, i32
  }
  func.func @transform_1(%arg0: i32, %arg1: i32) -> (i32, i32, i32) {
    %c0_i32 = arith.constant 0 : i32
    %c0_i32_0 = arith.constant 0 : i32
    return %arg0, %arg1, %c0_i32 : i32, i32, i32
  }
  func.func @transform_2(%arg0: i32, %arg1: i32) -> (i32, i32) {
    %c0_i32 = arith.constant 0 : i32
    %c0_i32_0 = arith.constant 0 : i32
    %c0_i32_1 = arith.constant 0 : i32
    return %c0_i32, %c0_i32_0 : i32, i32
  }
  func.func @transform_3(%arg0: i32, %arg1: i32) -> (i32, i32, i32) {
    %c0_i32 = arith.constant 0 : i32
    %c0_i32_0 = arith.constant 0 : i32
    %c0_i32_1 = arith.constant 0 : i32
    return %arg0, %c0_i32, %c0_i32_0 : i32, i32, i32
  }
  func.func @transform_4(%arg0: i32, %arg1: i32) -> (i32, i32, i32) {
    %c0_i32 = arith.constant 0 : i32
    %c0_i32_0 = arith.constant 0 : i32
    return %arg0, %arg1, %c0_i32 : i32, i32, i32
  }
}

</mosaic_0001>

<sc_bundles>
// kernel: kernel.6.cloned.1.call-start
scs
__scs_entry_jumppad:
0x0: {  	(pc) =	sbr.rel $0x88, $3  }
0x1: {  	(tag) =	ssettag $0x0;
	lr =	simm.s32 $0x1  }
0x2: {  	[smem:$0x3F95] =	sst lr;
	_ =	strace $0xD0000000  }
0x3: {  	_ = 	snop  }
0x4: {  	_ = 	snop  }
0x5: {  	_ = 	snop  }
0x6: {  	_ = 	snop  }
0x7: {  	_ = 	snop  }
__scs_overlays_trampoline_lowered:
0x8: {  	[smem:$0x3FA4] =	sst s0  }
0x9: {  	[smem:$0x3FA5] =	sst s1  }
0xa: {  	[smem:$0x3FA6] =	sst s2  }
0xb: {  	[smem:$0x3FA7] =	sst s3  }
0xc: {  	[smem:$0x3FA8] =	sst s4  }
0xd: {  	[smem:$0x3FA9] =	sst s5  }
0xe: {  	[smem:$0x3FAA] =	sst s6  }
0xf: {  	[smem:$0x3FAB] =	sst s7  }
0x10: {  	[smem:$0x3FAC] =	sst s8  }
0x11: {  	[smem:$0x3FAD] =	sst s9;
	s0 =	simm.s32 @!p0 $0x0  }
0x12: {  	s1 =	sld [smem:$0x3F93];
	s0 =	simm.s32 @p0 $0x1  }
0x13: {  	[smem:$0x3FAE] =	sst s0;
	s0 =	simm.s32 @!p1 $0x0  }
0x14: {  	s2 =	sld [smem:$0x3F92];
	s0 =	simm.s32 @p1 $0x1  }
0x15: {  	[smem:$0x3FAF] =	sst s0;
	s0 =	simm.s32 @!p2 $0x0  }
0x16: {  	s3 =	sld [smem:$0x3FDB];
	s0 =	simm.s32 @p2 $0x1  }
0x17: {  	s4 =	simm.s32 $0x1BF5;
	[smem:$0x3FB1] =	sst s0  }
0x18: {  	s0 =	sld [smem:$0x3F94];
	_ =	swait.ge [sflag:s4], $0x0  }
0x19: {  	s7 =	sld [smem:$0x3F95]  }
0x1a: {  	s8 =	sadd.s32 $0xFFFFE003, lr  }
0x1b: {  	s9 =	sadd.s32 $0xFFFFFEF7, lr;
	s5 =	simm.s32 $0xFFFFFFFF;
	p2 =	slt.u32 s8, $0xFFFFF086  }
0x1c: {  	p1 =	slt.u32 s9, $0xF7A;
	s5 =	simm.s32 @!p2 $0x0  }
0x1d: {  	s5 =	simm.s32 @p1 $0x1;
	p0 =	seq.s32 s7, s2  }
0x1e: {  	s7 =	smul.u32 @!p0 $0xF7A, s2;
	p2 =	seq.s32 @!p0 s5, $0x0  }
0x1f: {  	s9 =	smul.u32 $0xF7A, s1;
	s8 =	simm.s32 @!p0 $0x1BF5;
	p2 =	por !p2, p0  }
0x20: {  	[sflag:s8] =	ssyncset.s32 @!p0 $0xFFFFF086;
	s6 =	sadd.s32 @!p0 s3, s7;
	s7 =	simm.s32 @!p0 $0x108  }
0x21: {  	s3 =	sadd.s32 s3, s9;
	s6 =	sadd.s32 @!p0 $0x88, s6;
	s7 =	simm.s32 @p2 $0x1082  }
0x22: {  	[simem:s7], [sflag:s8] =	dma.local @!p0 [hbm:s6], $0xF7A  }
0x23: {  	s9 =	sor.u32 $0xD0000000, s2;
	s6 =	simm.s32 $0x108;
	_ =	swait.ge @!p0 [sflag:s8], $0x0  }
0x24: {  	s3 =	sadd.s32 $0x88, s3;
	s6 =	simm.s32 @!p1 $0x1082;
	[sflag:s4] =	ssyncset.s32 $0xFFFFF086  }
0x25: {  	[simem:s6], [sflag:s4] =	dma.local [hbm:s3], $0xF7A  }
0x26: {  	[smem:$0x3F95] =	sst s1;
	(tag) =	ssettag s2;
	_ =	strace s9  }
0x27: {  	s1 =	sld [smem:$0x3FA5]  }
0x28: {  	s2 =	sld [smem:$0x3FA6]  }
0x29: {  	s4 =	sld [smem:$0x3FA8]  }
0x2a: {  	p0 =	seq.s32 s5, $0x0;
	s5 =	sld [smem:$0x3FA9]  }
0x2b: {  	s6 =	sld [smem:$0x3FAA]  }
0x2c: {  	s7 =	sld [smem:$0x3FAB]  }
0x2d: {  	s3 =	simm.s32 $0x108;
	s8 =	sld [smem:$0x3FAC]  }
0x2e: {  	s3 =	simm.s32 @!p0 $0x1082;
	s9 =	sld [smem:$0x3FAD]  }
0x2f: {  	lr =	sadd.s32 s0, s3;
	s0 =	sld [smem:$0x3FA4]  }
0x30: {  	s3 =	sld [smem:$0x3FA7]  }
0x31: {  	[smem:$0x3FB0] =	sst s10  }
0x32: {  	s10 =	sld [smem:$0x3FAE];
	_ =	sdelay $0x3  }
0x33: {  	p0 =	seq.s32 s10, $0x1;
	s10 =	sld [smem:$0x3FB0];
	_ =	sdelay $0x3  }
0x34: {  	[smem:$0x3FB0] =	sst s10  }
0x35: {  	s10 =	sld [smem:$0x3FAF];
	_ =	sdelay $0x3  }
0x36: {  	p1 =	seq.s32 s10, $0x1;
	s10 =	sld [smem:$0x3FB0];
	_ =	sdelay $0x3  }
0x37: {  	[smem:$0x3FB0] =	sst s10  }
0x38: {  	s10 =	sld [smem:$0x3FB1]  }
0x39: {  	_ = 	snop;
	(pc) =	sbr.ind lr, $3  }
0x3a: {  	_ = 	snop  }
0x3b: {  	_ = 	snop  }
0x3c: {  	p2 =	seq.s32 s10, $0x1;
	s10 =	sld [smem:$0x3FB0]  }
0x3d: {  	_ =	shalt  }
0x3e: {  	_ =	shalt  }
0x3f: {  	_ =	shalt  }
0x40: {  	_ =	shalt  }
0x41: {  	_ =	shalt  }
0x42: {  	_ =	shalt  }
0x43: {  	_ =	shalt  }
0x44: {  	_ =	shalt  }
0x45: {  	_ =	shalt  }
0x46: {  	_ =	shalt  }
0x47: {  	_ =	shalt  }
0x48: {  	_ =	shalt  }
0x49: {  	_ =	shalt  }
0x4a: {  	_ =	shalt  }
0x4b: {  	_ =	shalt  }
0x4c: {  	_ =	shalt  }
0x4d: {  	_ =	shalt  }
0x4e: {  	_ =	shalt  }
0x4f: {  	_ =	shalt  }
0x50: {  	_ =	shalt  }
0x51: {  	_ =	shalt  }
0x52: {  	_ =	shalt  }
0x53: {  	_ =	shalt  }
0x54: {  	_ =	shalt  }
0x55: {  	_ =	shalt  }
0x56: {  	_ =	shalt  }
0x57: {  	_ =	shalt  }
0x58: {  	_ =	shalt  }
0x59: {  	_ =	shalt  }
0x5a: {  	_ =	shalt  }
0x5b: {  	_ =	shalt  }
0x5c: {  	_ =	shalt  }
0x5d: {  	_ =	shalt  }
0x5e: {  	_ =	shalt  }
0x5f: {  	_ =	shalt  }
0x60: {  	_ =	shalt  }
0x61: {  	_ =	shalt  }
0x62: {  	_ =	shalt  }
0x63: {  	_ =	shalt  }
0x64: {  	_ =	shalt  }
0x65: {  	_ =	shalt  }
0x66: {  	_ =	shalt  }
0x67: {  	_ =	shalt  }
0x68: {  	_ =	shalt  }
0x69: {  	_ =	shalt  }
0x6a: {  	_ =	shalt  }
0x6b: {  	_ =	shalt  }
0x6c: {  	_ =	shalt  }
0x6d: {  	_ =	shalt  }
0x6e: {  	_ =	shalt  }
0x6f: {  	_ =	shalt  }
0x70: {  	_ =	shalt  }
0x71: {  	_ =	shalt  }
0x72: {  	_ =	shalt  }
0x73: {  	_ =	shalt  }
0x74: {  	_ =	shalt  }
0x75: {  	_ =	shalt  }
0x76: {  	_ =	shalt  }
0x77: {  	_ =	shalt  }
0x78: {  	_ =	shalt  }
0x79: {  	_ =	shalt  }
0x7a: {  	_ =	shalt  }
0x7b: {  	_ =	shalt  }
0x7c: {  	_ =	shalt  }
0x7d: {  	_ =	shalt  }
0x7e: {  	_ =	shalt  }
0x7f: {  	_ =	shalt  }
0x80: {  	_ =	shalt  }
0x81: {  	_ =	shalt  }
0x82: {  	_ =	shalt  }
0x83: {  	_ =	shalt  }
0x84: {  	_ =	shalt  }
0x85: {  	_ =	shalt  }
0x86: {  	_ =	shalt  }
0x87: {  	_ =	shalt  }
.Lfunc_end0:
.L_simem_size_0:
called_computation_lowered:
.L_overlay_start_0:
0x88: {  	s2 =	sld [smem:$0x3FD9]  }
0x89: {  	s3 =	sld [smem:$0x3FFE];
	_ =	sdelay $0x1  }
0x8a: {  	s1 =	srdreg.scid  }
0x8b: {  	s0 =	sand.u32 $0x1, s1  }
0x8c: {  	s14 =	sshll.u32 s0, $0xA;
	s2 =	sadd.s32 s3, s2  }
0x8d: {  	s2 =	sadd.s32 s2, s14  }
0x8e: {  	[smem:$0x3FBC] =	sst s2  }
0x8f: {  	_ = 	snop  }
0x90: {  	s2 =	sld [smem:$0x3FD0];
	_ =	sdelay $0x2  }
0x91: {  	s4 =	simm.s32 $0xA;
	s5 =	simm.s32 $0x10;
	s15 =	sld [smem:$0x3FC8]  }
0x92: {  	[smem:s5], [sflag:s4] =	dma.local [hbm:s2], $0x1  }
0x93: {  	_ =	swait.eq [sflag:s4], $0x1  }
0x94: {  	[sflag:s4] =	ssyncset.done $0x0  }
0x95: {  	s16 =	sld [smem:$0x10];
	[sflag:s4] =	ssyncadd.s32 $0xFFFFFFFF  }
0x96: {  	s17 =	sld [smem:$0x11];
	(tm) =	ssettm $0x1  }
0x97: {  	s18 =	sld [smem:$0x3FFB];
	_ =	sdelay $0x3  }
0x98: {  	_ =	strace s18  }
0x99: {  	s5 =	sld [smem:$0x3FFC];
	_ =	sdelay $0x3  }
0x9a: {  	_ =	strace s5  }
0x9b: {  	s5 =	sld [smem:$0x3FFD];
	_ =	sdelay $0x3  }
0x9c: {  	_ =	strace s5  }
0x9d: {  	_ =	strace $0x8FFFFFFF  }
0x9e: {  	s19 =	sld [smem:$0x3FDB];
	_ =	sdelay $0x1  }
0x9f: {  	s6 =	simm.s32 $_scs_section_size  }
0xa0: {  	s7 =	simm.s32 $_size__tile_overlayer_lowered;
	s8 =	simm.s32 $_tile_overlayer_lowered  }
0xa1: {  	s22 =	simm.s32 $0x1BFF;
	s21 =	sshll.u32 s8, $0x1;
	s5 =	sadd.s32 s6, s19  }
0xa2: {  	s9 =	simm.s32 $0x0;
	s20 =	sshll.u32 s7, $0x1;
	s7 =	sadd.s32 s21, s5  }
0xa3: {  	[timem:s9], [sflag:s22] =	dma.local [hbm:s7], s20  }
0xa4: {  	_ =	swait.ge [sflag:s22], s20  }
0xa5: {  	s6 =	ssub.s32 $0x0, s20;
	[sflag:s22] =	ssyncset.done $0x0  }
0xa6: {  	[sflag:s22] =	ssyncadd.s32 s6;
	_ =	sdelay $0x1  }
0xa7: {  	s23 =	simm.s32 $0x1B8B  }
0xa8: {  	_ =	swait.ge [sflag:s23], $0x1  }
0xa9: {  	[sflag:s23] =	ssyncset.done $0x0  }
0xaa: {  	s25 =	simm.s32 $0x1B8E;
	s24 =	sld [smem:$0x3FFE];
	[sflag:s23] =	ssyncadd.s32 $0xFFFFFFFF  }
0xab: {  	s26 =	simm.s32 $execute0_lowered;
	[smem:$0x3FD2] =	sst s25  }
0xac: {  	s7 =	sshll.u32 s26, $0x1;
	_ =	strace $0x80000046;
	[dreg:$0x1] =	wrdreg $0xFFFFFFFF  }
0xad: {  	s28 =	simm.s32 $_size_execute0_lowered;
	s5 =	sadd.s32 s5, s7;
	[dreg:$0x0] =	wrdreg $0x0  }
0xae: {  	s7 =	sshll.u32 s28, $0x1;
	[dreg:$0x2] =	wrdreg s5  }
0xaf: {  	[dreg:$0x3] =	wrdreg s7  }
0xb0: {  	[dreg:$0x4] =	wrdreg $0xC0  }
0xb1: {  	_ =	task [dreg:s9], $0x5FFFF  }
0xb2: {  	[dreg:$0x1] =	wrdreg $0xFFFFFFFF  }
0xb3: {  	[dreg:$0x0] =	wrdreg $0x60  }
0xb4: {  	[dreg:$0x2] =	wrdreg s15  }
0xb5: {  	[dreg:$0x3] =	wrdreg s16  }
0xb6: {  	[dreg:$0x4] =	wrdreg s24  }
0xb7: {  	[dreg:$0x5] =	wrdreg s17  }
0xb8: {  	[dreg:$0x6] =	wrdreg $0x81000  }
0xb9: {  	[dreg:$0x7] =	wrdreg $0x9  }
0xba: {  	_ =	task.clear_ibuf [dreg:s9], $0x8FFFF;
	_ =	strace $0x90000046  }
0xbb: {  	s29 =	simm.s32 $0x9;
	_ =	strace $0x80000048  }
0xbc: {  	_ =	swait.ge [sflag:s29], $0x1  }
0xbd: {  	[sflag:s29] =	ssyncadd.s32 $0xFFFFFFFF  }
0xbe: {  	_ =	strace $0x90000048  }
0xbf: {  	_ =	sfence  }
0xc0: {  	s30 =	sld [smem:$0x0];
	_ =	sdelay $0x2  }
0xc1: {  	s31 =	sshll.u32 s1, $0xD;
	s1 =	sshrl.u32 s1, $0x2  }
0xc2: {  	s3 =	sand.u32 $0x4000, s31;
	s1 =	sadd.s32 s1, s30  }
0xc3: {  	s0 =	sor.u32 s3, s0;
	s1 =	sshll.u32 s1, $0x11  }
0xc4: {  	s0 =	sor.u32 s1, s0  }
0xc5: {  	s0 =	sadd.s32 $0x8F2B, s0  }
0xc6: {  	[sflag:s0] =	ssyncadd.remote.s32 $0x1  }
0xc7: {  	_ =	sfence.sel $0xFFFF  }
0xc8: {  	[dreg:$0x0] =	wrdreg $0xFFFFFFFF;
	(pc) =	sbr.abs _section_cstart, $3  }
0xc9: {  	[dreg:$0x1] =	wrdreg $0xFFFFFFFF  }
0xca: {  	_ =	task.clear_ibuf [dreg:s9], $0x2FFFF;
	_ =	strace $0x9FFFFFFF  }
0xcb: {  	(tm) =	ssettm $0x7FFFFFFF  }
tec
execute0_lowered:
.L_overlay_start_1:
0x0: {  	(tag) =	ssettag $0x1  }
0x1: {  	s0 =	srdreg.scid  }
0x2: {  	s1 =	sand.u32 $0x1, s0  }
0x3: {  	s4 =	smul.u32 $0x1388000, s1  }
0x4: {  	s0 =	stileid.u32;
	s9 =	smul.u32 $0x138800, s1  }
0x5: {  	s3 =	rddreg [dreg:$0x2];
	s26 =	sor.u32 $0x10, s0;
	s10 =	smul.u32 $0x2800, s0  }
0x6: {  	s7 =	rddreg [dreg:$0x3];
	s17 =	sor.u32 $0x20, s0;
	s11 =	smul.u32 $0x2800, s26  }
0x7: {  	s8 =	sadd.s32 $0xD200, s3;
	s18 =	sor.u32 $0x30, s0;
	s12 =	smul.u32 $0x2800, s17  }
0x8: {  	s2 =	ssub.s32 $0x2, s1;
	s14 =	sor.u32 $0x40, s0;
	s13 =	smul.u32 $0x2800, s18  }
0x9: {  	s6 =	sshll.u32 s0, $0xE;
	s5 =	sshrl.u32 s2, $0x1;
	s25 =	smul.u32 $0x2800, s14  }
0xa: {  	s16 =	ssub.s32 s2, s5;
	s2 =	sadd.s32 s6, s4;
	s5 =	smul.u32 $0x27400, s1  }
0xb: {  	s1 =	sor.u32 $0x50, s0;
	s6 =	sor.u32 $0x60, s0;
	s10 =	sadd.s32 s9, s10  }
0xc: {  	s4 =	sor.u32 $0x70, s0;
	s10 =	sshrl.u32 s10, $0x3;
	s22 =	smul.u32 $0x2800, s1  }
0xd: {  	s11 =	sadd.s32 s9, s11;
	s12 =	sadd.s32 s9, s12;
	s20 =	smul.u32 $0x2800, s6  }
0xe: {  	s13 =	sadd.s32 s9, s13;
	s23 =	smul.u32 $0x2800, s4;
	s15 =	sadd.s32 s7, s10  }
0xf: {  	s11 =	sshrl.u32 s11, $0x3;
	s12 =	sshrl.u32 s12, $0x3;
	s13 =	sshrl.u32 s13, $0x3  }
0x10: {  	[dreg:$0x7] =	wrdreg s15;
	s19 =	sadd.s32 s7, s11;
	s21 =	sadd.s32 s7, s12  }
0x11: {  	s15 =	sadd.s32 s9, s25;
	s20 =	sadd.s32 s9, s20;
	[dreg:$0x8] =	wrdreg s19  }
0x12: {  	s24 =	sadd.s32 s7, s13;
	[dreg:$0x9] =	wrdreg s21;
	s19 =	sadd.s32 s9, s22  }
0x13: {  	[dreg:$0xa] =	wrdreg s24;
	s15 =	sshrl.u32 s15, $0x3;
	s24 =	sadd.s32 s8, s10  }
0x14: {  	s20 =	sshrl.u32 s20, $0x3;
	s25 =	sadd.s32 s7, s15;
	[dreg:$0xf] =	wrdreg s24  }
0x15: {  	s9 =	sadd.s32 s9, s23;
	s23 =	sadd.s32 s7, s20;
	[dreg:$0xb] =	wrdreg s25  }
0x16: {  	s19 =	sshrl.u32 s19, $0x3;
	s24 =	sadd.s32 s8, s15;
	[dreg:$0xd] =	wrdreg s23  }
0x17: {  	s9 =	sshrl.u32 s9, $0x3;
	s22 =	sadd.s32 s7, s19;
	[dreg:$0x13] =	wrdreg s24  }
0x18: {  	s7 =	sadd.s32 s7, s9;
	[dreg:$0xc] =	wrdreg s22  }
0x19: {  	s25 =	sadd.s32 s8, s11;
	[dreg:$0xe] =	wrdreg s7  }
0x1a: {  	s23 =	sadd.s32 s8, s13;
	[dreg:$0x10] =	wrdreg s25  }
0x1b: {  	s22 =	sadd.s32 s8, s12;
	[dreg:$0x12] =	wrdreg s23  }
0x1c: {  	s25 =	sadd.s32 s8, s19;
	[dreg:$0x11] =	wrdreg s22  }
0x1d: {  	[dreg:$0x14] =	wrdreg s25;
	s22 =	sadd.s32 s8, s20  }
0x1e: {  	s7 =	sadd.s32 $0x5B400, s3;
	s8 =	sadd.s32 s8, s9;
	[dreg:$0x15] =	wrdreg s22  }
0x1f: {  	s23 =	sadd.s32 s7, s10;
	[dreg:$0x16] =	wrdreg s8  }
0x20: {  	s24 =	sadd.s32 s7, s11;
	[dreg:$0x17] =	wrdreg s23  }
0x21: {  	s25 =	sadd.s32 s7, s12;
	[dreg:$0x18] =	wrdreg s24  }
0x22: {  	[dreg:$0x19] =	wrdreg s25;
	s22 =	sadd.s32 s7, s13  }
0x23: {  	s28 =	simm.s32 $0x7;
	s23 =	sadd.s32 s7, s15;
	[dreg:$0x1a] =	wrdreg s22  }
0x24: {  	s29 =	simm.s32 $0x8000;
	s24 =	sadd.s32 s7, s19;
	[dreg:$0x1b] =	wrdreg s23  }
0x25: {  	s30 =	simm.s32 $0x4000;
	s25 =	sadd.s32 s7, s20;
	[dreg:$0x1c] =	wrdreg s24  }
0x26: {  	s8 =	sadd.s32 $0xA9600, s3;
	s7 =	sadd.s32 s7, s9;
	[dreg:$0x1d] =	wrdreg s25  }
0x27: {  	s31 =	simm.s32 $0x8080;
	[dreg:$0x1e] =	wrdreg s7;
	s10 =	sadd.s32 s8, s10  }
0x28: {  	s1 =	smul.u32 $0xA000, s1;
	s11 =	sadd.s32 s8, s11;
	[dreg:$0x1f] =	wrdreg s10  }
0x29: {  	s6 =	smul.u32 $0xA000, s6;
	s12 =	sadd.s32 s8, s12;
	[smem:$0x7ED] =	sst s11  }
0x2a: {  	p2 =	sgt.u32 s4, $0x7C;
	s21 =	sadd.s32 s8, s13;
	[smem:$0x7EE] =	sst s12  }
0x2b: {  	s4 =	smul.u32 $0xA000, s4;
	s22 =	sadd.s32 s8, s15;
	[smem:$0x7EF] =	sst s21  }
0x2c: {  	s1 =	sshrl.u32 s1, $0x2;
	s23 =	sadd.s32 s8, s19;
	[smem:$0x7F0] =	sst s22  }
0x2d: {  	s24 =	sadd.s32 s8, s20;
	s25 =	sshll.u32 s0, $0x7;
	[smem:$0x7F1] =	sst s23  }
0x2e: {  	s8 =	sadd.s32 s8, s9;
	s15 =	sadd.s32 $0x2C00, s3;
	[smem:$0x7F2] =	sst s24  }
0x2f: {  	s3 =	sadd.s32 $0xCA00, s3;
	[smem:$0x7F3] =	sst s8;
	s9 =	sand.u32 $0x400, s25  }
0x30: {  	s10 =	sor.u32 $0x1000, s25;
	s11 =	sor.u32 $0x800, s25;
	s7 =	sand.u32 $0x380, s25  }
0x31: {  	s12 =	rddreg [dreg:$0x1];
	s21 =	sor.u32 $0x4E0, s0;
	s22 =	sor.u32 $0x4F0, s0  }
0x32: {  	s23 =	sshrl.u32 s2, $0x3;
	s24 =	smul.u32 $0xA000, s0;
	s8 =	sadd.s32 s5, s9  }
0x33: {  	s9 =	sand.u32 $0x1400, s10;
	p0 =	slt.u32 s21, $0x4E2;
	s21 =	smul.u32 $0xA000, s17  }
0x34: {  	s10 =	sand.u32 $0xC00, s11;
	p1 =	sgt.u32 s22, $0x4F1;
	s22 =	smul.u32 $0xA000, s18  }
0x35: {  	s18 =	sadd.s32 $0x80000, s2;
	s9 =	sadd.s32 s9, s5;
	s8 =	sor.u32 s7, s8  }
0x36: {  	s10 =	sadd.s32 s10, s5;
	s5 =	simm.s32 $0x0;
	s8 =	sshrl.u32 s8, $0x3  }
0x37: {  	s9 =	sor.u32 s7, s9;
	[smem:$0x7FF] =	sst s5;
	s19 =	sadd.s32 s12, s8  }
0x38: {  	s7 =	sor.u32 s7, s10;
	s20 =	sadd.s32 s15, s8;
	[smem:$0x7F4] =	sst s19  }
0x39: {  	s9 =	sshrl.u32 s9, $0x3;
	s13 =	sshrl.u32 s7, $0x3;
	[smem:$0x7F5] =	sst s20  }
0x3a: {  	s7 =	sadd.s32 s9, s12;
	s25 =	sadd.s32 s13, s12;
	s12 =	rddreg [dreg:$0x0]  }
0x3b: {  	s10 =	sadd.s32 s9, s15;
	s11 =	sadd.s32 s13, s15;
	s13 =	rddreg [dreg:$0x4]  }
0x3c: {  	s15 =	smul.u32 $0xA000, s26;
	s19 =	smax.u32 s16, $0x1;
	s20 =	sshrl.u32 s24, $0x2  }
0x3d: {  	s24 =	smul.u32 $0xA000, s14;
	s14 =	sshrl.u32 s6, $0x2;
	s16 =	sadd.s32 $0x40000, s2  }
0x3e: {  	s2 =	simm.s32 $0x80;
	_ =	strace $0x80000047;
	[smem:$0x7F6] =	sst s3  }
0x3f: {  	s6 =	simm.s32 $0x3;
	s8 =	sadd.s32 s12, s23;
	[smem:$0x7F8] =	sst s19  }
0x40: {  	s17 =	sadd.s32 s20, s13;
	s23 =	sshrl.u32 s21, $0x2;
	[smem:$0x7FB] =	sst s18  }
0x41: {  	s19 =	sshrl.u32 s16, $0x3;
	s16 =	simm.s32 $0x8;
	[dreg:$0x6] =	wrdreg s26  }
0x42: {  	[smem:$0x7F7] =	sst s8;
	s3 =	sshrl.u32 s15, $0x2;
	s8 =	sshrl.u32 s22, $0x2  }
0x43: {  	s9 =	sshrl.u32 s24, $0x2;
	s22 =	sadd.s32 s1, s13;
	s15 =	sshrl.u32 s4, $0x2  }
0x44: {  	s1 =	sadd.s32 s19, s12;
	s4 =	simm.s32 $0x4;
	[smem:$0x7FD] =	sst s17  }
0x45: {  	s3 =	sadd.s32 s3, s13;
	s20 =	sadd.s32 s8, s13;
	s21 =	sadd.s32 s9, s13  }
0x46: {  	s24 =	sadd.s32 s15, s13;
	[smem:$0x7FC] =	sst s1;
	s8 =	simm.s32 $0x0  }
0x47: {  	[smem:$0x7F9] =	sst s3;
	s3 =	sadd.s32 s23, s13;
	s23 =	sadd.s32 s14, s13  }
0x48: {  	v0 =	vimm.f32 $0.0e+00;
	s14 =	simm.s32 $0x5;
	[smem:$0x7FA] =	sst s3;
	s3 =	simm.s32 $0x2  }
.LBB2_1:
0x49: {  	s1 =	sand.u32 $0xFE00, s5  }
0x4a: {  	[smem:$0x7EC] =	sst s8;
	s26 =	sand.u32 $0x70, s5;
	s9 =	sshrl.u32 s1, $0x2  }
0x4b: {  	s8 =	simm.s32 $0x0;
	s1 =	simm.s32 $0x40;
	s9 =	sor.u32 s26, s9  }
.LBB2_2:
0x4c: {  	p3 =	sne.s32 s1, $0x9FC0  }
0x4d: {  	[tilespmem:s9+$0x0] =	vst v0;
	s8 =	sadd.s32 $0x10, s8;
	s9 =	smov.u32 s1;
	s1 =	sadd.s32 $0x40, s1  }
.Ltmp0:
0x4e: {  	(pc) =	sbr.rel @p3 .LBB2_2-.Ltmp0, $4  }
0x4f: {  	_ = 	snop  }
0x50: {  	s9 =	sand.u32 $0xFE00, s9  }
0x51: {  	s15 =	sand.u32 $0x70, s8;
	s9 =	sshrl.u32 s9, $0x2  }
0x52: {  	s9 =	sor.u32 s15, s9  }
0x53: {  	[tilespmem:s9+$0x0] =	vst v0  }
0x54: {  	[spmem:s17] =	stream.linear.scatter [tilespmem:s5], [sflag:$0x7], $0x2800, $0x38;
	[tilespmem:$0x1B980] =	vst v63  }
0x55: {  	_ =	swait.ge [sflag:s28], $0x2800  }
0x56: {  	s1 =	sld [smem:$0x7F9]  }
0x57: {  	[sflag:s28] =	ssyncset.done $0x0  }
0x58: {  	[sflag:s28] =	ssyncadd.s32 $0xFFFFD800  }
0x59: {  	[spmem:s1] =	stream.linear.scatter [tilespmem:s5], [sflag:$0x7], $0x2800, $0x38;
	[tilespmem:$0x1B980] =	vst v63  }
0x5a: {  	_ =	swait.ge [sflag:s28], $0x2800  }
0x5b: {  	s18 =	sld [smem:$0x7FA]  }
0x5c: {  	[sflag:s28] =	ssyncset.done $0x0  }
0x5d: {  	[sflag:s28] =	ssyncadd.s32 $0xFFFFD800  }
0x5e: {  	[spmem:s18] =	stream.linear.scatter [tilespmem:s5], [sflag:$0x7], $0x2800, $0x38;
	[tilespmem:$0x1B980] =	vst v63  }
0x5f: {  	_ =	swait.ge [sflag:s28], $0x2800  }
0x60: {  	[sflag:s28] =	ssyncset.done $0x0  }
0x61: {  	[sflag:s28] =	ssyncadd.s32 $0xFFFFD800  }
0x62: {  	[spmem:s20] =	stream.linear.scatter [tilespmem:s5], [sflag:$0x7], $0x2800, $0x38;
	[tilespmem:$0x1B980] =	vst v63  }
0x63: {  	_ =	swait.ge [sflag:s28], $0x2800  }
0x64: {  	[sflag:s28] =	ssyncset.done $0x0  }
0x65: {  	[sflag:s28] =	ssyncadd.s32 $0xFFFFD800  }
0x66: {  	[spmem:s21] =	stream.linear.scatter [tilespmem:s5], [sflag:$0x7], $0x2800, $0x38;
	[tilespmem:$0x1B980] =	vst v63  }
0x67: {  	_ =	swait.ge [sflag:s28], $0x2800  }
0x68: {  	[sflag:s28] =	ssyncset.done $0x0  }
0x69: {  	[sflag:s28] =	ssyncadd.s32 $0xFFFFD800  }
0x6a: {  	[spmem:s22] =	stream.linear.scatter [tilespmem:s5], [sflag:$0x7], $0x2800, $0x38;
	[tilespmem:$0x1B980] =	vst v63  }
0x6b: {  	_ =	swait.ge [sflag:s28], $0x2800  }
0x6c: {  	[sflag:s28] =	ssyncset.done $0x0  }
0x6d: {  	[sflag:s28] =	ssyncadd.s32 $0xFFFFD800  }
0x6e: {  	[spmem:s23] =	stream.linear.scatter [tilespmem:s5], [sflag:$0x7], $0x2800, $0x38;
	[tilespmem:$0x1B980] =	vst v63  }
0x6f: {  	_ =	swait.ge [sflag:s28], $0x2800  }
0x70: {  	[sflag:s28] =	ssyncset.done $0x0  }
0x71: {  	s1 =	simm.s32 @!p2 $0x0;
	[sflag:s28] =	ssyncadd.s32 $0xFFFFD800  }
0x72: {  	[spmem:s24] =	stream.linear.scatter @!p2 [tilespmem:s1], [sflag:$0x7], $0x2800, $0x38;
	[tilespmem:$0x1B980] =	vst v63  }
0x73: {  	s1 =	simm.s32 @!p2 $0x7  }
0x74: {  	_ =	swait.ge @!p2 [sflag:s1], $0x2800  }
0x75: {  	[sflag:s1] =	ssyncset.done @!p2 $0x0  }
0x76: {  	[sflag:s1] =	ssyncadd.s32 @!p2 $0xFFFFD800  }
0x77: {  	[bflag:$0x0] =	sbarrier.arrive $0xFFFF  }
0x78: {  	s19 =	sld [smem:$0x7F7];
	_ =	sdelay $0x1  }
.Ltmp1:
0x79: {  	s15 =	simm.s32 $0x0;
	s26 =	sld [smem:$0x7F4];
	(pc) =	sbr.rel .LBB2_4-.Ltmp1, $4  }
0x7a: {  	[tilespmem:s15], [sflag:$0x1] =	stream.linear.gather [hbm4b:s19+s15], $0x4000, $0x38;
	[tilespmem:$0x1B980] =	vst v63  }
0x7b: {  	s1 =	sld [smem:$0x7FB]  }
0x7c: {  	[tilespmem:s29], [sflag:$0x3] =	stream.linear.gather [hbm4b:s26+s15], $0x80, $0x38;
	[tilespmem:$0x1B980] =	vst v63  }
0x7d: {  	s9 =	smov.u32 s25;
	s8 =	smov.u32 s7;
	s26 =	sld [smem:$0x7FC]  }
.LBB2_8:
0x7e: {  	s17 =	sshrl.u32 s1, $0x3  }
0x7f: {  	s17 =	sadd.s32 s12, s17  }
0x80: {  	[tilespmem:s5], [sflag:$0x1] =	stream.linear.gather [hbm4b:s17+s5], $0x4000, $0x38;
	[tilespmem:$0x1B980] =	vst v63  }
0x81: {  	_ = 	snop  }
0x82: {  	[tilespmem:s29], [sflag:$0x3] =	stream.linear.gather [hbm4b:s8+s5], $0x80, $0x38;
	[tilespmem:$0x1B980] =	vst v63  }
.LBB2_10:
0x83: {  	[spmem:s13] =	stream.indirect.scatter.add.f32 [tilespmem:s30], [sflag:$0x6], $0x80, s31, s2, $0xb8;
	[tilespmem:$0x1B980] =	vst v63  }
.LBB2_11:
0x84: {  	s15 =	sadd.s32 $0x20, s15  }
0x85: {  	p3 =	sne.s32 s15, $0x500  }
.Ltmp2:
0x86: {  	_ = 	snop;
	(pc) =	sbr.rel @!p3 .LBB2_12-.Ltmp2, $3  }
0x87: {  	_ =	sdelay $0x1  }
0x88: {  	s8 =	sadd.s32 $0x200, s8  }
0x89: {  	s1 =	sadd.s32 $0x80000, s1;
	s26 =	sadd.s32 $0x10000, s26;
	s9 =	sadd.s32 $0x200, s9  }
.LBB2_4:
0x8a: {  	s18 =	sadd.s32 s15, s0  }
0x8b: {  	p3 =	sgt.u32 s18, $0x4E1  }
0x8c: {  	s17 =	simm.s32 @!p3 $0x1  }
0x8d: {  	_ =	swait.ge @!p3 [sflag:s17], $0x4000  }
0x8e: {  	[sflag:s17] =	ssyncset.done @!p3 $0x0  }
0x8f: {  	[sflag:s17] =	ssyncadd.s32 @!p3 $0xFFFFC000;
	s17 =	simm.s32 @!p3 $0x3  }
0x90: {  	_ =	swait.ge @!p3 [sflag:s17], $0x80  }
0x91: {  	[sflag:s17] =	ssyncset.done @!p3 $0x0  }
0x92: {  	[sflag:s17] =	ssyncadd.s32 @!p3 $0xFFFFFF80;
	s17 =	sadd.s32 $0x10, s18  }
0x93: {  	s19 =	sadd.s32 $0xFFFFFFF0, s18;
	p3 =	slt.u32 s17, $0x4E2  }
.Ltmp3:
0x94: {  	p4 =	sgt.u32 s19, $0x4E1;
	(pc) =	sbr.rel @!p3 .LBB2_5-.Ltmp3, $4  }
0x95: {  	s19 =	simm.s32 @!p4 $0x6  }
0x96: {  	_ =	swait.ge @!p4 [sflag:s19], $0x4000  }
0x97: {  	[sflag:s19] =	ssyncset.done @!p4 $0x0  }
0x98: {  	[sflag:s19] =	ssyncadd.s32 @!p4 $0xFFFFC000  }
0x99: {  	[tilespmem:s30], [sflag:$0x2] =	stream.linear.gather [hbm4b:s26+s5], $0x4000, $0x38;
	[tilespmem:$0x1B980] =	vst v63  }
0x9a: {  	_ = 	snop  }
0x9b: {  	[tilespmem:s31], [sflag:$0x4] =	stream.linear.gather [hbm4b:s9+s5], $0x80, $0x38;
	[tilespmem:$0x1B980] =	vst v63  }
0x9c: {  	_ = 	snop  }
0x9d: {  	[spmem:s13] =	stream.indirect.scatter.add.f32 [tilespmem:s5], [sflag:$0x5], $0x80, s29, s2, $0xb8;
	[tilespmem:$0x1B980] =	vst v63  }
0x9e: {  	_ =	swait.ge [sflag:s3], $0x4000  }
.Ltmp4:
0x9f: {  	[sflag:s3] =	ssyncset.done $0x0;
	(pc) =	sbr.rel .LBB2_7-.Ltmp4, $4  }
0xa0: {  	[sflag:s3] =	ssyncadd.s32 $0xFFFFC000  }
0xa1: {  	_ =	swait.ge [sflag:s4], $0x80  }
0xa2: {  	[sflag:s4] =	ssyncset.done $0x0  }
0xa3: {  	[sflag:s4] =	ssyncadd.s32 $0xFFFFFF80  }
.LBB2_5:
0xa4: {  	p3 =	slt.u32 s18, $0x4E2  }
.Ltmp5:
0xa5: {  	_ = 	snop;
	(pc) =	sbr.rel @!p3 .LBB2_11-.Ltmp5, $1  }
0xa6: {  	_ =	sdelay $0x3  }
0xa7: {  	[spmem:s13] =	stream.indirect.scatter.add.f32 [tilespmem:s5], [sflag:$0x5], $0x80, s29, s2, $0xb8;
	[tilespmem:$0x1B980] =	vst v63  }
.LBB2_7:
0xa8: {  	p3 =	sgt.u32 s17, $0x4D1  }
.Ltmp6:
0xa9: {  	_ = 	snop;
	(pc) =	sbr.rel @!p3 .LBB2_8-.Ltmp6, $4  }
0xaa: {  	_ = 	snop  }
0xab: {  	_ =	swait.ge [sflag:s14], $0x4000  }
0xac: {  	[sflag:s14] =	ssyncset.done $0x0  }
0xad: {  	[sflag:s14] =	ssyncadd.s32 $0xFFFFC000  }
0xae: {  	p3 =	sgt.u32 s17, $0x4E1  }
.Ltmp7:
0xaf: {  	_ = 	snop;
	(pc) =	sbr.rel @p3 .LBB2_11-.Ltmp7, $4  }
.Ltmp8:
0xb0: {  	_ = 	snop;
	(pc) =	sbr.rel @!p3 .LBB2_10-.Ltmp8, $4  }
0xb1: {  	_ = 	snop  }
0xb2: {  	_ = 	snop  }
0xb3: {  	_ = 	snop  }
0xb4: {  	_ = 	snop  }
.LBB2_12:
0xb5: {  	[bflag:$0x0] =	sbarrier.arrive $0xFFFF  }
0xb6: {  	s17 =	sld [smem:$0x7FD];
	_ =	sdelay $0x2  }
0xb7: {  	[tilespmem:s5], [sflag:$0x8] =	stream.linear.gather [spmem:s17], $0x2800, $0x38;
	[tilespmem:$0x1B980] =	vst v63  }
0xb8: {  	_ =	swait.ge [sflag:s16], $0x2800  }
0xb9: {  	[sflag:s16] =	ssyncset.done $0x0  }
0xba: {  	s1 =	rddreg [dreg:$0x7];
	[sflag:s16] =	ssyncadd.s32 $0xFFFFD800  }
0xbb: {  	[hbm4b:s1+s5] =	stream.linear.scatter [tilespmem:s5], [sflag:$0x7], $0x2800, $0x38;
	[tilespmem:$0x1B980] =	vst v63  }
0xbc: {  	_ =	swait.ge [sflag:s28], $0x2800  }
0xbd: {  	s19 =	sld [smem:$0x7F9]  }
0xbe: {  	[sflag:s28] =	ssyncset.done $0x0  }
0xbf: {  	[sflag:s28] =	ssyncadd.s32 $0xFFFFD800  }
0xc0: {  	[tilespmem:s5], [sflag:$0x8] =	stream.linear.gather [spmem:s19], $0x2800, $0x38;
	[tilespmem:$0x1B980] =	vst v63  }
0xc1: {  	_ =	swait.ge [sflag:s16], $0x2800  }
0xc2: {  	[sflag:s16] =	ssyncset.done $0x0  }
0xc3: {  	s26 =	rddreg [dreg:$0x8];
	[sflag:s16] =	ssyncadd.s32 $0xFFFFD800  }
0xc4: {  	[hbm4b:s26+s5] =	stream.linear.scatter [tilespmem:s5], [sflag:$0x7], $0x2800, $0x38;
	[tilespmem:$0x1B980] =	vst v63  }
0xc5: {  	_ =	swait.ge [sflag:s28], $0x2800  }
0xc6: {  	s8 =	sld [smem:$0x7FA]  }
0xc7: {  	[sflag:s28] =	ssyncset.done $0x0  }
0xc8: {  	[sflag:s28] =	ssyncadd.s32 $0xFFFFD800  }
0xc9: {  	[tilespmem:s5], [sflag:$0x8] =	stream.linear.gather [spmem:s8], $0x2800, $0x38;
	[tilespmem:$0x1B980] =	vst v63  }
0xca: {  	_ =	swait.ge [sflag:s16], $0x2800  }
0xcb: {  	[sflag:s16] =	ssyncset.done $0x0  }
0xcc: {  	s9 =	rddreg [dreg:$0x9];
	[sflag:s16] =	ssyncadd.s32 $0xFFFFD800  }
0xcd: {  	[hbm4b:s9+s5] =	stream.linear.scatter [tilespmem:s5], [sflag:$0x7], $0x2800, $0x38;
	[tilespmem:$0x1B980] =	vst v63  }
0xce: {  	_ =	swait.ge [sflag:s28], $0x2800  }
0xcf: {  	[sflag:s28] =	ssyncset.done $0x0  }
0xd0: {  	[sflag:s28] =	ssyncadd.s32 $0xFFFFD800  }
0xd1: {  	[tilespmem:s5], [sflag:$0x8] =	stream.linear.gather [spmem:s20], $0x2800, $0x38;
	[tilespmem:$0x1B980] =	vst v63  }
0xd2: {  	_ =	swait.ge [sflag:s16], $0x2800  }
0xd3: {  	[sflag:s16] =	ssyncset.done $0x0  }
0xd4: {  	s15 =	rddreg [dreg:$0xa];
	[sflag:s16] =	ssyncadd.s32 $0xFFFFD800  }
0xd5: {  	[hbm4b:s15+s5] =	stream.linear.scatter [tilespmem:s5], [sflag:$0x7], $0x2800, $0x38;
	[tilespmem:$0x1B980] =	vst v63  }
0xd6: {  	_ =	swait.ge [sflag:s28], $0x2800  }
0xd7: {  	[sflag:s28] =	ssyncset.done $0x0  }
0xd8: {  	[sflag:s28] =	ssyncadd.s32 $0xFFFFD800  }
0xd9: {  	[tilespmem:s5], [sflag:$0x8] =	stream.linear.gather [spmem:s21], $0x2800, $0x38;
	[tilespmem:$0x1B980] =	vst v63  }
0xda: {  	_ =	swait.ge [sflag:s16], $0x2800  }
0xdb: {  	[sflag:s16] =	ssyncset.done $0x0  }
0xdc: {  	s18 =	rddreg [dreg:$0xb];
	[sflag:s16] =	ssyncadd.s32 $0xFFFFD800  }
0xdd: {  	[hbm4b:s18+s5] =	stream.linear.scatter [tilespmem:s5], [sflag:$0x7], $0x2800, $0x38;
	[tilespmem:$0x1B980] =	vst v63  }
0xde: {  	_ =	swait.ge [sflag:s28], $0x2800  }
0xdf: {  	[sflag:s28] =	ssyncset.done $0x0  }
0xe0: {  	[sflag:s28] =	ssyncadd.s32 $0xFFFFD800  }
0xe1: {  	[tilespmem:s5], [sflag:$0x8] =	stream.linear.gather [spmem:s22], $0x2800, $0x38;
	[tilespmem:$0x1B980] =	vst v63  }
0xe2: {  	_ =	swait.ge [sflag:s16], $0x2800  }
0xe3: {  	[sflag:s16] =	ssyncset.done $0x0  }
0xe4: {  	s19 =	rddreg [dreg:$0xc];
	[sflag:s16] =	ssyncadd.s32 $0xFFFFD800  }
0xe5: {  	[hbm4b:s19+s5] =	stream.linear.scatter [tilespmem:s5], [sflag:$0x7], $0x2800, $0x38;
	[tilespmem:$0x1B980] =	vst v63  }
0xe6: {  	_ =	swait.ge [sflag:s28], $0x2800  }
0xe7: {  	[sflag:s28] =	ssyncset.done $0x0  }
0xe8: {  	[sflag:s28] =	ssyncadd.s32 $0xFFFFD800  }
0xe9: {  	[tilespmem:s5], [sflag:$0x8] =	stream.linear.gather [spmem:s23], $0x2800, $0x38;
	[tilespmem:$0x1B980] =	vst v63  }
0xea: {  	_ =	swait.ge [sflag:s16], $0x2800  }
0xeb: {  	[sflag:s16] =	ssyncset.done $0x0  }
0xec: {  	s26 =	rddreg [dreg:$0xd];
	[sflag:s16] =	ssyncadd.s32 $0xFFFFD800  }
0xed: {  	[hbm4b:s26+s5] =	stream.linear.scatter [tilespmem:s5], [sflag:$0x7], $0x2800, $0x38;
	[tilespmem:$0x1B980] =	vst v63  }
0xee: {  	_ =	swait.ge [sflag:s28], $0x2800  }
0xef: {  	[sflag:s28] =	ssyncset.done $0x0  }
0xf0: {  	s1 =	simm.s32 @!p2 $0x0;
	s8 =	simm.s32 @!p2 $0x8;
	[sflag:s28] =	ssyncadd.s32 $0xFFFFD800  }
0xf1: {  	[tilespmem:s1], [sflag:$0x8] =	stream.linear.gather @!p2 [spmem:s24], $0x2800, $0x38;
	[tilespmem:$0x1B980] =	vst v63  }
0xf2: {  	_ =	swait.ge @!p2 [sflag:s8], $0x2800  }
0xf3: {  	[sflag:s8] =	ssyncset.done @!p2 $0x0  }
0xf4: {  	[sflag:s8] =	ssyncadd.s32 @!p2 $0xFFFFD800;
	s8 =	rddreg [dreg:$0xe]  }
0xf5: {  	[hbm4b:s8+s1] =	stream.linear.scatter @!p2 [tilespmem:s1], [sflag:$0x7], $0x2800, $0x38;
	[tilespmem:$0x1B980] =	vst v63  }
0xf6: {  	s8 =	simm.s32 @!p2 $0x7  }
0xf7: {  	s1 =	simm.s32 $0x0;
	_ =	swait.ge @!p2 [sflag:s8], $0x2800  }
0xf8: {  	s9 =	sand.u32 $0xFE00, s1;
	[sflag:s8] =	ssyncset.done @!p2 $0x0  }
0xf9: {  	s15 =	sand.u32 $0x70, s1;
	s9 =	sshrl.u32 s9, $0x2;
	[sflag:s8] =	ssyncadd.s32 @!p2 $0xFFFFD800  }
0xfa: {  	s8 =	simm.s32 $0x40;
	s9 =	sor.u32 s15, s9;
	[bflag:$0x0] =	sbarrier.arrive $0xFFFF  }
.LBB2_13:
0xfb: {  	p3 =	sne.s32 s8, $0x9FC0  }
0xfc: {  	[tilespmem:s9+$0x0] =	vst v0;
	s1 =	sadd.s32 $0x10, s1;
	s9 =	smov.u32 s8;
	s8 =	sadd.s32 $0x40, s8  }
.Ltmp9:
0xfd: {  	(pc) =	sbr.rel @p3 .LBB2_13-.Ltmp9, $4  }
0xfe: {  	_ = 	snop  }
0xff: {  	s9 =	sand.u32 $0xFE00, s9  }
0x100: {  	s15 =	sand.u32 $0x70, s1;
	s9 =	sshrl.u32 s9, $0x2  }
0x101: {  	s9 =	sor.u32 s15, s9  }
0x102: {  	[tilespmem:s9+$0x0] =	vst v0  }
0x103: {  	[spmem:s17] =	stream.linear.scatter [tilespmem:s5], [sflag:$0x7], $0x2800, $0x38;
	[tilespmem:$0x1B980] =	vst v63  }
0x104: {  	_ =	swait.ge [sflag:s28], $0x2800  }
0x105: {  	s1 =	sld [smem:$0x7F9]  }
0x106: {  	[sflag:s28] =	ssyncset.done $0x0  }
0x107: {  	[sflag:s28] =	ssyncadd.s32 $0xFFFFD800  }
0x108: {  	[spmem:s1] =	stream.linear.scatter [tilespmem:s5], [sflag:$0x7], $0x2800, $0x38;
	[tilespmem:$0x1B980] =	vst v63  }
0x109: {  	_ =	swait.ge [sflag:s28], $0x2800  }
0x10a: {  	s18 =	sld [smem:$0x7FA]  }
0x10b: {  	[sflag:s28] =	ssyncset.done $0x0  }
0x10c: {  	[sflag:s28] =	ssyncadd.s32 $0xFFFFD800  }
0x10d: {  	[spmem:s18] =	stream.linear.scatter [tilespmem:s5], [sflag:$0x7], $0x2800, $0x38;
	[tilespmem:$0x1B980] =	vst v63  }
0x10e: {  	_ =	swait.ge [sflag:s28], $0x2800  }
0x10f: {  	[sflag:s28] =	ssyncset.done $0x0  }
0x110: {  	[sflag:s28] =	ssyncadd.s32 $0xFFFFD800  }
0x111: {  	[spmem:s20] =	stream.linear.scatter [tilespmem:s5], [sflag:$0x7], $0x2800, $0x38;
	[tilespmem:$0x1B980] =	vst v63  }
0x112: {  	_ =	swait.ge [sflag:s28], $0x2800  }
0x113: {  	[sflag:s28] =	ssyncset.done $0x0  }
0x114: {  	[sflag:s28] =	ssyncadd.s32 $0xFFFFD800  }
0x115: {  	[spmem:s21] =	stream.linear.scatter [tilespmem:s5], [sflag:$0x7], $0x2800, $0x38;
	[tilespmem:$0x1B980] =	vst v63  }
0x116: {  	_ =	swait.ge [sflag:s28], $0x2800  }
0x117: {  	[sflag:s28] =	ssyncset.done $0x0  }
0x118: {  	[sflag:s28] =	ssyncadd.s32 $0xFFFFD800  }
0x119: {  	[spmem:s22] =	stream.linear.scatter [tilespmem:s5], [sflag:$0x7], $0x2800, $0x38;
	[tilespmem:$0x1B980] =	vst v63  }
0x11a: {  	_ =	swait.ge [sflag:s28], $0x2800  }
0x11b: {  	[sflag:s28] =	ssyncset.done $0x0  }
0x11c: {  	[sflag:s28] =	ssyncadd.s32 $0xFFFFD800  }
0x11d: {  	[spmem:s23] =	stream.linear.scatter [tilespmem:s5], [sflag:$0x7], $0x2800, $0x38;
	[tilespmem:$0x1B980] =	vst v63  }
0x11e: {  	_ =	swait.ge [sflag:s28], $0x2800  }
0x11f: {  	[sflag:s28] =	ssyncset.done $0x0  }
0x120: {  	s1 =	simm.s32 @!p2 $0x0;
	[sflag:s28] =	ssyncadd.s32 $0xFFFFD800  }
0x121: {  	[spmem:s24] =	stream.linear.scatter @!p2 [tilespmem:s1], [sflag:$0x7], $0x2800, $0x38;
	[tilespmem:$0x1B980] =	vst v63  }
0x122: {  	s1 =	simm.s32 @!p2 $0x7  }
0x123: {  	_ =	swait.ge @!p2 [sflag:s1], $0x2800  }
0x124: {  	[sflag:s1] =	ssyncset.done @!p2 $0x0  }
0x125: {  	[sflag:s1] =	ssyncadd.s32 @!p2 $0xFFFFD800  }
0x126: {  	[bflag:$0x0] =	sbarrier.arrive $0xFFFF  }
0x127: {  	s19 =	sld [smem:$0x7F7];
	_ =	sdelay $0x1  }
.Ltmp10:
0x128: {  	s15 =	simm.s32 $0x0;
	s26 =	sld [smem:$0x7F5];
	(pc) =	sbr.rel .LBB2_15-.Ltmp10, $4  }
0x129: {  	[tilespmem:s15], [sflag:$0x1] =	stream.linear.gather [hbm4b:s19+s15], $0x4000, $0x38;
	[tilespmem:$0x1B980] =	vst v63  }
0x12a: {  	s1 =	sld [smem:$0x7FB]  }
0x12b: {  	[tilespmem:s29], [sflag:$0x3] =	stream.linear.gather [hbm4b:s26+s15], $0x80, $0x38;
	[tilespmem:$0x1B980] =	vst v63  }
0x12c: {  	s9 =	smov.u32 s11;
	s8 =	smov.u32 s10;
	s26 =	sld [smem:$0x7FC]  }
.LBB2_19:
0x12d: {  	s17 =	sshrl.u32 s1, $0x3  }
0x12e: {  	s17 =	sadd.s32 s12, s17  }
0x12f: {  	[tilespmem:s5], [sflag:$0x1] =	stream.linear.gather [hbm4b:s17+s5], $0x4000, $0x38;
	[tilespmem:$0x1B980] =	vst v63  }
0x130: {  	_ = 	snop  }
0x131: {  	[tilespmem:s29], [sflag:$0x3] =	stream.linear.gather [hbm4b:s8+s5], $0x80, $0x38;
	[tilespmem:$0x1B980] =	vst v63  }
.LBB2_21:
0x132: {  	[spmem:s13] =	stream.indirect.scatter.add.f32 [tilespmem:s30], [sflag:$0x6], $0x80, s31, s2, $0xb8;
	[tilespmem:$0x1B980] =	vst v63  }
.LBB2_22:
0x133: {  	s15 =	sadd.s32 $0x20, s15  }
0x134: {  	p3 =	sne.s32 s15, $0x500  }
.Ltmp11:
0x135: {  	_ = 	snop;
	(pc) =	sbr.rel @!p3 .LBB2_23-.Ltmp11, $3  }
0x136: {  	_ =	sdelay $0x1  }
0x137: {  	s8 =	sadd.s32 $0x200, s8  }
0x138: {  	s1 =	sadd.s32 $0x80000, s1;
	s26 =	sadd.s32 $0x10000, s26;
	s9 =	sadd.s32 $0x200, s9  }
.LBB2_15:
0x139: {  	s18 =	sadd.s32 s15, s0  }
0x13a: {  	p3 =	sgt.u32 s18, $0x4E1  }
0x13b: {  	s17 =	simm.s32 @!p3 $0x1  }
0x13c: {  	_ =	swait.ge @!p3 [sflag:s17], $0x4000  }
0x13d: {  	[sflag:s17] =	ssyncset.done @!p3 $0x0  }
0x13e: {  	[sflag:s17] =	ssyncadd.s32 @!p3 $0xFFFFC000;
	s17 =	simm.s32 @!p3 $0x3  }
0x13f: {  	_ =	swait.ge @!p3 [sflag:s17], $0x80  }
0x140: {  	[sflag:s17] =	ssyncset.done @!p3 $0x0  }
0x141: {  	[sflag:s17] =	ssyncadd.s32 @!p3 $0xFFFFFF80;
	s17 =	sadd.s32 $0x10, s18  }
0x142: {  	s19 =	sadd.s32 $0xFFFFFFF0, s18;
	p3 =	slt.u32 s17, $0x4E2  }
.Ltmp12:
0x143: {  	p4 =	sgt.u32 s19, $0x4E1;
	(pc) =	sbr.rel @!p3 .LBB2_16-.Ltmp12, $4  }
0x144: {  	s19 =	simm.s32 @!p4 $0x6  }
0x145: {  	_ =	swait.ge @!p4 [sflag:s19], $0x4000  }
0x146: {  	[sflag:s19] =	ssyncset.done @!p4 $0x0  }
0x147: {  	[sflag:s19] =	ssyncadd.s32 @!p4 $0xFFFFC000  }
0x148: {  	[tilespmem:s30], [sflag:$0x2] =	stream.linear.gather [hbm4b:s26+s5], $0x4000, $0x38;
	[tilespmem:$0x1B980] =	vst v63  }
0x149: {  	_ = 	snop  }
0x14a: {  	[tilespmem:s31], [sflag:$0x4] =	stream.linear.gather [hbm4b:s9+s5], $0x80, $0x38;
	[tilespmem:$0x1B980] =	vst v63  }
0x14b: {  	_ = 	snop  }
0x14c: {  	[spmem:s13] =	stream.indirect.scatter.add.f32 [tilespmem:s5], [sflag:$0x5], $0x80, s29, s2, $0xb8;
	[tilespmem:$0x1B980] =	vst v63  }
0x14d: {  	_ =	swait.ge [sflag:s3], $0x4000  }
.Ltmp13:
0x14e: {  	[sflag:s3] =	ssyncset.done $0x0;
	(pc) =	sbr.rel .LBB2_18-.Ltmp13, $4  }
0x14f: {  	[sflag:s3] =	ssyncadd.s32 $0xFFFFC000  }
0x150: {  	_ =	swait.ge [sflag:s4], $0x80  }
0x151: {  	[sflag:s4] =	ssyncset.done $0x0  }
0x152: {  	[sflag:s4] =	ssyncadd.s32 $0xFFFFFF80  }
.LBB2_16:
0x153: {  	p3 =	slt.u32 s18, $0x4E2  }
.Ltmp14:
0x154: {  	_ = 	snop;
	(pc) =	sbr.rel @!p3 .LBB2_22-.Ltmp14, $1  }
0x155: {  	_ =	sdelay $0x3  }
0x156: {  	[spmem:s13] =	stream.indirect.scatter.add.f32 [tilespmem:s5], [sflag:$0x5], $0x80, s29, s2, $0xb8;
	[tilespmem:$0x1B980] =	vst v63  }
.LBB2_18:
0x157: {  	p3 =	sgt.u32 s17, $0x4D1  }
.Ltmp15:
0x158: {  	_ = 	snop;
	(pc) =	sbr.rel @!p3 .LBB2_19-.Ltmp15, $4  }
0x159: {  	_ = 	snop  }
0x15a: {  	_ =	swait.ge [sflag:s14], $0x4000  }
0x15b: {  	[sflag:s14] =	ssyncset.done $0x0  }
0x15c: {  	[sflag:s14] =	ssyncadd.s32 $0xFFFFC000  }
0x15d: {  	p3 =	sgt.u32 s17, $0x4E1  }
.Ltmp16:
0x15e: {  	_ = 	snop;
	(pc) =	sbr.rel @p3 .LBB2_22-.Ltmp16, $4  }
.Ltmp17:
0x15f: {  	_ = 	snop;
	(pc) =	sbr.rel @!p3 .LBB2_21-.Ltmp17, $4  }
0x160: {  	_ = 	snop  }
0x161: {  	_ = 	snop  }
0x162: {  	_ = 	snop  }
0x163: {  	_ = 	snop  }
.LBB2_23:
0x164: {  	[bflag:$0x0] =	sbarrier.arrive $0xFFFF  }
0x165: {  	s17 =	sld [smem:$0x7FD];
	_ =	sdelay $0x2  }
0x166: {  	[tilespmem:s5], [sflag:$0x8] =	stream.linear.gather [spmem:s17], $0x2800, $0x38;
	[tilespmem:$0x1B980] =	vst v63  }
0x167: {  	_ =	swait.ge [sflag:s16], $0x2800  }
0x168: {  	[sflag:s16] =	ssyncset.done $0x0  }
0x169: {  	s1 =	rddreg [dreg:$0xf];
	[sflag:s16] =	ssyncadd.s32 $0xFFFFD800  }
0x16a: {  	[hbm4b:s1+s5] =	stream.linear.scatter [tilespmem:s5], [sflag:$0x7], $0x2800, $0x38;
	[tilespmem:$0x1B980] =	vst v63  }
0x16b: {  	_ =	swait.ge [sflag:s28], $0x2800  }
0x16c: {  	s15 =	sld [smem:$0x7F9]  }
0x16d: {  	[sflag:s28] =	ssyncset.done $0x0  }
0x16e: {  	[sflag:s28] =	ssyncadd.s32 $0xFFFFD800  }
0x16f: {  	[tilespmem:s5], [sflag:$0x8] =	stream.linear.gather [spmem:s15], $0x2800, $0x38;
	[tilespmem:$0x1B980] =	vst v63  }
0x170: {  	_ =	swait.ge [sflag:s16], $0x2800  }
0x171: {  	[sflag:s16] =	ssyncset.done $0x0  }
0x172: {  	s18 =	rddreg [dreg:$0x10];
	[sflag:s16] =	ssyncadd.s32 $0xFFFFD800  }
0x173: {  	[hbm4b:s18+s5] =	stream.linear.scatter [tilespmem:s5], [sflag:$0x7], $0x2800, $0x38;
	[tilespmem:$0x1B980] =	vst v63  }
0x174: {  	_ =	swait.ge [sflag:s28], $0x2800  }
0x175: {  	s19 =	sld [smem:$0x7FA]  }
0x176: {  	[sflag:s28] =	ssyncset.done $0x0  }
0x177: {  	[sflag:s28] =	ssyncadd.s32 $0xFFFFD800  }
0x178: {  	[tilespmem:s5], [sflag:$0x8] =	stream.linear.gather [spmem:s19], $0x2800, $0x38;
	[tilespmem:$0x1B980] =	vst v63  }
0x179: {  	_ =	swait.ge [sflag:s16], $0x2800  }
0x17a: {  	[sflag:s16] =	ssyncset.done $0x0  }
0x17b: {  	s26 =	rddreg [dreg:$0x11];
	[sflag:s16] =	ssyncadd.s32 $0xFFFFD800  }
0x17c: {  	[hbm4b:s26+s5] =	stream.linear.scatter [tilespmem:s5], [sflag:$0x7], $0x2800, $0x38;
	[tilespmem:$0x1B980] =	vst v63  }
0x17d: {  	_ =	swait.ge [sflag:s28], $0x2800  }
0x17e: {  	[sflag:s28] =	ssyncset.done $0x0  }
0x17f: {  	[sflag:s28] =	ssyncadd.s32 $0xFFFFD800  }
0x180: {  	[tilespmem:s5], [sflag:$0x8] =	stream.linear.gather [spmem:s20], $0x2800, $0x38;
	[tilespmem:$0x1B980] =	vst v63  }
0x181: {  	_ =	swait.ge [sflag:s16], $0x2800  }
0x182: {  	[sflag:s16] =	ssyncset.done $0x0  }
0x183: {  	s8 =	rddreg [dreg:$0x12];
	[sflag:s16] =	ssyncadd.s32 $0xFFFFD800  }
0x184: {  	[hbm4b:s8+s5] =	stream.linear.scatter [tilespmem:s5], [sflag:$0x7], $0x2800, $0x38;
	[tilespmem:$0x1B980] =	vst v63  }
0x185: {  	_ =	swait.ge [sflag:s28], $0x2800  }
0x186: {  	[sflag:s28] =	ssyncset.done $0x0  }
0x187: {  	[sflag:s28] =	ssyncadd.s32 $0xFFFFD800  }
0x188: {  	[tilespmem:s5], [sflag:$0x8] =	stream.linear.gather [spmem:s21], $0x2800, $0x38;
	[tilespmem:$0x1B980] =	vst v63  }
0x189: {  	_ =	swait.ge [sflag:s16], $0x2800  }
0x18a: {  	[sflag:s16] =	ssyncset.done $0x0  }
0x18b: {  	s9 =	rddreg [dreg:$0x13];
	[sflag:s16] =	ssyncadd.s32 $0xFFFFD800  }
0x18c: {  	[hbm4b:s9+s5] =	stream.linear.scatter [tilespmem:s5], [sflag:$0x7], $0x2800, $0x38;
	[tilespmem:$0x1B980] =	vst v63  }
0x18d: {  	_ =	swait.ge [sflag:s28], $0x2800  }
0x18e: {  	[sflag:s28] =	ssyncset.done $0x0  }
0x18f: {  	[sflag:s28] =	ssyncadd.s32 $0xFFFFD800  }
0x190: {  	[tilespmem:s5], [sflag:$0x8] =	stream.linear.gather [spmem:s22], $0x2800, $0x38;
	[tilespmem:$0x1B980] =	vst v63  }
0x191: {  	_ =	swait.ge [sflag:s16], $0x2800  }
0x192: {  	[sflag:s16] =	ssyncset.done $0x0  }
0x193: {  	s15 =	rddreg [dreg:$0x14];
	[sflag:s16] =	ssyncadd.s32 $0xFFFFD800  }
0x194: {  	[hbm4b:s15+s5] =	stream.linear.scatter [tilespmem:s5], [sflag:$0x7], $0x2800, $0x38;
	[tilespmem:$0x1B980] =	vst v63  }
0x195: {  	_ =	swait.ge [sflag:s28], $0x2800  }
0x196: {  	[sflag:s28] =	ssyncset.done $0x0  }
0x197: {  	[sflag:s28] =	ssyncadd.s32 $0xFFFFD800  }
0x198: {  	[tilespmem:s5], [sflag:$0x8] =	stream.linear.gather [spmem:s23], $0x2800, $0x38;
	[tilespmem:$0x1B980] =	vst v63  }
0x199: {  	_ =	swait.ge [sflag:s16], $0x2800  }
0x19a: {  	[sflag:s16] =	ssyncset.done $0x0  }
0x19b: {  	s18 =	rddreg [dreg:$0x15];
	[sflag:s16] =	ssyncadd.s32 $0xFFFFD800  }
0x19c: {  	[hbm4b:s18+s5] =	stream.linear.scatter [tilespmem:s5], [sflag:$0x7], $0x2800, $0x38;
	[tilespmem:$0x1B980] =	vst v63  }
0x19d: {  	_ =	swait.ge [sflag:s28], $0x2800  }
0x19e: {  	[sflag:s28] =	ssyncset.done $0x0  }
0x19f: {  	s1 =	simm.s32 @!p2 $0x0;
	s8 =	simm.s32 @!p2 $0x8;
	[sflag:s28] =	ssyncadd.s32 $0xFFFFD800  }
0x1a0: {  	[tilespmem:s1], [sflag:$0x8] =	stream.linear.gather @!p2 [spmem:s24], $0x2800, $0x38;
	[tilespmem:$0x1B980] =	vst v63  }
0x1a1: {  	_ =	swait.ge @!p2 [sflag:s8], $0x2800  }
0x1a2: {  	[sflag:s8] =	ssyncset.done @!p2 $0x0  }
0x1a3: {  	[sflag:s8] =	ssyncadd.s32 @!p2 $0xFFFFD800;
	s8 =	rddreg [dreg:$0x16]  }
0x1a4: {  	[hbm4b:s8+s1] =	stream.linear.scatter @!p2 [tilespmem:s1], [sflag:$0x7], $0x2800, $0x38;
	[tilespmem:$0x1B980] =	vst v63  }
0x1a5: {  	s1 =	simm.s32 @!p2 $0x7  }
0x1a6: {  	_ =	swait.ge @!p2 [sflag:s1], $0x2800  }
0x1a7: {  	[sflag:s1] =	ssyncset.done @!p2 $0x0  }
0x1a8: {  	[sflag:s1] =	ssyncadd.s32 @!p2 $0xFFFFD800  }
0x1a9: {  	[bflag:$0x0] =	sbarrier.arrive $0xFFFF  }
0x1aa: {  	s19 =	sld [smem:$0x7F6];
	_ =	sdelay $0x1  }
0x1ab: {  	s1 =	simm.s32 $0x0  }
0x1ac: {  	[tilespmem:s1], [sflag:$0x7] =	stream.linear.gather [hbm4b:s19+s1], $0x4000, $0x38;
	[tilespmem:$0x1B980] =	vst v63  }
0x1ad: {  	s26 =	sand.u32 $0xFE00, s1;
	_ =	swait.ge [sflag:s28], $0x4000  }
0x1ae: {  	s9 =	sand.u32 $0x70, s1;
	s15 =	sshrl.u32 s26, $0x2;
	[sflag:s28] =	ssyncset.done $0x0  }
0x1af: {  	s8 =	simm.s32 $0x40;
	s9 =	sor.u32 s9, s15;
	[sflag:s28] =	ssyncadd.s32 $0xFFFFC000  }
.LBB2_24:
0x1b0: {  	p3 =	sne.s32 s8, $0x9FC0  }
0x1b1: {  	[tilespmem:s9+$0x4000] =	vst v0;
	s1 =	sadd.s32 $0x10, s1;
	s9 =	smov.u32 s8;
	s8 =	sadd.s32 $0x40, s8  }
.Ltmp18:
0x1b2: {  	(pc) =	sbr.rel @p3 .LBB2_24-.Ltmp18, $4  }
0x1b3: {  	_ = 	snop  }
0x1b4: {  	s9 =	sand.u32 $0xFE00, s9  }
0x1b5: {  	s15 =	sand.u32 $0x70, s1;
	s9 =	sshrl.u32 s9, $0x2  }
0x1b6: {  	s9 =	sor.u32 s15, s9  }
0x1b7: {  	[tilespmem:s9+$0x4000] =	vst v0  }
0x1b8: {  	[spmem:s17] =	stream.linear.scatter [tilespmem:s30], [sflag:$0x7], $0x2800, $0x38;
	[tilespmem:$0x1B980] =	vst v63  }
0x1b9: {  	_ =	swait.ge [sflag:s28], $0x2800  }
0x1ba: {  	s1 =	sld [smem:$0x7F9]  }
0x1bb: {  	[sflag:s28] =	ssyncset.done $0x0  }
0x1bc: {  	[sflag:s28] =	ssyncadd.s32 $0xFFFFD800  }
0x1bd: {  	[spmem:s1] =	stream.linear.scatter [tilespmem:s30], [sflag:$0x7], $0x2800, $0x38;
	[tilespmem:$0x1B980] =	vst v63  }
0x1be: {  	_ =	swait.ge [sflag:s28], $0x2800  }
0x1bf: {  	s15 =	sld [smem:$0x7FA]  }
0x1c0: {  	[sflag:s28] =	ssyncset.done $0x0  }
0x1c1: {  	[sflag:s28] =	ssyncadd.s32 $0xFFFFD800  }
0x1c2: {  	[spmem:s15] =	stream.linear.scatter [tilespmem:s30], [sflag:$0x7], $0x2800, $0x38;
	[tilespmem:$0x1B980] =	vst v63  }
0x1c3: {  	_ =	swait.ge [sflag:s28], $0x2800  }
0x1c4: {  	[sflag:s28] =	ssyncset.done $0x0  }
0x1c5: {  	[sflag:s28] =	ssyncadd.s32 $0xFFFFD800  }
0x1c6: {  	[spmem:s20] =	stream.linear.scatter [tilespmem:s30], [sflag:$0x7], $0x2800, $0x38;
	[tilespmem:$0x1B980] =	vst v63  }
0x1c7: {  	_ =	swait.ge [sflag:s28], $0x2800  }
0x1c8: {  	[sflag:s28] =	ssyncset.done $0x0  }
0x1c9: {  	[sflag:s28] =	ssyncadd.s32 $0xFFFFD800  }
0x1ca: {  	[spmem:s21] =	stream.linear.scatter [tilespmem:s30], [sflag:$0x7], $0x2800, $0x38;
	[tilespmem:$0x1B980] =	vst v63  }
0x1cb: {  	_ =	swait.ge [sflag:s28], $0x2800  }
0x1cc: {  	[sflag:s28] =	ssyncset.done $0x0  }
0x1cd: {  	[sflag:s28] =	ssyncadd.s32 $0xFFFFD800  }
0x1ce: {  	[spmem:s22] =	stream.linear.scatter [tilespmem:s30], [sflag:$0x7], $0x2800, $0x38;
	[tilespmem:$0x1B980] =	vst v63  }
0x1cf: {  	_ =	swait.ge [sflag:s28], $0x2800  }
0x1d0: {  	[sflag:s28] =	ssyncset.done $0x0  }
0x1d1: {  	[sflag:s28] =	ssyncadd.s32 $0xFFFFD800  }
0x1d2: {  	[spmem:s23] =	stream.linear.scatter [tilespmem:s30], [sflag:$0x7], $0x2800, $0x38;
	[tilespmem:$0x1B980] =	vst v63  }
0x1d3: {  	_ =	swait.ge [sflag:s28], $0x2800  }
0x1d4: {  	[sflag:s28] =	ssyncset.done $0x0  }
0x1d5: {  	s1 =	simm.s32 @!p2 $0x4000;
	[sflag:s28] =	ssyncadd.s32 $0xFFFFD800  }
0x1d6: {  	[spmem:s24] =	stream.linear.scatter @!p2 [tilespmem:s1], [sflag:$0x7], $0x2800, $0x38;
	[tilespmem:$0x1B980] =	vst v63  }
0x1d7: {  	s1 =	simm.s32 @!p2 $0x7  }
0x1d8: {  	_ =	swait.ge @!p2 [sflag:s1], $0x2800  }
0x1d9: {  	[sflag:s1] =	ssyncset.done @!p2 $0x0  }
0x1da: {  	[sflag:s1] =	ssyncadd.s32 @!p2 $0xFFFFD800  }
0x1db: {  	[bflag:$0x0] =	sbarrier.arrive $0xFFFF  }
0x1dc: {  	s8 =	sld [smem:$0x7F4];
	_ =	sdelay $0x1  }
0x1dd: {  	s17 =	simm.s32 $0x0;
	s26 =	rddreg [dreg:$0x6]  }
0x1de: {  	[tilespmem:s29], [sflag:$0x3] =	stream.linear.gather [hbm4b:s8+s17], $0x80, $0x38;
	[tilespmem:$0x1B980] =	vst v63  }
0x1df: {  	s18 =	sadd.s32 $0xFFFFFFE0, s26;
	_ =	swait.ge [sflag:s6], $0x80  }
0x1e0: {  	p3 =	sgt.u32 s18, $0x4E1;
	[sflag:s6] =	ssyncset.done $0x0  }
0x1e1: {  	s1 =	simm.s32 @!p3 $0x6;
	[sflag:s6] =	ssyncadd.s32 $0xFFFFFF80  }
0x1e2: {  	_ =	swait.ge @!p3 [sflag:s1], $0x4000  }
0x1e3: {  	[sflag:s1] =	ssyncset.done @!p3 $0x0  }
0x1e4: {  	s19 =	sadd.s32 $0x0, s25;
	[sflag:s1] =	ssyncadd.s32 @!p3 $0xFFFFC000  }
0x1e5: {  	[tilespmem:s31], [sflag:$0x4] =	stream.linear.gather [hbm4b:s19+s5], $0x80, $0x38;
	[tilespmem:$0x1B980] =	vst v63  }
0x1e6: {  	_ = 	snop  }
0x1e7: {  	[spmem:s13] =	stream.indirect.scatter.add.f32 [tilespmem:s5], [sflag:$0x5], $0x80, s29, s2, $0xb8;
	[tilespmem:$0x1B980] =	vst v63  }
0x1e8: {  	_ =	swait.ge [sflag:s4], $0x80  }
0x1e9: {  	[sflag:s4] =	ssyncset.done $0x0  }
0x1ea: {  	[sflag:s4] =	ssyncadd.s32 $0xFFFFFF80  }
0x1eb: {  	p4 =	sgt.u32 s26, $0x4D1;
	_ =	swait.ge [sflag:s14], $0x4000  }
0x1ec: {  	s9 =	simm.s32 @!p4 $0x8000;
	[sflag:s14] =	ssyncset.done $0x0  }
0x1ed: {  	s8 =	simm.s32 @!p4 $0x0;
	s1 =	sadd.s32 @!p4 $0x0, s7;
	[sflag:s14] =	ssyncadd.s32 $0xFFFFC000  }
0x1ee: {  	[tilespmem:s9], [sflag:$0x3] =	stream.linear.gather @!p4 [hbm4b:s1+s8], $0x80, $0x38;
	[tilespmem:$0x1B980] =	vst v63  }
0x1ef: {  	s1 =	simm.s32 $0x200;
	s8 =	sadd.s32 $0x20, s26  }
.LBB2_26:
0x1f0: {  	s9 =	sadd.s32 $0xFFFFFFE0, s8;
	s15 =	smov.u32 s1;
	s1 =	sadd.s32 $0x200, s1  }
0x1f1: {  	[spmem:s13] =	stream.indirect.scatter.add.f32 [tilespmem:s5], [sflag:$0x6], $0x80, s31, s2, $0xb8;
	[tilespmem:$0x1B980] =	vst v63  }
0x1f2: {  	p6 =	sgt.u32 s9, $0x4E1;
	p5 =	sne.s32 s1, $0x4E00;
	_ =	swait.ge [sflag:s6], $0x80  }
0x1f3: {  	s9 =	simm.s32 @!p6 $0x6;
	[sflag:s6] =	ssyncset.done $0x0  }
0x1f4: {  	[sflag:s6] =	ssyncadd.s32 $0xFFFFFF80  }
0x1f5: {  	_ =	swait.ge @!p6 [sflag:s9], $0x4000  }
0x1f6: {  	s17 =	sadd.s32 s15, s25;
	[sflag:s9] =	ssyncset.done @!p6 $0x0  }
0x1f7: {  	[sflag:s9] =	ssyncadd.s32 @!p6 $0xFFFFC000  }
0x1f8: {  	[tilespmem:s31], [sflag:$0x4] =	stream.linear.gather [hbm4b:s17+s5], $0x80, $0x38;
	[tilespmem:$0x1B980] =	vst v63  }
0x1f9: {  	_ = 	snop  }
0x1fa: {  	[spmem:s13] =	stream.indirect.scatter.add.f32 [tilespmem:s5], [sflag:$0x5], $0x80, s29, s2, $0xb8;
	[tilespmem:$0x1B980] =	vst v63  }
0x1fb: {  	_ =	swait.ge [sflag:s4], $0x80  }
0x1fc: {  	[sflag:s4] =	ssyncset.done $0x0  }
.Ltmp19:
0x1fd: {  	[sflag:s4] =	ssyncadd.s32 $0xFFFFFF80;
	(pc) =	sbr.rel @p5 .LBB2_26-.Ltmp19, $4  }
0x1fe: {  	p6 =	sgt.u32 s8, $0x4D1;
	_ =	swait.ge [sflag:s14], $0x4000  }
0x1ff: {  	s9 =	sadd.s32 @!p6 s15, s7;
	s15 =	simm.s32 @!p6 $0x0;
	[sflag:s14] =	ssyncset.done $0x0  }
0x200: {  	s8 =	sadd.s32 $0x20, s8;
	s17 =	simm.s32 @!p6 $0x8000;
	[sflag:s14] =	ssyncadd.s32 $0xFFFFC000  }
0x201: {  	[tilespmem:s17], [sflag:$0x3] =	stream.linear.gather @!p6 [hbm4b:s9+s15], $0x80, $0x38;
	[tilespmem:$0x1B980] =	vst v63  }
0x202: {  	[spmem:s13] =	stream.indirect.scatter.add.f32 [tilespmem:s5], [sflag:$0x6], $0x80, s31, s2, $0xb8;
	[tilespmem:$0x1B980] =	vst v63  }
0x203: {  	s1 =	simm.s32 @p0 $0x3  }
0x204: {  	_ =	swait.ge @p0 [sflag:s1], $0x80  }
0x205: {  	[sflag:s1] =	ssyncset.done @p0 $0x0  }
0x206: {  	[sflag:s1] =	ssyncadd.s32 @p0 $0xFFFFFF80;
	s1 =	simm.s32 @p0 $0x6  }
0x207: {  	_ =	swait.ge @p0 [sflag:s1], $0x4000  }
0x208: {  	s8 =	simm.s32 @p0 $0x8000;
	[sflag:s1] =	ssyncset.done @p0 $0x0  }
0x209: {  	s9 =	simm.s32 @p0 $0x0;
	[sflag:s1] =	ssyncadd.s32 @p0 $0xFFFFC000;
	s1 =	simm.s32 @p0 $0x80  }
0x20a: {  	[spmem:s13] =	stream.indirect.scatter.add.f32 @p0 [tilespmem:s9], [sflag:$0x5], $0x80, s8, s1, $0xb8;
	[tilespmem:$0x1B980] =	vst v63  }
0x20b: {  	s1 =	simm.s32 @!p0 $0x6  }
0x20c: {  	_ =	swait.ge @!p0 [sflag:s1], $0x4000  }
0x20d: {  	[sflag:s1] =	ssyncset.done @!p0 $0x0  }
0x20e: {  	[sflag:s1] =	ssyncadd.s32 @!p0 $0xFFFFC000;
	s1 =	simm.s32 @!p1 $0x5  }
0x20f: {  	_ =	swait.ge @!p1 [sflag:s1], $0x4000  }
0x210: {  	[sflag:s1] =	ssyncset.done @!p1 $0x0  }
0x211: {  	[sflag:s1] =	ssyncadd.s32 @!p1 $0xFFFFC000  }
0x212: {  	[bflag:$0x0] =	sbarrier.arrive $0xFFFF  }
0x213: {  	s17 =	sld [smem:$0x7FD];
	_ =	sdelay $0x2  }
0x214: {  	[tilespmem:s30], [sflag:$0x8] =	stream.linear.gather [spmem:s17], $0x2800, $0x38;
	[tilespmem:$0x1B980] =	vst v63  }
0x215: {  	_ =	swait.ge [sflag:s16], $0x2800  }
0x216: {  	[sflag:s16] =	ssyncset.done $0x0  }
0x217: {  	s19 =	rddreg [dreg:$0x17];
	[sflag:s16] =	ssyncadd.s32 $0xFFFFD800  }
0x218: {  	[hbm4b:s19+s5] =	stream.linear.scatter [tilespmem:s30], [sflag:$0x7], $0x2800, $0x38;
	[tilespmem:$0x1B980] =	vst v63  }
0x219: {  	_ =	swait.ge [sflag:s28], $0x2800  }
0x21a: {  	s8 =	sld [smem:$0x7F9]  }
0x21b: {  	[sflag:s28] =	ssyncset.done $0x0  }
0x21c: {  	[sflag:s28] =	ssyncadd.s32 $0xFFFFD800  }
0x21d: {  	[tilespmem:s30], [sflag:$0x8] =	stream.linear.gather [spmem:s8], $0x2800, $0x38;
	[tilespmem:$0x1B980] =	vst v63  }
0x21e: {  	_ =	swait.ge [sflag:s16], $0x2800  }
0x21f: {  	[sflag:s16] =	ssyncset.done $0x0  }
0x220: {  	s9 =	rddreg [dreg:$0x18];
	[sflag:s16] =	ssyncadd.s32 $0xFFFFD800  }
0x221: {  	[hbm4b:s9+s5] =	stream.linear.scatter [tilespmem:s30], [sflag:$0x7], $0x2800, $0x38;
	[tilespmem:$0x1B980] =	vst v63  }
0x222: {  	_ =	swait.ge [sflag:s28], $0x2800  }
0x223: {  	s15 =	sld [smem:$0x7FA]  }
0x224: {  	[sflag:s28] =	ssyncset.done $0x0  }
0x225: {  	[sflag:s28] =	ssyncadd.s32 $0xFFFFD800  }
0x226: {  	[tilespmem:s30], [sflag:$0x8] =	stream.linear.gather [spmem:s15], $0x2800, $0x38;
	[tilespmem:$0x1B980] =	vst v63  }
0x227: {  	_ =	swait.ge [sflag:s16], $0x2800  }
0x228: {  	[sflag:s16] =	ssyncset.done $0x0  }
0x229: {  	s18 =	rddreg [dreg:$0x19];
	[sflag:s16] =	ssyncadd.s32 $0xFFFFD800  }
0x22a: {  	[hbm4b:s18+s5] =	stream.linear.scatter [tilespmem:s30], [sflag:$0x7], $0x2800, $0x38;
	[tilespmem:$0x1B980] =	vst v63  }
0x22b: {  	_ =	swait.ge [sflag:s28], $0x2800  }
0x22c: {  	[sflag:s28] =	ssyncset.done $0x0  }
0x22d: {  	[sflag:s28] =	ssyncadd.s32 $0xFFFFD800  }
0x22e: {  	[tilespmem:s30], [sflag:$0x8] =	stream.linear.gather [spmem:s20], $0x2800, $0x38;
	[tilespmem:$0x1B980] =	vst v63  }
0x22f: {  	_ =	swait.ge [sflag:s16], $0x2800  }
0x230: {  	[sflag:s16] =	ssyncset.done $0x0  }
0x231: {  	s19 =	rddreg [dreg:$0x1a];
	[sflag:s16] =	ssyncadd.s32 $0xFFFFD800  }
0x232: {  	[hbm4b:s19+s5] =	stream.linear.scatter [tilespmem:s30], [sflag:$0x7], $0x2800, $0x38;
	[tilespmem:$0x1B980] =	vst v63  }
0x233: {  	_ =	swait.ge [sflag:s28], $0x2800  }
0x234: {  	[sflag:s28] =	ssyncset.done $0x0  }
0x235: {  	[sflag:s28] =	ssyncadd.s32 $0xFFFFD800  }
0x236: {  	[tilespmem:s30], [sflag:$0x8] =	stream.linear.gather [spmem:s21], $0x2800, $0x38;
	[tilespmem:$0x1B980] =	vst v63  }
0x237: {  	_ =	swait.ge [sflag:s16], $0x2800  }
0x238: {  	[sflag:s16] =	ssyncset.done $0x0  }
0x239: {  	s8 =	rddreg [dreg:$0x1b];
	[sflag:s16] =	ssyncadd.s32 $0xFFFFD800  }
0x23a: {  	[hbm4b:s8+s5] =	stream.linear.scatter [tilespmem:s30], [sflag:$0x7], $0x2800, $0x38;
	[tilespmem:$0x1B980] =	vst v63  }
0x23b: {  	_ =	swait.ge [sflag:s28], $0x2800  }
0x23c: {  	[sflag:s28] =	ssyncset.done $0x0  }
0x23d: {  	[sflag:s28] =	ssyncadd.s32 $0xFFFFD800  }
0x23e: {  	[tilespmem:s30], [sflag:$0x8] =	stream.linear.gather [spmem:s22], $0x2800, $0x38;
	[tilespmem:$0x1B980] =	vst v63  }
0x23f: {  	_ =	swait.ge [sflag:s16], $0x2800  }
0x240: {  	[sflag:s16] =	ssyncset.done $0x0  }
0x241: {  	s9 =	rddreg [dreg:$0x1c];
	[sflag:s16] =	ssyncadd.s32 $0xFFFFD800  }
0x242: {  	[hbm4b:s9+s5] =	stream.linear.scatter [tilespmem:s30], [sflag:$0x7], $0x2800, $0x38;
	[tilespmem:$0x1B980] =	vst v63  }
0x243: {  	_ =	swait.ge [sflag:s28], $0x2800  }
0x244: {  	[sflag:s28] =	ssyncset.done $0x0  }
0x245: {  	[sflag:s28] =	ssyncadd.s32 $0xFFFFD800  }
0x246: {  	[tilespmem:s30], [sflag:$0x8] =	stream.linear.gather [spmem:s23], $0x2800, $0x38;
	[tilespmem:$0x1B980] =	vst v63  }
0x247: {  	_ =	swait.ge [sflag:s16], $0x2800  }
0x248: {  	[sflag:s16] =	ssyncset.done $0x0  }
0x249: {  	s15 =	rddreg [dreg:$0x1d];
	[sflag:s16] =	ssyncadd.s32 $0xFFFFD800  }
0x24a: {  	[hbm4b:s15+s5] =	stream.linear.scatter [tilespmem:s30], [sflag:$0x7], $0x2800, $0x38;
	[tilespmem:$0x1B980] =	vst v63  }
0x24b: {  	_ =	swait.ge [sflag:s28], $0x2800  }
0x24c: {  	[sflag:s28] =	ssyncset.done $0x0  }
0x24d: {  	s1 =	simm.s32 @!p2 $0x4000;
	s8 =	simm.s32 @!p2 $0x8;
	[sflag:s28] =	ssyncadd.s32 $0xFFFFD800  }
0x24e: {  	[tilespmem:s1], [sflag:$0x8] =	stream.linear.gather @!p2 [spmem:s24], $0x2800, $0x38;
	[tilespmem:$0x1B980] =	vst v63  }
0x24f: {  	_ =	swait.ge @!p2 [sflag:s8], $0x2800  }
0x250: {  	[sflag:s8] =	ssyncset.done @!p2 $0x0  }
0x251: {  	s9 =	rddreg [dreg:$0x1e];
	[sflag:s8] =	ssyncadd.s32 @!p2 $0xFFFFD800;
	s8 =	simm.s32 @!p2 $0x0  }
0x252: {  	[hbm4b:s9+s8] =	stream.linear.scatter @!p2 [tilespmem:s1], [sflag:$0x7], $0x2800, $0x38;
	[tilespmem:$0x1B980] =	vst v63  }
0x253: {  	s8 =	simm.s32 @!p2 $0x7  }
0x254: {  	s1 =	simm.s32 $0x0;
	_ =	swait.ge @!p2 [sflag:s8], $0x2800  }
0x255: {  	s18 =	sand.u32 $0xFE00, s1;
	[sflag:s8] =	ssyncset.done @!p2 $0x0  }
0x256: {  	s19 =	sand.u32 $0x70, s1;
	s9 =	sshrl.u32 s18, $0x2;
	[sflag:s8] =	ssyncadd.s32 @!p2 $0xFFFFD800  }
0x257: {  	s9 =	sor.u32 s19, s9;
	s8 =	simm.s32 $0x40;
	[bflag:$0x0] =	sbarrier.arrive $0xFFFF  }
.LBB2_28:
0x258: {  	p5 =	sne.s32 s8, $0x9FC0  }
0x259: {  	[tilespmem:s9+$0x4000] =	vst v0;
	s1 =	sadd.s32 $0x10, s1;
	s9 =	smov.u32 s8;
	s8 =	sadd.s32 $0x40, s8  }
.Ltmp20:
0x25a: {  	(pc) =	sbr.rel @p5 .LBB2_28-.Ltmp20, $4  }
0x25b: {  	_ = 	snop  }
0x25c: {  	s9 =	sand.u32 $0xFE00, s9  }
0x25d: {  	s15 =	sand.u32 $0x70, s1;
	s9 =	sshrl.u32 s9, $0x2  }
0x25e: {  	s9 =	sor.u32 s15, s9  }
0x25f: {  	[tilespmem:s9+$0x4000] =	vst v0  }
0x260: {  	[spmem:s17] =	stream.linear.scatter [tilespmem:s30], [sflag:$0x7], $0x2800, $0x38;
	[tilespmem:$0x1B980] =	vst v63  }
0x261: {  	_ =	swait.ge [sflag:s28], $0x2800  }
0x262: {  	s1 =	sld [smem:$0x7F9]  }
0x263: {  	[sflag:s28] =	ssyncset.done $0x0  }
0x264: {  	[sflag:s28] =	ssyncadd.s32 $0xFFFFD800  }
0x265: {  	[spmem:s1] =	stream.linear.scatter [tilespmem:s30], [sflag:$0x7], $0x2800, $0x38;
	[tilespmem:$0x1B980] =	vst v63  }
0x266: {  	_ =	swait.ge [sflag:s28], $0x2800  }
0x267: {  	s17 =	sld [smem:$0x7FA]  }
0x268: {  	[sflag:s28] =	ssyncset.done $0x0  }
0x269: {  	[sflag:s28] =	ssyncadd.s32 $0xFFFFD800  }
0x26a: {  	[spmem:s17] =	stream.linear.scatter [tilespmem:s30], [sflag:$0x7], $0x2800, $0x38;
	[tilespmem:$0x1B980] =	vst v63  }
0x26b: {  	_ =	swait.ge [sflag:s28], $0x2800  }
0x26c: {  	[sflag:s28] =	ssyncset.done $0x0  }
0x26d: {  	[sflag:s28] =	ssyncadd.s32 $0xFFFFD800  }
0x26e: {  	[spmem:s20] =	stream.linear.scatter [tilespmem:s30], [sflag:$0x7], $0x2800, $0x38;
	[tilespmem:$0x1B980] =	vst v63  }
0x26f: {  	_ =	swait.ge [sflag:s28], $0x2800  }
0x270: {  	[sflag:s28] =	ssyncset.done $0x0  }
0x271: {  	[sflag:s28] =	ssyncadd.s32 $0xFFFFD800  }
0x272: {  	[spmem:s21] =	stream.linear.scatter [tilespmem:s30], [sflag:$0x7], $0x2800, $0x38;
	[tilespmem:$0x1B980] =	vst v63  }
0x273: {  	_ =	swait.ge [sflag:s28], $0x2800  }
0x274: {  	[sflag:s28] =	ssyncset.done $0x0  }
0x275: {  	[sflag:s28] =	ssyncadd.s32 $0xFFFFD800  }
0x276: {  	[spmem:s22] =	stream.linear.scatter [tilespmem:s30], [sflag:$0x7], $0x2800, $0x38;
	[tilespmem:$0x1B980] =	vst v63  }
0x277: {  	_ =	swait.ge [sflag:s28], $0x2800  }
0x278: {  	[sflag:s28] =	ssyncset.done $0x0  }
0x279: {  	[sflag:s28] =	ssyncadd.s32 $0xFFFFD800  }
0x27a: {  	[spmem:s23] =	stream.linear.scatter [tilespmem:s30], [sflag:$0x7], $0x2800, $0x38;
	[tilespmem:$0x1B980] =	vst v63  }
0x27b: {  	_ =	swait.ge [sflag:s28], $0x2800  }
0x27c: {  	[sflag:s28] =	ssyncset.done $0x0  }
0x27d: {  	s1 =	simm.s32 @!p2 $0x4000;
	[sflag:s28] =	ssyncadd.s32 $0xFFFFD800  }
0x27e: {  	[spmem:s24] =	stream.linear.scatter @!p2 [tilespmem:s1], [sflag:$0x7], $0x2800, $0x38;
	[tilespmem:$0x1B980] =	vst v63  }
0x27f: {  	s1 =	simm.s32 @!p2 $0x7  }
0x280: {  	_ =	swait.ge @!p2 [sflag:s1], $0x2800  }
0x281: {  	[sflag:s1] =	ssyncset.done @!p2 $0x0  }
0x282: {  	[sflag:s1] =	ssyncadd.s32 @!p2 $0xFFFFD800  }
0x283: {  	[bflag:$0x0] =	sbarrier.arrive $0xFFFF  }
0x284: {  	s8 =	sld [smem:$0x7F5];
	_ =	sdelay $0x1  }
0x285: {  	s18 =	simm.s32 $0x0  }
0x286: {  	[tilespmem:s29], [sflag:$0x3] =	stream.linear.gather [hbm4b:s8+s18], $0x80, $0x38;
	[tilespmem:$0x1B980] =	vst v63  }
0x287: {  	_ =	swait.ge [sflag:s6], $0x80  }
0x288: {  	[sflag:s6] =	ssyncset.done $0x0  }
0x289: {  	s1 =	simm.s32 @!p3 $0x6;
	[sflag:s6] =	ssyncadd.s32 $0xFFFFFF80  }
0x28a: {  	_ =	swait.ge @!p3 [sflag:s1], $0x4000  }
0x28b: {  	[sflag:s1] =	ssyncset.done @!p3 $0x0  }
0x28c: {  	s19 =	sadd.s32 $0x0, s11;
	[sflag:s1] =	ssyncadd.s32 @!p3 $0xFFFFC000  }
0x28d: {  	[tilespmem:s31], [sflag:$0x4] =	stream.linear.gather [hbm4b:s19+s5], $0x80, $0x38;
	[tilespmem:$0x1B980] =	vst v63  }
0x28e: {  	_ = 	snop  }
0x28f: {  	[spmem:s13] =	stream.indirect.scatter.add.f32 [tilespmem:s5], [sflag:$0x5], $0x80, s29, s2, $0xb8;
	[tilespmem:$0x1B980] =	vst v63  }
0x290: {  	_ =	swait.ge [sflag:s4], $0x80  }
0x291: {  	[sflag:s4] =	ssyncset.done $0x0  }
0x292: {  	[sflag:s4] =	ssyncadd.s32 $0xFFFFFF80  }
0x293: {  	_ =	swait.ge [sflag:s14], $0x4000  }
0x294: {  	s9 =	simm.s32 @!p4 $0x8000;
	[sflag:s14] =	ssyncset.done $0x0  }
0x295: {  	s8 =	simm.s32 @!p4 $0x0;
	s1 =	sadd.s32 @!p4 $0x0, s10;
	[sflag:s14] =	ssyncadd.s32 $0xFFFFC000  }
0x296: {  	[tilespmem:s9], [sflag:$0x3] =	stream.linear.gather @!p4 [hbm4b:s1+s8], $0x80, $0x38;
	[tilespmem:$0x1B980] =	vst v63  }
0x297: {  	s1 =	simm.s32 $0x200;
	s8 =	sadd.s32 $0x20, s26  }
.LBB2_30:
0x298: {  	s9 =	sadd.s32 $0xFFFFFFE0, s8;
	s15 =	smov.u32 s1;
	s1 =	sadd.s32 $0x200, s1  }
0x299: {  	[spmem:s13] =	stream.indirect.scatter.add.f32 [tilespmem:s5], [sflag:$0x6], $0x80, s31, s2, $0xb8;
	[tilespmem:$0x1B980] =	vst v63  }
0x29a: {  	p4 =	sgt.u32 s9, $0x4E1;
	p3 =	sne.s32 s1, $0x4E00;
	_ =	swait.ge [sflag:s6], $0x80  }
0x29b: {  	s9 =	simm.s32 @!p4 $0x6;
	[sflag:s6] =	ssyncset.done $0x0  }
0x29c: {  	[sflag:s6] =	ssyncadd.s32 $0xFFFFFF80  }
0x29d: {  	_ =	swait.ge @!p4 [sflag:s9], $0x4000  }
0x29e: {  	s17 =	sadd.s32 s15, s11;
	[sflag:s9] =	ssyncset.done @!p4 $0x0  }
0x29f: {  	[sflag:s9] =	ssyncadd.s32 @!p4 $0xFFFFC000  }
0x2a0: {  	[tilespmem:s31], [sflag:$0x4] =	stream.linear.gather [hbm4b:s17+s5], $0x80, $0x38;
	[tilespmem:$0x1B980] =	vst v63  }
0x2a1: {  	_ = 	snop  }
0x2a2: {  	[spmem:s13] =	stream.indirect.scatter.add.f32 [tilespmem:s5], [sflag:$0x5], $0x80, s29, s2, $0xb8;
	[tilespmem:$0x1B980] =	vst v63  }
0x2a3: {  	_ =	swait.ge [sflag:s4], $0x80  }
0x2a4: {  	[sflag:s4] =	ssyncset.done $0x0  }
.Ltmp21:
0x2a5: {  	[sflag:s4] =	ssyncadd.s32 $0xFFFFFF80;
	(pc) =	sbr.rel @p3 .LBB2_30-.Ltmp21, $4  }
0x2a6: {  	p4 =	sgt.u32 s8, $0x4D1;
	_ =	swait.ge [sflag:s14], $0x4000  }
0x2a7: {  	s9 =	sadd.s32 @!p4 s15, s10;
	s15 =	simm.s32 @!p4 $0x0;
	[sflag:s14] =	ssyncset.done $0x0  }
0x2a8: {  	s8 =	sadd.s32 $0x20, s8;
	s17 =	simm.s32 @!p4 $0x8000;
	[sflag:s14] =	ssyncadd.s32 $0xFFFFC000  }
0x2a9: {  	[tilespmem:s17], [sflag:$0x3] =	stream.linear.gather @!p4 [hbm4b:s9+s15], $0x80, $0x38;
	[tilespmem:$0x1B980] =	vst v63  }
0x2aa: {  	[spmem:s13] =	stream.indirect.scatter.add.f32 [tilespmem:s5], [sflag:$0x6], $0x80, s31, s2, $0xb8;
	[tilespmem:$0x1B980] =	vst v63  }
0x2ab: {  	s1 =	simm.s32 @p0 $0x3  }
0x2ac: {  	_ =	swait.ge @p0 [sflag:s1], $0x80  }
0x2ad: {  	[sflag:s1] =	ssyncset.done @p0 $0x0  }
0x2ae: {  	[sflag:s1] =	ssyncadd.s32 @p0 $0xFFFFFF80;
	s1 =	simm.s32 @p0 $0x6  }
0x2af: {  	_ =	swait.ge @p0 [sflag:s1], $0x4000  }
0x2b0: {  	s8 =	simm.s32 @p0 $0x8000;
	[sflag:s1] =	ssyncset.done @p0 $0x0  }
0x2b1: {  	s9 =	simm.s32 @p0 $0x0;
	[sflag:s1] =	ssyncadd.s32 @p0 $0xFFFFC000;
	s1 =	simm.s32 @p0 $0x80  }
0x2b2: {  	[spmem:s13] =	stream.indirect.scatter.add.f32 @p0 [tilespmem:s9], [sflag:$0x5], $0x80, s8, s1, $0xb8;
	[tilespmem:$0x1B980] =	vst v63  }
0x2b3: {  	s1 =	simm.s32 @!p0 $0x6  }
0x2b4: {  	_ =	swait.ge @!p0 [sflag:s1], $0x4000  }
0x2b5: {  	[sflag:s1] =	ssyncset.done @!p0 $0x0  }
0x2b6: {  	[sflag:s1] =	ssyncadd.s32 @!p0 $0xFFFFC000;
	s1 =	simm.s32 @!p1 $0x5  }
0x2b7: {  	_ =	swait.ge @!p1 [sflag:s1], $0x4000  }
0x2b8: {  	[sflag:s1] =	ssyncset.done @!p1 $0x0  }
0x2b9: {  	[sflag:s1] =	ssyncadd.s32 @!p1 $0xFFFFC000  }
0x2ba: {  	[bflag:$0x0] =	sbarrier.arrive $0xFFFF  }
0x2bb: {  	s17 =	sld [smem:$0x7FD];
	_ =	sdelay $0x2  }
0x2bc: {  	[tilespmem:s30], [sflag:$0x8] =	stream.linear.gather [spmem:s17], $0x2800, $0x38;
	[tilespmem:$0x1B980] =	vst v63  }
0x2bd: {  	_ =	swait.ge [sflag:s16], $0x2800  }
0x2be: {  	[sflag:s16] =	ssyncset.done $0x0  }
0x2bf: {  	s9 =	rddreg [dreg:$0x1f];
	[sflag:s16] =	ssyncadd.s32 $0xFFFFD800  }
0x2c0: {  	[hbm4b:s9+s5] =	stream.linear.scatter [tilespmem:s30], [sflag:$0x7], $0x2800, $0x38;
	[tilespmem:$0x1B980] =	vst v63  }
0x2c1: {  	_ =	swait.ge [sflag:s28], $0x2800  }
0x2c2: {  	s15 =	sld [smem:$0x7F9]  }
0x2c3: {  	[sflag:s28] =	ssyncset.done $0x0  }
0x2c4: {  	[sflag:s28] =	ssyncadd.s32 $0xFFFFD800  }
0x2c5: {  	[tilespmem:s30], [sflag:$0x8] =	stream.linear.gather [spmem:s15], $0x2800, $0x38;
	[tilespmem:$0x1B980] =	vst v63  }
0x2c6: {  	_ =	swait.ge [sflag:s16], $0x2800  }
0x2c7: {  	s18 =	sld [smem:$0x7ED]  }
0x2c8: {  	[sflag:s16] =	ssyncset.done $0x0  }
0x2c9: {  	[sflag:s16] =	ssyncadd.s32 $0xFFFFD800  }
0x2ca: {  	[hbm4b:s18+s5] =	stream.linear.scatter [tilespmem:s30], [sflag:$0x7], $0x2800, $0x38;
	[tilespmem:$0x1B980] =	vst v63  }
0x2cb: {  	_ =	swait.ge [sflag:s28], $0x2800  }
0x2cc: {  	s19 =	sld [smem:$0x7FA]  }
0x2cd: {  	[sflag:s28] =	ssyncset.done $0x0  }
0x2ce: {  	[sflag:s28] =	ssyncadd.s32 $0xFFFFD800  }
0x2cf: {  	[tilespmem:s30], [sflag:$0x8] =	stream.linear.gather [spmem:s19], $0x2800, $0x38;
	[tilespmem:$0x1B980] =	vst v63  }
0x2d0: {  	_ =	swait.ge [sflag:s16], $0x2800  }
0x2d1: {  	s26 =	sld [smem:$0x7EE]  }
0x2d2: {  	[sflag:s16] =	ssyncset.done $0x0  }
0x2d3: {  	[sflag:s16] =	ssyncadd.s32 $0xFFFFD800  }
0x2d4: {  	[hbm4b:s26+s5] =	stream.linear.scatter [tilespmem:s30], [sflag:$0x7], $0x2800, $0x38;
	[tilespmem:$0x1B980] =	vst v63  }
0x2d5: {  	_ =	swait.ge [sflag:s28], $0x2800  }
0x2d6: {  	[sflag:s28] =	ssyncset.done $0x0  }
0x2d7: {  	[sflag:s28] =	ssyncadd.s32 $0xFFFFD800  }
0x2d8: {  	[tilespmem:s30], [sflag:$0x8] =	stream.linear.gather [spmem:s20], $0x2800, $0x38;
	[tilespmem:$0x1B980] =	vst v63  }
0x2d9: {  	_ =	swait.ge [sflag:s16], $0x2800  }
0x2da: {  	s8 =	sld [smem:$0x7EF]  }
0x2db: {  	[sflag:s16] =	ssyncset.done $0x0  }
0x2dc: {  	[sflag:s16] =	ssyncadd.s32 $0xFFFFD800  }
0x2dd: {  	[hbm4b:s8+s5] =	stream.linear.scatter [tilespmem:s30], [sflag:$0x7], $0x2800, $0x38;
	[tilespmem:$0x1B980] =	vst v63  }
0x2de: {  	_ =	swait.ge [sflag:s28], $0x2800  }
0x2df: {  	[sflag:s28] =	ssyncset.done $0x0  }
0x2e0: {  	[sflag:s28] =	ssyncadd.s32 $0xFFFFD800  }
0x2e1: {  	[tilespmem:s30], [sflag:$0x8] =	stream.linear.gather [spmem:s21], $0x2800, $0x38;
	[tilespmem:$0x1B980] =	vst v63  }
0x2e2: {  	_ =	swait.ge [sflag:s16], $0x2800  }
0x2e3: {  	s9 =	sld [smem:$0x7F0]  }
0x2e4: {  	[sflag:s16] =	ssyncset.done $0x0  }
0x2e5: {  	[sflag:s16] =	ssyncadd.s32 $0xFFFFD800  }
0x2e6: {  	[hbm4b:s9+s5] =	stream.linear.scatter [tilespmem:s30], [sflag:$0x7], $0x2800, $0x38;
	[tilespmem:$0x1B980] =	vst v63  }
0x2e7: {  	_ =	swait.ge [sflag:s28], $0x2800  }
0x2e8: {  	[sflag:s28] =	ssyncset.done $0x0  }
0x2e9: {  	[sflag:s28] =	ssyncadd.s32 $0xFFFFD800  }
0x2ea: {  	[tilespmem:s30], [sflag:$0x8] =	stream.linear.gather [spmem:s22], $0x2800, $0x38;
	[tilespmem:$0x1B980] =	vst v63  }
0x2eb: {  	_ =	swait.ge [sflag:s16], $0x2800  }
0x2ec: {  	s15 =	sld [smem:$0x7F1]  }
0x2ed: {  	[sflag:s16] =	ssyncset.done $0x0  }
0x2ee: {  	[sflag:s16] =	ssyncadd.s32 $0xFFFFD800  }
0x2ef: {  	[hbm4b:s15+s5] =	stream.linear.scatter [tilespmem:s30], [sflag:$0x7], $0x2800, $0x38;
	[tilespmem:$0x1B980] =	vst v63  }
0x2f0: {  	_ =	swait.ge [sflag:s28], $0x2800  }
0x2f1: {  	[sflag:s28] =	ssyncset.done $0x0  }
0x2f2: {  	[sflag:s28] =	ssyncadd.s32 $0xFFFFD800  }
0x2f3: {  	[tilespmem:s30], [sflag:$0x8] =	stream.linear.gather [spmem:s23], $0x2800, $0x38;
	[tilespmem:$0x1B980] =	vst v63  }
0x2f4: {  	_ =	swait.ge [sflag:s16], $0x2800  }
0x2f5: {  	s18 =	sld [smem:$0x7F2]  }
0x2f6: {  	[sflag:s16] =	ssyncset.done $0x0  }
0x2f7: {  	[sflag:s16] =	ssyncadd.s32 $0xFFFFD800  }
0x2f8: {  	[hbm4b:s18+s5] =	stream.linear.scatter [tilespmem:s30], [sflag:$0x7], $0x2800, $0x38;
	[tilespmem:$0x1B980] =	vst v63  }
0x2f9: {  	_ =	swait.ge [sflag:s28], $0x2800  }
0x2fa: {  	[sflag:s28] =	ssyncset.done $0x0  }
0x2fb: {  	s1 =	simm.s32 @!p2 $0x4000;
	s8 =	simm.s32 @!p2 $0x8;
	[sflag:s28] =	ssyncadd.s32 $0xFFFFD800  }
0x2fc: {  	[tilespmem:s1], [sflag:$0x8] =	stream.linear.gather @!p2 [spmem:s24], $0x2800, $0x38;
	[tilespmem:$0x1B980] =	vst v63  }
0x2fd: {  	_ =	swait.ge @!p2 [sflag:s8], $0x2800  }
0x2fe: {  	s9 =	sld [smem:$0x7F3]  }
0x2ff: {  	[sflag:s8] =	ssyncset.done @!p2 $0x0  }
0x300: {  	[sflag:s8] =	ssyncadd.s32 @!p2 $0xFFFFD800;
	s8 =	simm.s32 @!p2 $0x0  }
0x301: {  	[hbm4b:s9+s8] =	stream.linear.scatter @!p2 [tilespmem:s1], [sflag:$0x7], $0x2800, $0x38;
	[tilespmem:$0x1B980] =	vst v63  }
0x302: {  	s1 =	simm.s32 @!p2 $0x7  }
0x303: {  	_ =	swait.ge @!p2 [sflag:s1], $0x2800  }
0x304: {  	s19 =	sld [smem:$0x7EC]  }
0x305: {  	s26 =	sld [smem:$0x7F8];
	_ =	sdelay $0x1  }
0x306: {  	s8 =	sadd.s32 $0x1, s19  }
0x307: {  	p3 =	sne.s32 s8, s26  }
.Ltmp22:
0x308: {  	_ = 	snop;
	(pc) =	sbr.rel @p3 .LBB2_1-.Ltmp22, $3  }
0x309: {  	[sflag:s1] =	ssyncset.done @!p2 $0x0  }
0x30a: {  	[sflag:s1] =	ssyncadd.s32 @!p2 $0xFFFFD800  }
0x30b: {  	[bflag:$0x0] =	sbarrier.arrive $0xFFFF;
	_ =	sdelay $0x1  }
0x30c: {  	_ =	sfence.sel $0x180000  }
0x30d: {  	[bflag:$0x0] =	sbarrier.arrive $0xFFFF  }
0x30e: {  	_ =	strace $0x90000047  }
0x30f: {  	[bflag:$0x2] =	sbarrier.arrive $0xFFFF  }
0x310: {  	p0 =	sne.s32 s0, $0x0;
	s0 =	rddreg [dreg:$0x5]  }
0x311: {  	s0 =	sadd.s32 @!p0 $0x100000, s0  }
0x312: {  	[sflag:s0] =	ssyncadd.tile.s32 @!p0 $0x1;
	_ =	shalt  }
.Lfunc_end2:
_tile_overlayer_lowered:
.L_overlay_start_2:
0x313: {  	(tag) =	ssettag $0x2  }
0x314: {  	s0 =	rddreg [dreg:$0x0];
	s2 =	stileid.u32  }
0x315: {  	s1 =	rddreg [dreg:$0x1];
	p0 =	sne.s32 s2, $0x0  }
0x316: {  	s3 =	rddreg [dreg:$0x2];
	[bflag:$0x3] =	sbarrier.arrive $0xFFFF;
	s2 =	simm.s32 @!p0 $0x1C07  }
0x317: {  	[timem:s3], [sflag:s2] =	dma.local @!p0 [hbm:s0], s1  }
0x318: {  	s0 =	simm.s32 @!p0 $0x7  }
0x319: {  	_ =	swait.ge @!p0 [sflag:s0], s1  }
0x31a: {  	s1 =	ssub.s32 @!p0 $0x0, s1;
	[sflag:s0] =	ssyncset.done @!p0 $0x0  }
0x31b: {  	[sflag:s0] =	ssyncadd.s32 @!p0 s1  }
0x31c: {  	[bflag:$0x3] =	sbarrier.arrive $0xFFFF  }
0x31d: {  	_ =	shalt  }

// kernel: kernel.9.cloned.1.call-start
scs
__scs_entry_jumppad:
0x0: {  	(pc) =	sbr.rel $0x88, $3  }
0x1: {  	(tag) =	ssettag $0x0;
	lr =	simm.s32 $0x1  }
0x2: {  	[smem:$0x3F95] =	sst lr;
	_ =	strace $0xD0000000  }
0x3: {  	_ = 	snop  }
0x4: {  	_ = 	snop  }
0x5: {  	_ = 	snop  }
0x6: {  	_ = 	snop  }
0x7: {  	_ = 	snop  }
__scs_overlays_trampoline_lowered:
0x8: {  	[smem:$0x3FA4] =	sst s0  }
0x9: {  	[smem:$0x3FA5] =	sst s1  }
0xa: {  	[smem:$0x3FA6] =	sst s2  }
0xb: {  	[smem:$0x3FA7] =	sst s3  }
0xc: {  	[smem:$0x3FA8] =	sst s4  }
0xd: {  	[smem:$0x3FA9] =	sst s5  }
0xe: {  	[smem:$0x3FAA] =	sst s6  }
0xf: {  	[smem:$0x3FAB] =	sst s7  }
0x10: {  	[smem:$0x3FAC] =	sst s8  }
0x11: {  	[smem:$0x3FAD] =	sst s9;
	s0 =	simm.s32 @!p0 $0x0  }
0x12: {  	s1 =	sld [smem:$0x3F93];
	s0 =	simm.s32 @p0 $0x1  }
0x13: {  	[smem:$0x3FAE] =	sst s0;
	s0 =	simm.s32 @!p1 $0x0  }
0x14: {  	s2 =	sld [smem:$0x3F92];
	s0 =	simm.s32 @p1 $0x1  }
0x15: {  	[smem:$0x3FAF] =	sst s0;
	s0 =	simm.s32 @!p2 $0x0  }
0x16: {  	s3 =	sld [smem:$0x3FDB];
	s0 =	simm.s32 @p2 $0x1  }
0x17: {  	s4 =	simm.s32 $0x1BF5;
	[smem:$0x3FB1] =	sst s0  }
0x18: {  	s0 =	sld [smem:$0x3F94];
	_ =	swait.ge [sflag:s4], $0x0  }
0x19: {  	s7 =	sld [smem:$0x3F95]  }
0x1a: {  	s8 =	sadd.s32 $0xFFFFE003, lr  }
0x1b: {  	s9 =	sadd.s32 $0xFFFFFEF7, lr;
	s5 =	simm.s32 $0xFFFFFFFF;
	p2 =	slt.u32 s8, $0xFFFFF086  }
0x1c: {  	p1 =	slt.u32 s9, $0xF7A;
	s5 =	simm.s32 @!p2 $0x0  }
0x1d: {  	s5 =	simm.s32 @p1 $0x1;
	p0 =	seq.s32 s7, s2  }
0x1e: {  	s7 =	smul.u32 @!p0 $0xF7A, s2;
	p2 =	seq.s32 @!p0 s5, $0x0  }
0x1f: {  	s9 =	smul.u32 $0xF7A, s1;
	s8 =	simm.s32 @!p0 $0x1BF5;
	p2 =	por !p2, p0  }
0x20: {  	[sflag:s8] =	ssyncset.s32 @!p0 $0xFFFFF086;
	s6 =	sadd.s32 @!p0 s3, s7;
	s7 =	simm.s32 @!p0 $0x108  }
0x21: {  	s3 =	sadd.s32 s3, s9;
	s6 =	sadd.s32 @!p0 $0x88, s6;
	s7 =	simm.s32 @p2 $0x1082  }
0x22: {  	[simem:s7], [sflag:s8] =	dma.local @!p0 [hbm:s6], $0xF7A  }
0x23: {  	s9 =	sor.u32 $0xD0000000, s2;
	s6 =	simm.s32 $0x108;
	_ =	swait.ge @!p0 [sflag:s8], $0x0  }
0x24: {  	s3 =	sadd.s32 $0x88, s3;
	s6 =	simm.s32 @!p1 $0x1082;
	[sflag:s4] =	ssyncset.s32 $0xFFFFF086  }
0x25: {  	[simem:s6], [sflag:s4] =	dma.local [hbm:s3], $0xF7A  }
0x26: {  	[smem:$0x3F95] =	sst s1;
	(tag) =	ssettag s2;
	_ =	strace s9  }
0x27: {  	s1 =	sld [smem:$0x3FA5]  }
0x28: {  	s2 =	sld [smem:$0x3FA6]  }
0x29: {  	s4 =	sld [smem:$0x3FA8]  }
0x2a: {  	p0 =	seq.s32 s5, $0x0;
	s5 =	sld [smem:$0x3FA9]  }
0x2b: {  	s6 =	sld [smem:$0x3FAA]  }
0x2c: {  	s7 =	sld [smem:$0x3FAB]  }
0x2d: {  	s3 =	simm.s32 $0x108;
	s8 =	sld [smem:$0x3FAC]  }
0x2e: {  	s3 =	simm.s32 @!p0 $0x1082;
	s9 =	sld [smem:$0x3FAD]  }
0x2f: {  	lr =	sadd.s32 s0, s3;
	s0 =	sld [smem:$0x3FA4]  }
0x30: {  	s3 =	sld [smem:$0x3FA7]  }
0x31: {  	[smem:$0x3FB0] =	sst s10  }
0x32: {  	s10 =	sld [smem:$0x3FAE];
	_ =	sdelay $0x3  }
0x33: {  	p0 =	seq.s32 s10, $0x1;
	s10 =	sld [smem:$0x3FB0];
	_ =	sdelay $0x3  }
0x34: {  	[smem:$0x3FB0] =	sst s10  }
0x35: {  	s10 =	sld [smem:$0x3FAF];
	_ =	sdelay $0x3  }
0x36: {  	p1 =	seq.s32 s10, $0x1;
	s10 =	sld [smem:$0x3FB0];
	_ =	sdelay $0x3  }
0x37: {  	[smem:$0x3FB0] =	sst s10  }
0x38: {  	s10 =	sld [smem:$0x3FB1]  }
0x39: {  	_ = 	snop;
	(pc) =	sbr.ind lr, $3  }
0x3a: {  	_ = 	snop  }
0x3b: {  	_ = 	snop  }
0x3c: {  	p2 =	seq.s32 s10, $0x1;
	s10 =	sld [smem:$0x3FB0]  }
0x3d: {  	_ =	shalt  }
0x3e: {  	_ =	shalt  }
0x3f: {  	_ =	shalt  }
0x40: {  	_ =	shalt  }
0x41: {  	_ =	shalt  }
0x42: {  	_ =	shalt  }
0x43: {  	_ =	shalt  }
0x44: {  	_ =	shalt  }
0x45: {  	_ =	shalt  }
0x46: {  	_ =	shalt  }
0x47: {  	_ =	shalt  }
0x48: {  	_ =	shalt  }
0x49: {  	_ =	shalt  }
0x4a: {  	_ =	shalt  }
0x4b: {  	_ =	shalt  }
0x4c: {  	_ =	shalt  }
0x4d: {  	_ =	shalt  }
0x4e: {  	_ =	shalt  }
0x4f: {  	_ =	shalt  }
0x50: {  	_ =	shalt  }
0x51: {  	_ =	shalt  }
0x52: {  	_ =	shalt  }
0x53: {  	_ =	shalt  }
0x54: {  	_ =	shalt  }
0x55: {  	_ =	shalt  }
0x56: {  	_ =	shalt  }
0x57: {  	_ =	shalt  }
0x58: {  	_ =	shalt  }
0x59: {  	_ =	shalt  }
0x5a: {  	_ =	shalt  }
0x5b: {  	_ =	shalt  }
0x5c: {  	_ =	shalt  }
0x5d: {  	_ =	shalt  }
0x5e: {  	_ =	shalt  }
0x5f: {  	_ =	shalt  }
0x60: {  	_ =	shalt  }
0x61: {  	_ =	shalt  }
0x62: {  	_ =	shalt  }
0x63: {  	_ =	shalt  }
0x64: {  	_ =	shalt  }
0x65: {  	_ =	shalt  }
0x66: {  	_ =	shalt  }
0x67: {  	_ =	shalt  }
0x68: {  	_ =	shalt  }
0x69: {  	_ =	shalt  }
0x6a: {  	_ =	shalt  }
0x6b: {  	_ =	shalt  }
0x6c: {  	_ =	shalt  }
0x6d: {  	_ =	shalt  }
0x6e: {  	_ =	shalt  }
0x6f: {  	_ =	shalt  }
0x70: {  	_ =	shalt  }
0x71: {  	_ =	shalt  }
0x72: {  	_ =	shalt  }
0x73: {  	_ =	shalt  }
0x74: {  	_ =	shalt  }
0x75: {  	_ =	shalt  }
0x76: {  	_ =	shalt  }
0x77: {  	_ =	shalt  }
0x78: {  	_ =	shalt  }
0x79: {  	_ =	shalt  }
0x7a: {  	_ =	shalt  }
0x7b: {  	_ =	shalt  }
0x7c: {  	_ =	shalt  }
0x7d: {  	_ =	shalt  }
0x7e: {  	_ =	shalt  }
0x7f: {  	_ =	shalt  }
0x80: {  	_ =	shalt  }
0x81: {  	_ =	shalt  }
0x82: {  	_ =	shalt  }
0x83: {  	_ =	shalt  }
0x84: {  	_ =	shalt  }
0x85: {  	_ =	shalt  }
0x86: {  	_ =	shalt  }
0x87: {  	_ =	shalt  }
.Lfunc_end0:
.L_simem_size_0:
called_computation.1_lowered:
.L_overlay_start_0:
0x88: {  	s2 =	sld [smem:$0x3FD9]  }
0x89: {  	s3 =	sld [smem:$0x3FFE];
	_ =	sdelay $0x1  }
0x8a: {  	s1 =	srdreg.scid  }
0x8b: {  	s0 =	sand.u32 $0x1, s1  }
0x8c: {  	s14 =	sshll.u32 s0, $0xA;
	s2 =	sadd.s32 s3, s2  }
0x8d: {  	s2 =	sadd.s32 s2, s14  }
0x8e: {  	[smem:$0x3FBC] =	sst s2  }
0x8f: {  	_ = 	snop  }
0x90: {  	s2 =	sld [smem:$0x3FD0];
	_ =	sdelay $0x2  }
0x91: {  	s15 =	simm.s32 $0xA;
	s4 =	simm.s32 $0x10  }
0x92: {  	[smem:s4], [sflag:s15] =	dma.local [hbm:s2], $0x1  }
0x93: {  	_ =	swait.eq [sflag:s15], $0x1  }
0x94: {  	[sflag:s15] =	ssyncset.done $0x0  }
0x95: {  	[sflag:s15] =	ssyncadd.s32 $0xFFFFFFFF  }
0x96: {  	s16 =	sld [smem:$0x11];
	(tm) =	ssettm $0x1  }
0x97: {  	s17 =	sld [smem:$0x3FFB];
	_ =	sdelay $0x3  }
0x98: {  	_ =	strace s17  }
0x99: {  	s3 =	sld [smem:$0x3FFC];
	_ =	sdelay $0x3  }
0x9a: {  	_ =	strace s3  }
0x9b: {  	s3 =	sld [smem:$0x3FFD];
	_ =	sdelay $0x3  }
0x9c: {  	_ =	strace s3  }
0x9d: {  	_ =	strace $0x8FFFFFFF  }
0x9e: {  	s18 =	sld [smem:$0x3FDB];
	_ =	sdelay $0x1  }
0x9f: {  	s19 =	simm.s32 $_scs_section_size  }
0xa0: {  	s5 =	simm.s32 $_size__tile_overlayer_lowered;
	s6 =	simm.s32 $_tile_overlayer_lowered  }
0xa1: {  	s22 =	simm.s32 $0x1BFF;
	s21 =	sshll.u32 s6, $0x1;
	s3 =	sadd.s32 s19, s18  }
0xa2: {  	s7 =	simm.s32 $0x0;
	s20 =	sshll.u32 s5, $0x1;
	s5 =	sadd.s32 s21, s3  }
0xa3: {  	[timem:s7], [sflag:s22] =	dma.local [hbm:s5], s20  }
0xa4: {  	_ =	swait.ge [sflag:s22], s20  }
0xa5: {  	s4 =	ssub.s32 $0x0, s20;
	[sflag:s22] =	ssyncset.done $0x0  }
0xa6: {  	[sflag:s22] =	ssyncadd.s32 s4;
	_ =	sdelay $0x1  }
0xa7: {  	s23 =	simm.s32 $0x1B8B  }
0xa8: {  	_ =	swait.ge [sflag:s23], $0x1  }
0xa9: {  	[sflag:s23] =	ssyncset.done $0x0  }
0xaa: {  	s25 =	simm.s32 $0x1B8E;
	s24 =	sld [smem:$0x3FFE];
	[sflag:s23] =	ssyncadd.s32 $0xFFFFFFFF  }
0xab: {  	s26 =	simm.s32 $execute0_lowered;
	[smem:$0x3FD2] =	sst s25  }
0xac: {  	s5 =	sshll.u32 s26, $0x1;
	_ =	strace $0x80000049;
	[dreg:$0x1] =	wrdreg $0xFFFFFFFF  }
0xad: {  	s28 =	simm.s32 $_size_execute0_lowered;
	s3 =	sadd.s32 s3, s5;
	[dreg:$0x0] =	wrdreg $0x0  }
0xae: {  	s5 =	sshll.u32 s28, $0x1;
	[dreg:$0x2] =	wrdreg s3  }
0xaf: {  	[dreg:$0x3] =	wrdreg s5  }
0xb0: {  	[dreg:$0x4] =	wrdreg $0xC0  }
0xb1: {  	_ =	task [dreg:s7], $0x5FFFF  }
0xb2: {  	[dreg:$0x1] =	wrdreg $0xFFFFFFFF  }
0xb3: {  	[dreg:$0x0] =	wrdreg $0x60  }
0xb4: {  	[dreg:$0x2] =	wrdreg s16  }
0xb5: {  	[dreg:$0x3] =	wrdreg s24  }
0xb6: {  	[dreg:$0x4] =	wrdreg $0x9  }
0xb7: {  	_ =	task.clear_ibuf [dreg:s7], $0x5FFFF;
	_ =	strace $0x90000049  }
0xb8: {  	s29 =	simm.s32 $0x9;
	_ =	strace $0x8000004B  }
0xb9: {  	_ =	swait.ge [sflag:s29], $0x1  }
0xba: {  	[sflag:s29] =	ssyncadd.s32 $0xFFFFFFFF  }
0xbb: {  	_ =	strace $0x9000004B  }
0xbc: {  	_ =	sfence  }
0xbd: {  	s30 =	sld [smem:$0x0];
	_ =	sdelay $0x2  }
0xbe: {  	s31 =	sshll.u32 s1, $0xD;
	s1 =	sshrl.u32 s1, $0x2  }
0xbf: {  	s3 =	sand.u32 $0x4000, s31;
	s1 =	sadd.s32 s1, s30  }
0xc0: {  	s0 =	sor.u32 s3, s0;
	s1 =	sshll.u32 s1, $0x11  }
0xc1: {  	s0 =	sor.u32 s1, s0  }
0xc2: {  	s0 =	sadd.s32 $0x8F2B, s0  }
0xc3: {  	[sflag:s0] =	ssyncadd.remote.s32 $0x1  }
0xc4: {  	_ =	sfence.sel $0xFFFF  }
0xc5: {  	[dreg:$0x0] =	wrdreg $0xFFFFFFFF;
	(pc) =	sbr.abs _section_cstart, $3  }
0xc6: {  	[dreg:$0x1] =	wrdreg $0xFFFFFFFF  }
0xc7: {  	_ =	task.clear_ibuf [dreg:s7], $0x2FFFF;
	_ =	strace $0x9FFFFFFF  }
0xc8: {  	(tm) =	ssettm $0x7FFFFFFF  }
0xc9: {  	_ =	shalt  }
tec
execute0_lowered:
.L_overlay_start_1:
0x0: {  	(tag) =	ssettag $0x1  }
0x1: {  	s1 =	rddreg [dreg:$0x0]  }
0x2: {  	s7 =	rddreg [dreg:$0x1]  }
0x3: {  	s0 =	rddreg [dreg:$0x2];
	s4 =	srdreg.scid  }
0x4: {  	s3 =	simm.s32 $0x0;
	s2 =	stileid.u32;
	s14 =	simm.s32 $0x100  }
0x5: {  	s15 =	simm.s32 $0x80;
	s16 =	simm.s32 $0x200;
	s17 =	simm.s32 $0x8200  }
0x6: {  	s18 =	simm.s32 $0x5;
	s19 =	simm.s32 $0x4200;
	s20 =	simm.s32 $0x0  }
0x7: {  	s11 =	sand.u32 $0x1, s4;
	[smem:$0x7FF] =	sst s3;
	s5 =	sshll.u32 s2, $0x7  }
0x8: {  	s4 =	sadd.s32 $0x2C00, s7;
	s10 =	smul.u32 $0x27400, s11;
	_ =	strace $0x8000004A  }
0x9: {  	s6 =	sand.u32 $0x400, s5;
	s12 =	sand.u32 $0x380, s5;
	s8 =	ssub.s32 $0x2, s11  }
.Ltmp0:
0xa: {  	s5 =	sadd.s32 $0x101600, s7;
	s13 =	sshrl.u32 s8, $0x1;
	(pc) =	sbr.rel .LBB2_1-.Ltmp0, $4  }
0xb: {  	s11 =	smul.u32 $0x1388000, s11;
	s6 =	sadd.s32 s10, s6;
	s13 =	ssub.s32 s8, s13  }
0xc: {  	s10 =	sor.u32 s12, s10;
	s9 =	sor.u32 s12, s6;
	s6 =	sadd.s32 $0xF7800, s7  }
0xd: {  	s7 =	sadd.s32 $0x10B400, s7;
	s12 =	smax.u32 s13, $0x1;
	s9 =	sshrl.u32 s9, $0x3  }
0xe: {  	s13 =	simm.s32 $0x7;
	s8 =	sadd.s32 s5, s9;
	s9 =	sadd.s32 s6, s9  }
.LBB2_12:
0xf: {  	s20 =	sadd.s32 $0x1, s20  }
0x10: {  	p0 =	sne.s32 s20, s12  }
.Ltmp1:
0x11: {  	_ = 	snop;
	(pc) =	sbr.rel @!p0 .LBB2_13-.Ltmp1, $1  }
0x12: {  	_ =	sdelay $0x3  }
.LBB2_1:
0x13: {  	[tilespmem:s3], [sflag:$0x7] =	stream.linear.gather [hbm4b:s8+s3], $0x80, $0x38;
	[tilespmem:$0x10200] =	vst v63  }
0x14: {  	_ =	swait.ge [sflag:s13], $0x80  }
0x15: {  	[sflag:s13] =	ssyncset.done $0x0  }
0x16: {  	[sflag:s13] =	ssyncadd.s32 $0xFFFFFF80  }
0x17: {  	[tilespmem:s14], [sflag:$0x7] =	stream.linear.gather [hbm4b:s9+s3], $0x80, $0x38;
	[tilespmem:$0x10200] =	vst v63  }
0x18: {  	_ =	swait.ge [sflag:s13], $0x80  }
.Ltmp2:
0x19: {  	[sflag:s13] =	ssyncset.done $0x0;
	(pc) =	sbr.rel .LBB2_2-.Ltmp2, $4  }
0x1a: {  	[sflag:s13] =	ssyncadd.s32 $0xFFFFFF80  }
0x1b: {  	[tilespmem:s16], [sflag:$0x1] =	stream.indirect.gather [hbm4b:s1+s15], $0x80, s3, s15, $0xb8;
	[tilespmem:$0x10200] =	vst v63  }
0x1c: {  	s21 =	simm.s32 $0x0  }
0x1d: {  	[tilespmem:s17], [sflag:$0x3] =	stream.indirect.gather [hbm4b:s4+s15], $0x80, s14, s15, $0xb8;
	[tilespmem:$0x10200] =	vst v63  }
.LBB2_11:
0x1e: {  	s21 =	sadd.s32 $0x1, s21  }
0x1f: {  	p0 =	sne.s32 s21, $0x28  }
.Ltmp3:
0x20: {  	_ = 	snop;
	(pc) =	sbr.rel @!p0 .LBB2_12-.Ltmp3, $1  }
0x21: {  	_ =	sdelay $0x3  }
.LBB2_2:
0x22: {  	s22 =	sshll.u32 s21, $0x5  }
0x23: {  	s23 =	sor.u32 s2, s22  }
0x24: {  	p1 =	sgt.u32 s23, $0x4E1  }
0x25: {  	s22 =	simm.s32 @!p1 $0x1  }
0x26: {  	_ =	swait.ge @!p1 [sflag:s22], $0x4000  }
0x27: {  	[sflag:s22] =	ssyncset.done @!p1 $0x0  }
0x28: {  	s24 =	simm.s32 @!p1 $0x3;
	[sflag:s22] =	ssyncadd.s32 @!p1 $0xFFFFC000  }
0x29: {  	s25 =	sadd.s32 $0xFFFFFFF0, s23;
	s22 =	sor.u32 $0x10, s23;
	_ =	swait.ge @!p1 [sflag:s24], $0x4000  }
0x2a: {  	p2 =	sgt.u32 s25, $0x4E1;
	p0 =	sgt.u32 s22, $0x4E1;
	[sflag:s24] =	ssyncset.done @!p1 $0x0  }
0x2b: {  	s25 =	sshll.u32 @!p0 s22, $0x7;
	[sflag:s24] =	ssyncadd.s32 @!p1 $0xFFFFC000;
	s24 =	simm.s32 @!p2 $0x6  }
0x2c: {  	s25 =	sand.u32 @!p0 $0x3FC00, s25;
	_ =	swait.ge @!p2 [sflag:s24], $0x4000  }
0x2d: {  	s25 =	sadd.s32 @!p0 s10, s25;
	[sflag:s24] =	ssyncset.done @!p2 $0x0  }
0x2e: {  	[sflag:s24] =	ssyncadd.s32 @!p2 $0xFFFFC000;
	s24 =	sshrl.u32 @!p0 s25, $0x3  }
0x2f: {  	s26 =	simm.s32 @!p0 $0x0;
	s28 =	simm.s32 @!p0 $0x80;
	s25 =	sadd.s32 @!p0 s5, s24  }
0x30: {  	[tilespmem:s28], [sflag:$0x7] =	stream.linear.gather @!p0 [hbm4b:s25+s26], $0x80, $0x38;
	[tilespmem:$0x10200] =	vst v63  }
0x31: {  	s25 =	simm.s32 @!p0 $0x7  }
0x32: {  	_ =	swait.ge @!p0 [sflag:s25], $0x80  }
0x33: {  	[sflag:s25] =	ssyncset.done @!p0 $0x0  }
0x34: {  	s29 =	simm.s32 @!p0 $0x180;
	s24 =	sadd.s32 @!p0 s6, s24;
	[sflag:s25] =	ssyncadd.s32 @!p0 $0xFFFFFF80  }
0x35: {  	[tilespmem:s29], [sflag:$0x7] =	stream.linear.gather @!p0 [hbm4b:s24+s26], $0x80, $0x38;
	[tilespmem:$0x10200] =	vst v63  }
0x36: {  	_ =	swait.ge @!p0 [sflag:s25], $0x80  }
.Ltmp4:
0x37: {  	[sflag:s25] =	ssyncset.done @!p0 $0x0;
	(pc) =	sbr.rel @p1 .LBB2_11-.Ltmp4, $4  }
0x38: {  	s24 =	simm.s32 @!p0 $0x4200;
	[sflag:s25] =	ssyncadd.s32 @!p0 $0xFFFFFF80  }
0x39: {  	[tilespmem:s24], [sflag:$0x2] =	stream.indirect.gather @!p0 [hbm4b:s1+s28], $0x80, s28, s28, $0xb8;
	[tilespmem:$0x10200] =	vst v63  }
0x3a: {  	s24 =	simm.s32 @!p0 $0xC200  }
0x3b: {  	[tilespmem:s24], [sflag:$0x4] =	stream.indirect.gather @!p0 [hbm4b:s4+s28], $0x80, s29, s28, $0xb8;
	[tilespmem:$0x10200] =	vst v63  }
0x3c: {  	s24 =	simm.s32 $0x0  }
0x3d: {  	v7 =	vld [tilespmem:s24+$0x8200]  }
0x3e: {  	v11 =	vld [tilespmem:s24+$0x8210]  }
0x3f: {  	v5 =	vld [tilespmem:s24+$0x8220]  }
0x40: {  	v4 =	vld [tilespmem:s24+$0x8230]  }
0x41: {  	v3 =	vld [tilespmem:s24+$0x8240]  }
0x42: {  	v2 =	vld [tilespmem:s24+$0x8250]  }
0x43: {  	v1 =	vld [tilespmem:s24+$0x8260]  }
0x44: {  	v0 =	vld [tilespmem:s24+$0x8270]  }
0x45: {  	v12 =	vld [tilespmem:s24+$0x200]  }
0x46: {  	v13 =	vld [tilespmem:s24+$0x210]  }
0x47: {  	v10 =	vld [tilespmem:s24+$0x220]  }
0x48: {  	v9 =	vld [tilespmem:s24+$0x230]  }
0x49: {  	v8 =	vld [tilespmem:s24+$0x240]  }
0x4a: {  	v6 =	vld [tilespmem:s24+$0x250];
	v12 =	vadd.f32 v7, v12  }
0x4b: {  	s25 =	simm.s32 $0x200;
	v11 =	vadd.f32 v11, v13;
	v7 =	vld [tilespmem:s24+$0x260]  }
.LBB2_4:
0x4c: {  	s26 =	sshra.s32 s25, $0x2;
	p1 =	sne.s32 s25, $0xFE00;
	[tilespmem:s24+$0x200] =	vst v12;
	v5 =	vadd.f32 v5, v10;
	v10 =	vld [tilespmem:s24+$0x270]  }
0x4d: {  	v12 =	vld [tilespmem:s26+$0x8200];
	[tilespmem:s24+$0x210] =	vst v11;
	v4 =	vadd.f32 v4, v9  }
0x4e: {  	v11 =	vld [tilespmem:s26+$0x8210];
	[tilespmem:s24+$0x220] =	vst v5;
	v3 =	vadd.f32 v3, v8  }
0x4f: {  	v5 =	vld [tilespmem:s26+$0x8220];
	[tilespmem:s24+$0x230] =	vst v4;
	v2 =	vadd.f32 v2, v6  }
0x50: {  	v4 =	vld [tilespmem:s26+$0x8230];
	[tilespmem:s24+$0x240] =	vst v3;
	v1 =	vadd.f32 v1, v7  }
0x51: {  	v3 =	vld [tilespmem:s26+$0x8240];
	[tilespmem:s24+$0x250] =	vst v2;
	v0 =	vadd.f32 v0, v10  }
0x52: {  	v2 =	vld [tilespmem:s26+$0x8250];
	[tilespmem:s24+$0x260] =	vst v1  }
0x53: {  	v1 =	vld [tilespmem:s26+$0x8260];
	[tilespmem:s24+$0x270] =	vst v0;
	s24 =	smov.u32 s26  }
0x54: {  	v0 =	vld [tilespmem:s24+$0x8270]  }
0x55: {  	v6 =	vld [tilespmem:s24+$0x200]  }
0x56: {  	v7 =	vld [tilespmem:s24+$0x210]  }
.Ltmp5:
0x57: {  	v10 =	vld [tilespmem:s24+$0x220];
	(pc) =	sbr.rel @p1 .LBB2_4-.Ltmp5, $4  }
0x58: {  	v9 =	vld [tilespmem:s24+$0x230]  }
0x59: {  	v8 =	vld [tilespmem:s24+$0x240]  }
0x5a: {  	v12 =	vadd.f32 v12, v6;
	v6 =	vld [tilespmem:s24+$0x250]  }
0x5b: {  	s25 =	sadd.s32 $0x200, s25;
	v11 =	vadd.f32 v11, v7;
	v7 =	vld [tilespmem:s24+$0x260]  }
0x5c: {  	[tilespmem:s24+$0x200] =	vst v12;
	v5 =	vadd.f32 v5, v10;
	v63 =	vld [tilespmem:s24+$0x270]  }
0x5d: {  	[tilespmem:s24+$0x210] =	vst v11;
	v4 =	vadd.f32 v4, v9  }
0x5e: {  	[tilespmem:s24+$0x220] =	vst v5;
	v3 =	vadd.f32 v3, v8  }
0x5f: {  	[tilespmem:s24+$0x230] =	vst v4;
	v2 =	vadd.f32 v2, v6  }
0x60: {  	s23 =	sshll.u32 s23, $0xE;
	[tilespmem:s24+$0x240] =	vst v3;
	v1 =	vadd.f32 v1, v7  }
0x61: {  	s23 =	sadd.s32 s11, s23;
	[tilespmem:s24+$0x250] =	vst v2;
	v0 =	vadd.f32 v0, v63  }
0x62: {  	s23 =	sshrl.u32 s23, $0x3;
	[tilespmem:s24+$0x260] =	vst v1  }
0x63: {  	s23 =	sadd.s32 s7, s23;
	[tilespmem:s24+$0x270] =	vst v0  }
0x64: {  	[hbm4b:s23+s3] =	stream.linear.scatter [tilespmem:s16], [sflag:$0x5], $0x4000, $0x38;
	[tilespmem:$0x10200] =	vst v63  }
0x65: {  	s23 =	simm.s32 @!p0 $0x2  }
0x66: {  	_ =	swait.ge @!p0 [sflag:s23], $0x4000  }
0x67: {  	[sflag:s23] =	ssyncset.done @!p0 $0x0  }
0x68: {  	[sflag:s23] =	ssyncadd.s32 @!p0 $0xFFFFC000;
	s23 =	simm.s32 @!p0 $0x4  }
0x69: {  	p1 =	sgt.u32 s22, $0x4D1;
	_ =	swait.ge @!p0 [sflag:s23], $0x4000  }
.Ltmp6:
0x6a: {  	[sflag:s23] =	ssyncset.done @!p0 $0x0;
	(pc) =	sbr.rel @p1 .LBB2_7-.Ltmp6, $4  }
0x6b: {  	[sflag:s23] =	ssyncadd.s32 @!p0 $0xFFFFC000  }
0x6c: {  	_ =	swait.ge [sflag:s18], $0x4000  }
0x6d: {  	[sflag:s18] =	ssyncset.done $0x0  }
0x6e: {  	[sflag:s18] =	ssyncadd.s32 $0xFFFFC000  }
0x6f: {  	s23 =	sshll.u32 s22, $0x7  }
0x70: {  	s23 =	sadd.s32 $0x800, s23  }
0x71: {  	s23 =	sand.u32 $0x7F400, s23  }
0x72: {  	s23 =	sadd.s32 s10, s23  }
0x73: {  	s23 =	sshrl.u32 s23, $0x3  }
0x74: {  	s24 =	sadd.s32 s5, s23  }
0x75: {  	[tilespmem:s3], [sflag:$0x7] =	stream.linear.gather [hbm4b:s24+s3], $0x80, $0x38;
	[tilespmem:$0x10200] =	vst v63  }
0x76: {  	_ =	swait.ge [sflag:s13], $0x80  }
0x77: {  	[sflag:s13] =	ssyncset.done $0x0  }
0x78: {  	s23 =	sadd.s32 s6, s23;
	[sflag:s13] =	ssyncadd.s32 $0xFFFFFF80  }
0x79: {  	[tilespmem:s14], [sflag:$0x7] =	stream.linear.gather [hbm4b:s23+s3], $0x80, $0x38;
	[tilespmem:$0x10200] =	vst v63  }
0x7a: {  	_ =	swait.ge [sflag:s13], $0x80  }
.Ltmp7:
0x7b: {  	[sflag:s13] =	ssyncset.done $0x0;
	(pc) =	sbr.rel .LBB2_8-.Ltmp7, $4  }
0x7c: {  	[sflag:s13] =	ssyncadd.s32 $0xFFFFFF80  }
0x7d: {  	[tilespmem:s16], [sflag:$0x1] =	stream.indirect.gather [hbm4b:s1+s15], $0x80, s3, s15, $0xb8;
	[tilespmem:$0x10200] =	vst v63  }
0x7e: {  	_ = 	snop  }
0x7f: {  	[tilespmem:s17], [sflag:$0x3] =	stream.indirect.gather [hbm4b:s4+s15], $0x80, s14, s15, $0xb8;
	[tilespmem:$0x10200] =	vst v63  }
.LBB2_7:
.Ltmp8:
0x80: {  	(pc) =	sbr.rel @p0 .LBB2_11-.Ltmp8, $1  }
0x81: {  	_ =	sdelay $0x3  }
.LBB2_8:
0x82: {  	s23 =	simm.s32 $0x0  }
0x83: {  	v7 =	vld [tilespmem:s23+$0xC200]  }
0x84: {  	v11 =	vld [tilespmem:s23+$0xC210]  }
0x85: {  	v5 =	vld [tilespmem:s23+$0xC220]  }
0x86: {  	v4 =	vld [tilespmem:s23+$0xC230]  }
0x87: {  	v3 =	vld [tilespmem:s23+$0xC240]  }
0x88: {  	v2 =	vld [tilespmem:s23+$0xC250]  }
0x89: {  	v1 =	vld [tilespmem:s23+$0xC260]  }
0x8a: {  	v0 =	vld [tilespmem:s23+$0xC270]  }
0x8b: {  	v12 =	vld [tilespmem:s23+$0x4200]  }
0x8c: {  	v13 =	vld [tilespmem:s23+$0x4210]  }
0x8d: {  	v10 =	vld [tilespmem:s23+$0x4220]  }
0x8e: {  	v9 =	vld [tilespmem:s23+$0x4230]  }
0x8f: {  	v8 =	vld [tilespmem:s23+$0x4240]  }
0x90: {  	v6 =	vld [tilespmem:s23+$0x4250];
	v12 =	vadd.f32 v7, v12  }
0x91: {  	s24 =	simm.s32 $0x200;
	v11 =	vadd.f32 v11, v13;
	v7 =	vld [tilespmem:s23+$0x4260]  }
.LBB2_9:
0x92: {  	s25 =	sshra.s32 s24, $0x2;
	p0 =	sne.s32 s24, $0xFE00;
	[tilespmem:s23+$0x4200] =	vst v12;
	v5 =	vadd.f32 v5, v10;
	v10 =	vld [tilespmem:s23+$0x4270]  }
0x93: {  	v12 =	vld [tilespmem:s25+$0xC200];
	[tilespmem:s23+$0x4210] =	vst v11;
	v4 =	vadd.f32 v4, v9  }
0x94: {  	v11 =	vld [tilespmem:s25+$0xC210];
	[tilespmem:s23+$0x4220] =	vst v5;
	v3 =	vadd.f32 v3, v8  }
0x95: {  	v5 =	vld [tilespmem:s25+$0xC220];
	[tilespmem:s23+$0x4230] =	vst v4;
	v2 =	vadd.f32 v2, v6  }
0x96: {  	v4 =	vld [tilespmem:s25+$0xC230];
	[tilespmem:s23+$0x4240] =	vst v3;
	v1 =	vadd.f32 v1, v7  }
0x97: {  	v3 =	vld [tilespmem:s25+$0xC240];
	[tilespmem:s23+$0x4250] =	vst v2;
	v0 =	vadd.f32 v0, v10  }
0x98: {  	v2 =	vld [tilespmem:s25+$0xC250];
	[tilespmem:s23+$0x4260] =	vst v1  }
0x99: {  	v1 =	vld [tilespmem:s25+$0xC260];
	[tilespmem:s23+$0x4270] =	vst v0;
	s23 =	smov.u32 s25  }
0x9a: {  	v0 =	vld [tilespmem:s23+$0xC270]  }
0x9b: {  	v6 =	vld [tilespmem:s23+$0x4200]  }
0x9c: {  	v7 =	vld [tilespmem:s23+$0x4210]  }
.Ltmp9:
0x9d: {  	v10 =	vld [tilespmem:s23+$0x4220];
	(pc) =	sbr.rel @p0 .LBB2_9-.Ltmp9, $4  }
0x9e: {  	v9 =	vld [tilespmem:s23+$0x4230]  }
0x9f: {  	v8 =	vld [tilespmem:s23+$0x4240]  }
0xa0: {  	v12 =	vadd.f32 v12, v6;
	v6 =	vld [tilespmem:s23+$0x4250]  }
0xa1: {  	s24 =	sadd.s32 $0x200, s24;
	v11 =	vadd.f32 v11, v7;
	v7 =	vld [tilespmem:s23+$0x4260]  }
0xa2: {  	[tilespmem:s23+$0x4200] =	vst v12;
	v5 =	vadd.f32 v5, v10;
	v63 =	vld [tilespmem:s23+$0x4270]  }
0xa3: {  	[tilespmem:s23+$0x4210] =	vst v11;
	v4 =	vadd.f32 v4, v9  }
0xa4: {  	[tilespmem:s23+$0x4220] =	vst v5;
	v3 =	vadd.f32 v3, v8  }
0xa5: {  	[tilespmem:s23+$0x4230] =	vst v4;
	v2 =	vadd.f32 v2, v6  }
.Ltmp10:
0xa6: {  	s22 =	sshll.u32 s22, $0xE;
	[tilespmem:s23+$0x4240] =	vst v3;
	v1 =	vadd.f32 v1, v7;
	(pc) =	sbr.rel .LBB2_11-.Ltmp10, $4  }
0xa7: {  	s22 =	sadd.s32 s11, s22;
	[tilespmem:s23+$0x4250] =	vst v2;
	v0 =	vadd.f32 v0, v63  }
0xa8: {  	s22 =	sshrl.u32 s22, $0x3;
	[tilespmem:s23+$0x4260] =	vst v1  }
0xa9: {  	s22 =	sadd.s32 s7, s22;
	[tilespmem:s23+$0x4270] =	vst v0  }
0xaa: {  	[hbm4b:s22+s3] =	stream.linear.scatter [tilespmem:s19], [sflag:$0x6], $0x4000, $0x38;
	[tilespmem:$0x10200] =	vst v63  }
.LBB2_13:
0xab: {  	_ =	sfence.sel $0x180000  }
0xac: {  	[bflag:$0x0] =	sbarrier.arrive $0xFFFF  }
0xad: {  	p0 =	sne.s32 s2, $0x0;
	_ =	strace $0x9000004A  }
0xae: {  	s0 =	sadd.s32 @!p0 $0x100000, s0;
	[bflag:$0x2] =	sbarrier.arrive $0xFFFF  }
0xaf: {  	[sflag:s0] =	ssyncadd.tile.s32 @!p0 $0x1;
	_ =	shalt  }
.Lfunc_end2:
_tile_overlayer_lowered:
.L_overlay_start_2:
0xb0: {  	(tag) =	ssettag $0x2  }
0xb1: {  	s0 =	rddreg [dreg:$0x0];
	s2 =	stileid.u32  }
0xb2: {  	s1 =	rddreg [dreg:$0x1];
	p0 =	sne.s32 s2, $0x0  }
0xb3: {  	s3 =	rddreg [dreg:$0x2];
	[bflag:$0x3] =	sbarrier.arrive $0xFFFF;
	s2 =	simm.s32 @!p0 $0x1C07  }
0xb4: {  	[timem:s3], [sflag:s2] =	dma.local @!p0 [hbm:s0], s1  }
0xb5: {  	s0 =	simm.s32 @!p0 $0x7  }
0xb6: {  	_ =	swait.ge @!p0 [sflag:s0], s1  }
0xb7: {  	s1 =	ssub.s32 @!p0 $0x0, s1;
	[sflag:s0] =	ssyncset.done @!p0 $0x0  }
0xb8: {  	[sflag:s0] =	ssyncadd.s32 @!p0 s1  }
0xb9: {  	[bflag:$0x3] =	sbarrier.arrive $0xFFFF  }
0xba: {  	_ =	shalt  }

</sc_bundles>
